<compile_context>
chip_gen: v7x
topology: tpu7x:2x2x1
jax: 0.10.2.dev20260603
libtpu: 0.0.44.dev20260713+nightly
codegen_flags: <defaults>
</compile_context>

<pallas_src>
import functools

import jax
import jax.numpy as jnp
from jax import lax
from jax.experimental import pallas as pl
from jax.experimental.pallas import tpu as pltpu
from jax.experimental.pallas import tpu_sc as plsc

_N = 10000
_E = 320000
_NG = 256
_DF = 128
_H = 64
_NC = 2
_NS = 16
_NW = _NC * _NS
_NPAD = 10240
_RPW = _NPAD // _NW
_ETOT = _E + _N
_GSZ = 128
_NGRP = 88
_EPW = _NGRP * _GSZ
_EPAD = _NW * _EPW
_DUMMY = _N
_DG = _NG
_PG = 320

_mesh = plsc.VectorSubcoreMesh(core_axis_name="c", subcore_axis_name="s")
_sc_params = pltpu.CompilerParams(use_tc_tiling_on_sc=False)


def _zero_2d(ref):
    def body(i, _):
        ref[i >> 2, pl.ds((i & 3) * 16, 16)] = jnp.zeros((16,), jnp.float32)
        return 0
    lax.fori_loop(0, 512, body, 0)


def _fill_1d(ref, n16, val):
    def body(i, _):
        ref[pl.ds(i * 16, 16)] = jnp.full((16,), val, jnp.float32)
        return 0
    lax.fori_loop(0, n16, body, 0)


@functools.partial(
    pl.kernel,
    out_type=[
        jax.ShapeDtypeStruct((_NC, _NPAD), jnp.float32),
        jax.ShapeDtypeStruct((_NC, _PG), jnp.float32),
    ],
    mesh=_mesh,
    compiler_params=_sc_params,
    scratch_types=[
        pltpu.VMEM((_EPW // 128, 128), jnp.int32),
        pltpu.VMEM((5, 64), jnp.int32),
        pltpu.VMEM((128,), jnp.float32),
        pltpu.VMEM((640,), jnp.float32),
        pltpu.VMEM_SHARED((_NPAD,), jnp.float32),
        pltpu.VMEM_SHARED((_PG,), jnp.float32),
    ],
)
def _sc_deg_cnt(dstc, b3, deg_out, cnt_out, dsti, bi, ones_v, zv, deg_sh, cnt_sh):
    cid = lax.axis_index("c")
    sid = lax.axis_index("s")
    wid = cid * _NS + sid
    _fill_1d(zv, 40, 0.0)
    _fill_1d(ones_v, 8, 1.0)
    pltpu.sync_copy(zv, deg_sh.at[pl.ds(sid * 640, 640)])

    @pl.when(sid == 0)
    def _():
        pltpu.sync_copy(zv.at[pl.ds(0, _PG)], cnt_sh)

    plsc.subcore_barrier()
    pltpu.sync_copy(dstc.at[wid], dsti)
    pltpu.sync_copy(b3.at[wid], bi)

    def body(j, _):
        pltpu.sync_copy(ones_v, deg_sh.at[dsti.at[j]], add=True)
        return 0
    lax.fori_loop(0, _EPW // 128, body, 0)
    for k in range(5):
        pltpu.sync_copy(ones_v.at[pl.ds(0, 64)], cnt_sh.at[bi.at[k]], add=True)
    plsc.subcore_barrier()
    pltpu.sync_copy(deg_sh.at[pl.ds(sid * 640, 640)],
                    deg_out.at[cid, pl.ds(sid * 640, 640)])

    @pl.when(sid == 0)
    def _():
        pltpu.sync_copy(cnt_sh, cnt_out.at[cid])


@functools.partial(
    pl.kernel,
    out_type=jax.ShapeDtypeStruct((_NC, _NPAD, _H), jnp.float32),
    mesh=_mesh,
    compiler_params=_sc_params,
    scratch_types=[
        pltpu.VMEM((_NGRP, _GSZ), jnp.int32),
        pltpu.VMEM((_NGRP, _GSZ), jnp.int32),
        pltpu.VMEM((_GSZ, _H), jnp.float32),
        pltpu.VMEM_SHARED((_NPAD, _H), jnp.float32),
    ],
)
def _sc_agg(hw, src2, dst3, out, srci, dsti, buf_a, acc_sh):
    cid = lax.axis_index("c")
    sid = lax.axis_index("s")
    wid = cid * _NS + sid

    def zbody(i, _):
        buf_a[i >> 2, pl.ds((i & 3) * 16, 16)] = jnp.zeros((16,), jnp.float32)
        return 0
    lax.fori_loop(0, _GSZ * 4, zbody, 0)
    for k in range(5):
        pltpu.sync_copy(buf_a, acc_sh.at[pl.ds(sid * 640 + k * _GSZ, _GSZ)])
    plsc.subcore_barrier()
    pltpu.sync_copy(src2.at[wid], srci)
    pltpu.sync_copy(dst3.at[wid], dsti)

    def body(j, _):
        pltpu.sync_copy(hw.at[srci.at[j]], buf_a)
        pltpu.sync_copy(buf_a, acc_sh.at[dsti.at[j]], add=True)
        return 0
    lax.fori_loop(0, _NGRP, body, 0)
    plsc.subcore_barrier()
    pltpu.sync_copy(acc_sh.at[pl.ds(sid * 640, 640)],
                    out.at[cid, pl.ds(sid * 640, 640)])


@functools.partial(
    pl.kernel,
    out_type=jax.ShapeDtypeStruct((_NC, _PG, _H), jnp.float32),
    mesh=_mesh,
    compiler_params=_sc_params,
    scratch_types=[
        pltpu.VMEM((5, 64), jnp.int32),
        pltpu.VMEM((_RPW, _H), jnp.float32),
        pltpu.VMEM((128, _H), jnp.float32),
        pltpu.VMEM_SHARED((_PG, _H), jnp.float32),
    ],
)
def _sc_pool(h2, b3, out, bi, hrows, zr, pool_sh):
    cid = lax.axis_index("c")
    sid = lax.axis_index("s")
    wid = cid * _NS + sid
    _zero_2d(zr)

    @pl.when(sid == 0)
    def _():
        pltpu.sync_copy(zr, pool_sh.at[pl.ds(0, 128)])
        pltpu.sync_copy(zr, pool_sh.at[pl.ds(128, 128)])
        pltpu.sync_copy(zr.at[pl.ds(0, 64)], pool_sh.at[pl.ds(256, 64)])

    plsc.subcore_barrier()
    pltpu.sync_copy(b3.at[wid], bi)
    pltpu.sync_copy(h2.at[pl.ds(wid * _RPW, _RPW)], hrows)
    for k in range(5):
        pltpu.sync_copy(hrows.at[pl.ds(k * 64, 64)], pool_sh.at[bi.at[k]], add=True)
    plsc.subcore_barrier()

    @pl.when(sid == 0)
    def _():
        pltpu.sync_copy(pool_sh, out.at[cid])


def _tc1_body(x_ref, w_ref, degp_ref, hw_ref, dinv_ref):
    deg = degp_ref[0, :] + degp_ref[1, :]
    dinv = lax.rsqrt(jnp.maximum(deg, 1.0))
    dinv_ref[0, :] = dinv
    hw = jnp.dot(x_ref[...], w_ref[...], preferred_element_type=jnp.float32)
    hw_ref[...] = hw * dinv[:, None]


_tc1 = pl.pallas_call(
    _tc1_body,
    out_shape=[
        jax.ShapeDtypeStruct((_NPAD, _H), jnp.float32),
        jax.ShapeDtypeStruct((1, _NPAD), jnp.float32),
    ],
)


def _tc_mid_body(with_hs, *refs):
    if with_hs:
        pp_ref, dinv_ref, hs_ref, w_ref, sw_ref, c_ref, sc_ref, hw_ref, hsout_ref = refs
    else:
        pp_ref, dinv_ref, w_ref, sw_ref, c_ref, sc_ref, hw_ref, hsout_ref = refs
        hs_ref = None
    dinv = dinv_ref[0, :]
    h = jnp.maximum(dinv[:, None] * (pp_ref[0] + pp_ref[1]) + c_ref[0, :], 0.0)
    if hs_ref is not None:
        h = h + hs_ref[...]
    hw = jnp.dot(h, w_ref[...], preferred_element_type=jnp.float32)
    hw_ref[...] = hw * dinv[:, None]
    hsout_ref[...] = jnp.dot(h, sw_ref[...], preferred_element_type=jnp.float32) + sc_ref[0, :]


_tc_mid_shapes = [
    jax.ShapeDtypeStruct((_NPAD, _H), jnp.float32),
    jax.ShapeDtypeStruct((_NPAD, _H), jnp.float32),
]
_tc2 = pl.pallas_call(functools.partial(_tc_mid_body, False), out_shape=_tc_mid_shapes)
_tc3 = pl.pallas_call(functools.partial(_tc_mid_body, True), out_shape=_tc_mid_shapes)


def _tc4_body(pp_ref, dinv_ref, hs_ref, c_ref, h2_ref):
    dinv = dinv_ref[0, :]
    h2_ref[...] = (
        jnp.maximum(dinv[:, None] * (pp_ref[0] + pp_ref[1]) + c_ref[0, :], 0.0)
        + hs_ref[...]
    )


_tc4 = pl.pallas_call(
    _tc4_body, out_shape=jax.ShapeDtypeStruct((_NPAD, _H), jnp.float32))


def _tc5_body(poolp_ref, cntp_ref, l1w_ref, l1c_ref, l2w_ref, l2c_ref, out_ref):
    sums = poolp_ref[0] + poolp_ref[1]
    cnt = cntp_ref[0, :] + cntp_ref[1, :]
    pooled = sums[: _NG] / jnp.maximum(cnt[: _NG], 1.0)[:, None]
    z = jnp.maximum(
        jnp.dot(pooled, l1w_ref[...], preferred_element_type=jnp.float32)
        + l1c_ref[0, :], 0.0)
    out_ref[...] = (
        jnp.dot(z, l2w_ref[...], preferred_element_type=jnp.float32) + l2c_ref[0, :])


_tc5 = pl.pallas_call(
    _tc5_body, out_shape=jax.ShapeDtypeStruct((_NG, 1), jnp.float32))


def kernel(x, e_idx, b, W0, c0, W1, c1, W2, c2, S0w, S0c, S1w, S1c, L1w, L1c, L2w, L2c):
    loop = jnp.arange(_N, dtype=jnp.int32)
    pad = jnp.full((_EPAD - _ETOT,), _DUMMY, jnp.int32)
    src2 = jnp.concatenate([e_idx[0], loop, pad]).reshape(_NW, _NGRP, _GSZ)
    dst_flat = jnp.concatenate([e_idx[1], loop, pad])
    dst3 = dst_flat.reshape(_NW, _NGRP, _GSZ)
    dstc = dst_flat.reshape(_NW, _EPW // 128, 128)
    xp = jnp.concatenate([x, jnp.zeros((_NPAD - _N, _DF), jnp.float32)])
    b3 = jnp.concatenate([b, jnp.full((_NPAD - _N,), _DG, jnp.int32)]).reshape(
        _NW, 5, 64)

    degp, cntp = _sc_deg_cnt(dstc, b3)
    hw0, dinv = _tc1(xp, W0, degp)
    p0 = _sc_agg(hw0, src2, dst3)
    hw1, hs0 = _tc2(p0, dinv, W1, S0w, c0.reshape(1, _H), S0c.reshape(1, _H))
    p1 = _sc_agg(hw1, src2, dst3)
    hw2, hs1 = _tc3(p1, dinv, hs0, W2, S1w, c1.reshape(1, _H), S1c.reshape(1, _H))
    p2 = _sc_agg(hw2, src2, dst3)
    h2 = _tc4(p2, dinv, hs1, c2.reshape(1, _H))
    poolp = _sc_pool(h2, b3)
    return _tc5(poolp, cntp, L1w, L1c.reshape(1, _H // 2), L2w, L2c.reshape(1, 1))

# --- scband reference (transcript-rebuilt; emitter-appended) ---
"""Pipeline reference for scband-lipophilicity-gnn-730144440677 (READ-ONLY COPY).

The authoritative reference and input builder live on the scoring server;
editing this copy changes nothing except your own understanding.
"""

import jax, jax.numpy as jnp
import numpy as np

N = 10000
E = 320000
NG = 256
DF = 128
H = 64


def setup_inputs(seed: int = 0) -> dict:
    key = jax.random.key(seed)
    ks = jax.random.split(key, 20)
    x = jax.random.normal(ks[0], (N, DF), dtype=jnp.float32)
    e_idx = jax.random.randint(ks[1], (2, E), 0, N, dtype=jnp.int32)
    b = jnp.sort(jax.random.randint(ks[2], (N,), 0, NG, dtype=jnp.int32))
    def lin(k, fin, fout):
        return jax.random.normal(k, (fin, fout), dtype=jnp.float32) * (1.0 / np.sqrt(fin))
    inp = {
        "x": x, "e_idx": e_idx, "b": b,
        "W0": lin(ks[3], DF, H), "c0": jnp.zeros((H,), jnp.float32),
        "W1": lin(ks[4], H, H), "c1": jnp.zeros((H,), jnp.float32),
        "W2": lin(ks[5], H, H), "c2": jnp.zeros((H,), jnp.float32),
        "S0w": lin(ks[6], H, H), "S0c": jnp.zeros((H,), jnp.float32),
        "S1w": lin(ks[7], H, H), "S1c": jnp.zeros((H,), jnp.float32),
        "L1w": lin(ks[8], H, H // 2), "L1c": jnp.zeros((H // 2,), jnp.float32),
        "L2w": lin(ks[9], H // 2, 1), "L2c": jnp.zeros((1,), jnp.float32),
    }
    return inp


def reference(x, e_idx, b, W0, c0, W1, c1, W2, c2, S0w, S0c, S1w, S1c, L1w, L1c, L2w, L2c):
    # Eval mode: dropout is identity.
    Nn = x.shape[0]
    loop = jnp.arange(Nn, dtype=e_idx.dtype)
    src = jnp.concatenate([e_idx[0], loop])  # self-loops added (GCNConv default)
    dst = jnp.concatenate([e_idx[1], loop])
    deg = jax.ops.segment_sum(jnp.ones_like(src, dtype=x.dtype), dst, num_segments=Nn)
    dinv = jnp.where(deg > 0, jax.lax.rsqrt(jnp.maximum(deg, 1e-12)), 0.0)
    norm = (dinv[src] * dinv[dst])[:, None]

    def gcn(h, W, c):
        hw = h @ W
        msg = hw[src] * norm
        return jax.ops.segment_sum(msg, dst, num_segments=Nn) + c

    h = jax.nn.relu(gcn(x, W0, c0))
    for (W, c, Sw, Sc) in ((W1, c1, S0w, S0c), (W2, c2, S1w, S1c)):
        h_n = jax.nn.relu(gcn(h, W, c))
        h_s = h @ Sw + Sc
        h = h_n + h_s
    # global_mean_pool over batch vector b
    sums = jax.ops.segment_sum(h, b, num_segments=NG)
    cnt = jax.ops.segment_sum(jnp.ones((Nn,), x.dtype), b, num_segments=NG)
    pooled = sums / jnp.maximum(cnt, 1.0)[:, None]
    h = jax.nn.relu(pooled @ L1w + L1c)
    return h @ L2w + L2c

if __name__ == "__main__":
    import jax
    _d = setup_inputs()
    print(jax.jit(kernel)(*tuple(_d.values())))

</pallas_src>

<mosaic_0001>
#map = affine_map<(d0, d1) -> (0, 0)>
#map1 = affine_map<(d0, d1) -> (0, 0, 0)>
module attributes {stable_mosaic.version = 14 : i64} {
  func.func @_sc_agg(%arg0: i32, %arg1: i32, %arg2: memref<10240x64xf32, #tpu.memory_space<hbm>>, %arg3: memref<32x88x128xi32, #tpu.memory_space<hbm>>, %arg4: memref<32x88x128xi32, #tpu.memory_space<hbm>>, %arg5: memref<2x10240x64xf32, #tpu.memory_space<hbm>>, %arg6: memref<88x128xi32, #tpu.memory_space<vmem>>, %arg7: memref<88x128xi32, #tpu.memory_space<vmem>>, %arg8: memref<128x64xf32, #tpu.memory_space<vmem>>, %arg9: memref<10240x64xf32, #tpu.memory_space<vmem_shared>>) attributes {dimension_semantics = [#tpu.dimension_semantics<core_parallel>, #tpu.dimension_semantics<subcore_parallel>], iteration_bounds = array<i64: 2, 16>, scalar_prefetch = 0 : i64, scratch_operands = 4 : i64, tpu.core_type = #tpu.core_type<sc_vector_subcore>, window_params = [{transform_indices = #map}, {transform_indices = #map1}, {transform_indices = #map1}, {transform_indices = #map1}]} {
    %mul3A = arith.constant 16 : i32
    %mul3A_0 = arith.muli %arg0, %mul3A : i32
    %add3A = arith.addi %mul3A_0, %arg1 : i32
    %scan3A = arith.constant 0 : i32
    %scan3A_1 = arith.constant 0 : i32
    %scan3A_2 = arith.constant 512 : i32
    %scan3A_3 = arith.addi %scan3A_1, %scan3A_2 : i32
    %scan3A_4 = arith.constant 1 : i32
    %scan3A_5 = scf.for %scan3A_39 = %scan3A_1 to %scan3A_3 step %scan3A_4 iter_args(%scan3A_40 = %scan3A) -> (i32)  : i32 {
      %broadcast_in_dim3A = arith.constant 0.000000e+00 : f32
      %broadcast_in_dim3A_41 = vector.broadcast %broadcast_in_dim3A : f32 to vector<16xf32>
      %shift_right_arithmetic3A = arith.constant 2 : i32
      %shift_right_arithmetic3A_42 = arith.shrsi %scan3A_39, %shift_right_arithmetic3A : i32
      %and3A = arith.constant 3 : i32
      %and3A_43 = arith.andi %scan3A_39, %and3A : i32
      %mul3A_44 = arith.constant 16 : i32
      %mul3A_45 = arith.muli %and3A_43, %mul3A_44 : i32
      %swap3A = arith.index_cast %shift_right_arithmetic3A_42 : i32 to index
      %swap3A_46 = arith.index_cast %mul3A_45 : i32 to index
      %swap3A_47 = tpu.vector_load %arg8[%swap3A, %swap3A_46] {strides = array<i32>} : memref<128x64xf32, #tpu.memory_space<vmem>>, vector<1x16xf32>,
      %swap3A_48 = vector.shape_cast %swap3A_47 : vector<1x16xf32> to vector<16xf32>
      %swap3A_49 = vector.shape_cast %broadcast_in_dim3A_41 : vector<16xf32> to vector<1x16xf32>
      tpu.vector_store %arg8[%swap3A, %swap3A_46], %swap3A_49 {strides = array<i32>} : memref<128x64xf32, #tpu.memory_space<vmem>>, vector<1x16xf32>,
      %scan3A_50 = arith.constant 0 : i32
      scf.yield %scan3A_50 : i32
    }
    %scan3A_6 = arith.constant 512 : i32
    %mul3A_7 = arith.constant 640 : i32
    %mul3A_8 = arith.muli %arg1, %mul3A_7 : i32
    %add3A_9 = arith.constant 0 : i32
    %add3A_10 = arith.addi %mul3A_8, %add3A_9 : i32
    "tpu.region"() ({
      %run_scoped3A = tpu.sem_alloc : memref<!tpu.dma_semaphore, #tpu.memory_space<semaphore_mem>>
      %dma_start3A = arith.constant 0 : i32
      %dma_start3A_39 = tpu.memref_slice %arg9[%add3A_10, %dma_start3A] : memref<10240x64xf32, #tpu.memory_space<vmem_shared>> -> memref<128x64xf32, #tpu.memory_space<vmem_shared>>
      %dma_start3A_40 = arith.constant 0 : i32
      %dma_start3A_41 = tpu.memref_slice %arg9[%add3A_10, %dma_start3A_40] : memref<10240x64xf32, #tpu.memory_space<vmem_shared>> -> memref<128x64xf32, #tpu.memory_space<vmem_shared>>
      tpu.enqueue_dma source(%arg8 : memref<128x64xf32, #tpu.memory_space<vmem>>) target(%dma_start3A_41 : memref<128x64xf32, #tpu.memory_space<vmem_shared>>) target_semaphore(%run_scoped3A : memref<!tpu.dma_semaphore, #tpu.memory_space<semaphore_mem>>)
      %dma_wait3A = arith.constant 0 : i32
      %dma_wait3A_42 = tpu.memref_slice %arg9[%add3A_10, %dma_wait3A] : memref<10240x64xf32, #tpu.memory_space<vmem_shared>> -> memref<128x64xf32, #tpu.memory_space<vmem_shared>>
      %dma_wait3A_43 = arith.constant 0 : i32
      %dma_wait3A_44 = tpu.memref_slice %arg9[%add3A_10, %dma_wait3A_43] : memref<10240x64xf32, #tpu.memory_space<vmem_shared>> -> memref<128x64xf32, #tpu.memory_space<vmem_shared>>
      tpu.wait_dma2 semaphore(%run_scoped3A : memref<!tpu.dma_semaphore, #tpu.memory_space<semaphore_mem>>) src(%arg8 : memref<128x64xf32, #tpu.memory_space<vmem>>) dst(%dma_wait3A_44 : memref<128x64xf32, #tpu.memory_space<vmem_shared>>)
      tpu.yield
    }) : () -> ()
    %mul3A_11 = arith.constant 640 : i32
    %mul3A_12 = arith.muli %arg1, %mul3A_11 : i32
    %add3A_13 = arith.constant 128 : i32
    %add3A_14 = arith.addi %mul3A_12, %add3A_13 : i32
    "tpu.region"() ({
      %run_scoped3A = tpu.sem_alloc : memref<!tpu.dma_semaphore, #tpu.memory_space<semaphore_mem>>
      %dma_start3A = arith.constant 0 : i32
      %dma_start3A_39 = tpu.memref_slice %arg9[%add3A_14, %dma_start3A] : memref<10240x64xf32, #tpu.memory_space<vmem_shared>> -> memref<128x64xf32, #tpu.memory_space<vmem_shared>>
      %dma_start3A_40 = arith.constant 0 : i32
      %dma_start3A_41 = tpu.memref_slice %arg9[%add3A_14, %dma_start3A_40] : memref<10240x64xf32, #tpu.memory_space<vmem_shared>> -> memref<128x64xf32, #tpu.memory_space<vmem_shared>>
      tpu.enqueue_dma source(%arg8 : memref<128x64xf32, #tpu.memory_space<vmem>>) target(%dma_start3A_41 : memref<128x64xf32, #tpu.memory_space<vmem_shared>>) target_semaphore(%run_scoped3A : memref<!tpu.dma_semaphore, #tpu.memory_space<semaphore_mem>>)
      %dma_wait3A = arith.constant 0 : i32
      %dma_wait3A_42 = tpu.memref_slice %arg9[%add3A_14, %dma_wait3A] : memref<10240x64xf32, #tpu.memory_space<vmem_shared>> -> memref<128x64xf32, #tpu.memory_space<vmem_shared>>
      %dma_wait3A_43 = arith.constant 0 : i32
      %dma_wait3A_44 = tpu.memref_slice %arg9[%add3A_14, %dma_wait3A_43] : memref<10240x64xf32, #tpu.memory_space<vmem_shared>> -> memref<128x64xf32, #tpu.memory_space<vmem_shared>>
      tpu.wait_dma2 semaphore(%run_scoped3A : memref<!tpu.dma_semaphore, #tpu.memory_space<semaphore_mem>>) src(%arg8 : memref<128x64xf32, #tpu.memory_space<vmem>>) dst(%dma_wait3A_44 : memref<128x64xf32, #tpu.memory_space<vmem_shared>>)
      tpu.yield
    }) : () -> ()
    %mul3A_15 = arith.constant 640 : i32
    %mul3A_16 = arith.muli %arg1, %mul3A_15 : i32
    %add3A_17 = arith.constant 256 : i32
    %add3A_18 = arith.addi %mul3A_16, %add3A_17 : i32
    "tpu.region"() ({
      %run_scoped3A = tpu.sem_alloc : memref<!tpu.dma_semaphore, #tpu.memory_space<semaphore_mem>>
      %dma_start3A = arith.constant 0 : i32
      %dma_start3A_39 = tpu.memref_slice %arg9[%add3A_18, %dma_start3A] : memref<10240x64xf32, #tpu.memory_space<vmem_shared>> -> memref<128x64xf32, #tpu.memory_space<vmem_shared>>
      %dma_start3A_40 = arith.constant 0 : i32
      %dma_start3A_41 = tpu.memref_slice %arg9[%add3A_18, %dma_start3A_40] : memref<10240x64xf32, #tpu.memory_space<vmem_shared>> -> memref<128x64xf32, #tpu.memory_space<vmem_shared>>
      tpu.enqueue_dma source(%arg8 : memref<128x64xf32, #tpu.memory_space<vmem>>) target(%dma_start3A_41 : memref<128x64xf32, #tpu.memory_space<vmem_shared>>) target_semaphore(%run_scoped3A : memref<!tpu.dma_semaphore, #tpu.memory_space<semaphore_mem>>)
      %dma_wait3A = arith.constant 0 : i32
      %dma_wait3A_42 = tpu.memref_slice %arg9[%add3A_18, %dma_wait3A] : memref<10240x64xf32, #tpu.memory_space<vmem_shared>> -> memref<128x64xf32, #tpu.memory_space<vmem_shared>>
      %dma_wait3A_43 = arith.constant 0 : i32
      %dma_wait3A_44 = tpu.memref_slice %arg9[%add3A_18, %dma_wait3A_43] : memref<10240x64xf32, #tpu.memory_space<vmem_shared>> -> memref<128x64xf32, #tpu.memory_space<vmem_shared>>
      tpu.wait_dma2 semaphore(%run_scoped3A : memref<!tpu.dma_semaphore, #tpu.memory_space<semaphore_mem>>) src(%arg8 : memref<128x64xf32, #tpu.memory_space<vmem>>) dst(%dma_wait3A_44 : memref<128x64xf32, #tpu.memory_space<vmem_shared>>)
      tpu.yield
    }) : () -> ()
    %mul3A_19 = arith.constant 640 : i32
    %mul3A_20 = arith.muli %arg1, %mul3A_19 : i32
    %add3A_21 = arith.constant 384 : i32
    %add3A_22 = arith.addi %mul3A_20, %add3A_21 : i32
    "tpu.region"() ({
      %run_scoped3A = tpu.sem_alloc : memref<!tpu.dma_semaphore, #tpu.memory_space<semaphore_mem>>
      %dma_start3A = arith.constant 0 : i32
      %dma_start3A_39 = tpu.memref_slice %arg9[%add3A_22, %dma_start3A] : memref<10240x64xf32, #tpu.memory_space<vmem_shared>> -> memref<128x64xf32, #tpu.memory_space<vmem_shared>>
      %dma_start3A_40 = arith.constant 0 : i32
      %dma_start3A_41 = tpu.memref_slice %arg9[%add3A_22, %dma_start3A_40] : memref<10240x64xf32, #tpu.memory_space<vmem_shared>> -> memref<128x64xf32, #tpu.memory_space<vmem_shared>>
      tpu.enqueue_dma source(%arg8 : memref<128x64xf32, #tpu.memory_space<vmem>>) target(%dma_start3A_41 : memref<128x64xf32, #tpu.memory_space<vmem_shared>>) target_semaphore(%run_scoped3A : memref<!tpu.dma_semaphore, #tpu.memory_space<semaphore_mem>>)
      %dma_wait3A = arith.constant 0 : i32
      %dma_wait3A_42 = tpu.memref_slice %arg9[%add3A_22, %dma_wait3A] : memref<10240x64xf32, #tpu.memory_space<vmem_shared>> -> memref<128x64xf32, #tpu.memory_space<vmem_shared>>
      %dma_wait3A_43 = arith.constant 0 : i32
      %dma_wait3A_44 = tpu.memref_slice %arg9[%add3A_22, %dma_wait3A_43] : memref<10240x64xf32, #tpu.memory_space<vmem_shared>> -> memref<128x64xf32, #tpu.memory_space<vmem_shared>>
      tpu.wait_dma2 semaphore(%run_scoped3A : memref<!tpu.dma_semaphore, #tpu.memory_space<semaphore_mem>>) src(%arg8 : memref<128x64xf32, #tpu.memory_space<vmem>>) dst(%dma_wait3A_44 : memref<128x64xf32, #tpu.memory_space<vmem_shared>>)
      tpu.yield
    }) : () -> ()
    %mul3A_23 = arith.constant 640 : i32
    %mul3A_24 = arith.muli %arg1, %mul3A_23 : i32
    %add3A_25 = arith.constant 512 : i32
    %add3A_26 = arith.addi %mul3A_24, %add3A_25 : i32
    "tpu.region"() ({
      %run_scoped3A = tpu.sem_alloc : memref<!tpu.dma_semaphore, #tpu.memory_space<semaphore_mem>>
      %dma_start3A = arith.constant 0 : i32
      %dma_start3A_39 = tpu.memref_slice %arg9[%add3A_26, %dma_start3A] : memref<10240x64xf32, #tpu.memory_space<vmem_shared>> -> memref<128x64xf32, #tpu.memory_space<vmem_shared>>
      %dma_start3A_40 = arith.constant 0 : i32
      %dma_start3A_41 = tpu.memref_slice %arg9[%add3A_26, %dma_start3A_40] : memref<10240x64xf32, #tpu.memory_space<vmem_shared>> -> memref<128x64xf32, #tpu.memory_space<vmem_shared>>
      tpu.enqueue_dma source(%arg8 : memref<128x64xf32, #tpu.memory_space<vmem>>) target(%dma_start3A_41 : memref<128x64xf32, #tpu.memory_space<vmem_shared>>) target_semaphore(%run_scoped3A : memref<!tpu.dma_semaphore, #tpu.memory_space<semaphore_mem>>)
      %dma_wait3A = arith.constant 0 : i32
      %dma_wait3A_42 = tpu.memref_slice %arg9[%add3A_26, %dma_wait3A] : memref<10240x64xf32, #tpu.memory_space<vmem_shared>> -> memref<128x64xf32, #tpu.memory_space<vmem_shared>>
      %dma_wait3A_43 = arith.constant 0 : i32
      %dma_wait3A_44 = tpu.memref_slice %arg9[%add3A_26, %dma_wait3A_43] : memref<10240x64xf32, #tpu.memory_space<vmem_shared>> -> memref<128x64xf32, #tpu.memory_space<vmem_shared>>
      tpu.wait_dma2 semaphore(%run_scoped3A : memref<!tpu.dma_semaphore, #tpu.memory_space<semaphore_mem>>) src(%arg8 : memref<128x64xf32, #tpu.memory_space<vmem>>) dst(%dma_wait3A_44 : memref<128x64xf32, #tpu.memory_space<vmem_shared>>)
      tpu.yield
    }) : () -> ()
    %barrier3A = arith.constant 0 : index
    tpu.barrier barrier_id(%barrier3A)
    "tpu.region"() ({
      %run_scoped3A = tpu.sem_alloc : memref<!tpu.dma_semaphore, #tpu.memory_space<semaphore_mem>>
      %dma_start3A = arith.constant 0 : i32
      %dma_start3A_39 = arith.constant 0 : i32
      %dma_start3A_40 = tpu.memref_slice %arg3[%add3A, %dma_start3A, %dma_start3A_39] : memref<32x88x128xi32, #tpu.memory_space<hbm>> -> memref<1x88x128xi32, #tpu.memory_space<hbm>>
      %dma_start3A_41 = tpu.memref_squeeze %dma_start3A_40 : memref<1x88x128xi32, #tpu.memory_space<hbm>> -> memref<88x128xi32, #tpu.memory_space<hbm>>
      %dma_start3A_42 = arith.constant 0 : i32
      %dma_start3A_43 = arith.constant 0 : i32
      %dma_start3A_44 = tpu.memref_slice %arg3[%add3A, %dma_start3A_42, %dma_start3A_43] : memref<32x88x128xi32, #tpu.memory_space<hbm>> -> memref<1x88x128xi32, #tpu.memory_space<hbm>>
      %dma_start3A_45 = tpu.memref_squeeze %dma_start3A_44 : memref<1x88x128xi32, #tpu.memory_space<hbm>> -> memref<88x128xi32, #tpu.memory_space<hbm>>
      tpu.enqueue_dma source(%dma_start3A_45 : memref<88x128xi32, #tpu.memory_space<hbm>>) target(%arg6 : memref<88x128xi32, #tpu.memory_space<vmem>>) target_semaphore(%run_scoped3A : memref<!tpu.dma_semaphore, #tpu.memory_space<semaphore_mem>>)
      %dma_wait3A = arith.constant 0 : i32
      %dma_wait3A_46 = arith.constant 0 : i32
      %dma_wait3A_47 = tpu.memref_slice %arg3[%add3A, %dma_wait3A, %dma_wait3A_46] : memref<32x88x128xi32, #tpu.memory_space<hbm>> -> memref<1x88x128xi32, #tpu.memory_space<hbm>>
      %dma_wait3A_48 = tpu.memref_squeeze %dma_wait3A_47 : memref<1x88x128xi32, #tpu.memory_space<hbm>> -> memref<88x128xi32, #tpu.memory_space<hbm>>
      %dma_wait3A_49 = arith.constant 0 : i32
      %dma_wait3A_50 = arith.constant 0 : i32
      %dma_wait3A_51 = tpu.memref_slice %arg3[%add3A, %dma_wait3A_49, %dma_wait3A_50] : memref<32x88x128xi32, #tpu.memory_space<hbm>> -> memref<1x88x128xi32, #tpu.memory_space<hbm>>
      %dma_wait3A_52 = tpu.memref_squeeze %dma_wait3A_51 : memref<1x88x128xi32, #tpu.memory_space<hbm>> -> memref<88x128xi32, #tpu.memory_space<hbm>>
      tpu.wait_dma2 semaphore(%run_scoped3A : memref<!tpu.dma_semaphore, #tpu.memory_space<semaphore_mem>>) src(%dma_wait3A_52 : memref<88x128xi32, #tpu.memory_space<hbm>>) dst(%arg6 : memref<88x128xi32, #tpu.memory_space<vmem>>)
      tpu.yield
    }) : () -> ()
    "tpu.region"() ({
      %run_scoped3A = tpu.sem_alloc : memref<!tpu.dma_semaphore, #tpu.memory_space<semaphore_mem>>
      %dma_start3A = arith.constant 0 : i32
      %dma_start3A_39 = arith.constant 0 : i32
      %dma_start3A_40 = tpu.memref_slice %arg4[%add3A, %dma_start3A, %dma_start3A_39] : memref<32x88x128xi32, #tpu.memory_space<hbm>> -> memref<1x88x128xi32, #tpu.memory_space<hbm>>
      %dma_start3A_41 = tpu.memref_squeeze %dma_start3A_40 : memref<1x88x128xi32, #tpu.memory_space<hbm>> -> memref<88x128xi32, #tpu.memory_space<hbm>>
      %dma_start3A_42 = arith.constant 0 : i32
      %dma_start3A_43 = arith.constant 0 : i32
      %dma_start3A_44 = tpu.memref_slice %arg4[%add3A, %dma_start3A_42, %dma_start3A_43] : memref<32x88x128xi32, #tpu.memory_space<hbm>> -> memref<1x88x128xi32, #tpu.memory_space<hbm>>
      %dma_start3A_45 = tpu.memref_squeeze %dma_start3A_44 : memref<1x88x128xi32, #tpu.memory_space<hbm>> -> memref<88x128xi32, #tpu.memory_space<hbm>>
      tpu.enqueue_dma source(%dma_start3A_45 : memref<88x128xi32, #tpu.memory_space<hbm>>) target(%arg7 : memref<88x128xi32, #tpu.memory_space<vmem>>) target_semaphore(%run_scoped3A : memref<!tpu.dma_semaphore, #tpu.memory_space<semaphore_mem>>)
      %dma_wait3A = arith.constant 0 : i32
      %dma_wait3A_46 = arith.constant 0 : i32
      %dma_wait3A_47 = tpu.memref_slice %arg4[%add3A, %dma_wait3A, %dma_wait3A_46] : memref<32x88x128xi32, #tpu.memory_space<hbm>> -> memref<1x88x128xi32, #tpu.memory_space<hbm>>
      %dma_wait3A_48 = tpu.memref_squeeze %dma_wait3A_47 : memref<1x88x128xi32, #tpu.memory_space<hbm>> -> memref<88x128xi32, #tpu.memory_space<hbm>>
      %dma_wait3A_49 = arith.constant 0 : i32
      %dma_wait3A_50 = arith.constant 0 : i32
      %dma_wait3A_51 = tpu.memref_slice %arg4[%add3A, %dma_wait3A_49, %dma_wait3A_50] : memref<32x88x128xi32, #tpu.memory_space<hbm>> -> memref<1x88x128xi32, #tpu.memory_space<hbm>>
      %dma_wait3A_52 = tpu.memref_squeeze %dma_wait3A_51 : memref<1x88x128xi32, #tpu.memory_space<hbm>> -> memref<88x128xi32, #tpu.memory_space<hbm>>
      tpu.wait_dma2 semaphore(%run_scoped3A : memref<!tpu.dma_semaphore, #tpu.memory_space<semaphore_mem>>) src(%dma_wait3A_52 : memref<88x128xi32, #tpu.memory_space<hbm>>) dst(%arg7 : memref<88x128xi32, #tpu.memory_space<vmem>>)
      tpu.yield
    }) : () -> ()
    %scan3A_27 = arith.constant 0 : i32
    %scan3A_28 = arith.constant 0 : i32
    %scan3A_29 = arith.constant 88 : i32
    %scan3A_30 = arith.addi %scan3A_28, %scan3A_29 : i32
    %scan3A_31 = arith.constant 1 : i32
    %scan3A_32 = scf.for %scan3A_39 = %scan3A_28 to %scan3A_30 step %scan3A_31 iter_args(%scan3A_40 = %scan3A_27) -> (i32)  : i32 {
      "tpu.region"() ({
        %run_scoped3A = tpu.sem_alloc : memref<!tpu.dma_semaphore, #tpu.memory_space<semaphore_mem>>
        %dma_start3A = arith.constant 0 : i32
        %dma_start3A_42 = tpu.memref_slice %arg6[%scan3A_39, %dma_start3A] : memref<88x128xi32, #tpu.memory_space<vmem>> -> memref<1x128xi32, #tpu.memory_space<vmem>>
        %dma_start3A_43 = tpu.memref_squeeze %dma_start3A_42 : memref<1x128xi32, #tpu.memory_space<vmem>> -> memref<128xi32, #tpu.memory_space<vmem>>
        %dma_start3A_44 = arith.constant 0 : i32
        %dma_start3A_45 = arith.constant 0 : i32
        %dma_start3A_46 = tpu.memref_slice %arg2[%dma_start3A_44, %dma_start3A_45] : memref<10240x64xf32, #tpu.memory_space<hbm>> -> memref<10240x64xf32, #tpu.memory_space<hbm>>
        tpu.enqueue_indirect_dma source(%dma_start3A_46 : memref<10240x64xf32, #tpu.memory_space<hbm>>) target(%arg8 : memref<128x64xf32, #tpu.memory_space<vmem>>) offsets(%dma_start3A_43 : memref<128xi32, #tpu.memory_space<vmem>>) semaphore(%run_scoped3A : memref<!tpu.dma_semaphore, #tpu.memory_space<semaphore_mem>>)
        %dma_wait3A = arith.constant 0 : i32
        %dma_wait3A_47 = tpu.memref_slice %arg6[%scan3A_39, %dma_wait3A] : memref<88x128xi32, #tpu.memory_space<vmem>> -> memref<1x128xi32, #tpu.memory_space<vmem>>
        %dma_wait3A_48 = tpu.memref_squeeze %dma_wait3A_47 : memref<1x128xi32, #tpu.memory_space<vmem>> -> memref<128xi32, #tpu.memory_space<vmem>>
        %dma_wait3A_49 = arith.constant 0 : i32
        %dma_wait3A_50 = arith.constant 0 : i32
        %dma_wait3A_51 = tpu.memref_slice %arg2[%dma_wait3A_49, %dma_wait3A_50] : memref<10240x64xf32, #tpu.memory_space<hbm>> -> memref<10240x64xf32, #tpu.memory_space<hbm>>
        tpu.wait_indirect_dma semaphore(%run_scoped3A : memref<!tpu.dma_semaphore, #tpu.memory_space<semaphore_mem>>) src(%dma_wait3A_51 : memref<10240x64xf32, #tpu.memory_space<hbm>>) dst(%arg8 : memref<128x64xf32, #tpu.memory_space<vmem>>)
        tpu.yield
      }) : () -> ()
      "tpu.region"() ({
        %run_scoped3A = tpu.sem_alloc : memref<!tpu.dma_semaphore, #tpu.memory_space<semaphore_mem>>
        %dma_start3A = arith.constant 0 : i32
        %dma_start3A_42 = tpu.memref_slice %arg7[%scan3A_39, %dma_start3A] : memref<88x128xi32, #tpu.memory_space<vmem>> -> memref<1x128xi32, #tpu.memory_space<vmem>>
        %dma_start3A_43 = tpu.memref_squeeze %dma_start3A_42 : memref<1x128xi32, #tpu.memory_space<vmem>> -> memref<128xi32, #tpu.memory_space<vmem>>
        %dma_start3A_44 = arith.constant 0 : i32
        %dma_start3A_45 = arith.constant 0 : i32
        %dma_start3A_46 = tpu.memref_slice %arg9[%dma_start3A_44, %dma_start3A_45] : memref<10240x64xf32, #tpu.memory_space<vmem_shared>> -> memref<10240x64xf32, #tpu.memory_space<vmem_shared>>
        tpu.enqueue_indirect_dma source(%arg8 : memref<128x64xf32, #tpu.memory_space<vmem>>) target(%dma_start3A_46 : memref<10240x64xf32, #tpu.memory_space<vmem_shared>>) offsets(%dma_start3A_43 : memref<128xi32, #tpu.memory_space<vmem>>) semaphore(%run_scoped3A : memref<!tpu.dma_semaphore, #tpu.memory_space<semaphore_mem>>) {add = true}
        %dma_wait3A = arith.constant 0 : i32
        %dma_wait3A_47 = tpu.memref_slice %arg7[%scan3A_39, %dma_wait3A] : memref<88x128xi32, #tpu.memory_space<vmem>> -> memref<1x128xi32, #tpu.memory_space<vmem>>
        %dma_wait3A_48 = tpu.memref_squeeze %dma_wait3A_47 : memref<1x128xi32, #tpu.memory_space<vmem>> -> memref<128xi32, #tpu.memory_space<vmem>>
        %dma_wait3A_49 = arith.constant 0 : i32
        %dma_wait3A_50 = arith.constant 0 : i32
        %dma_wait3A_51 = tpu.memref_slice %arg9[%dma_wait3A_49, %dma_wait3A_50] : memref<10240x64xf32, #tpu.memory_space<vmem_shared>> -> memref<10240x64xf32, #tpu.memory_space<vmem_shared>>
        tpu.wait_indirect_dma semaphore(%run_scoped3A : memref<!tpu.dma_semaphore, #tpu.memory_space<semaphore_mem>>) src(%arg8 : memref<128x64xf32, #tpu.memory_space<vmem>>) dst(%dma_wait3A_51 : memref<10240x64xf32, #tpu.memory_space<vmem_shared>>)
        tpu.yield
      }) : () -> ()
      %scan3A_41 = arith.constant 0 : i32
      scf.yield %scan3A_41 : i32
    }
    %scan3A_33 = arith.constant 88 : i32
    %barrier3A_34 = arith.constant 0 : index
    tpu.barrier barrier_id(%barrier3A_34)
    %mul3A_35 = arith.constant 640 : i32
    %mul3A_36 = arith.muli %arg1, %mul3A_35 : i32
    %mul3A_37 = arith.constant 640 : i32
    %mul3A_38 = arith.muli %arg1, %mul3A_37 : i32
    "tpu.region"() ({
      %run_scoped3A = tpu.sem_alloc : memref<!tpu.dma_semaphore, #tpu.memory_space<semaphore_mem>>
      %dma_start3A = arith.constant 0 : i32
      %dma_start3A_39 = tpu.memref_slice %arg5[%arg0, %mul3A_38, %dma_start3A] : memref<2x10240x64xf32, #tpu.memory_space<hbm>> -> memref<1x640x64xf32, #tpu.memory_space<hbm>>
      %dma_start3A_40 = tpu.memref_squeeze %dma_start3A_39 : memref<1x640x64xf32, #tpu.memory_space<hbm>> -> memref<640x64xf32, #tpu.memory_space<hbm>>
      %dma_start3A_41 = arith.constant 0 : i32
      %dma_start3A_42 = tpu.memref_slice %arg9[%mul3A_36, %dma_start3A_41] : memref<10240x64xf32, #tpu.memory_space<vmem_shared>> -> memref<640x64xf32, #tpu.memory_space<vmem_shared>>
      tpu.enqueue_dma source(%dma_start3A_42 : memref<640x64xf32, #tpu.memory_space<vmem_shared>>) target(%dma_start3A_40 : memref<640x64xf32, #tpu.memory_space<hbm>>) target_semaphore(%run_scoped3A : memref<!tpu.dma_semaphore, #tpu.memory_space<semaphore_mem>>)
      %dma_wait3A = arith.constant 0 : i32
      %dma_wait3A_43 = tpu.memref_slice %arg5[%arg0, %mul3A_38, %dma_wait3A] : memref<2x10240x64xf32, #tpu.memory_space<hbm>> -> memref<1x640x64xf32, #tpu.memory_space<hbm>>
      %dma_wait3A_44 = tpu.memref_squeeze %dma_wait3A_43 : memref<1x640x64xf32, #tpu.memory_space<hbm>> -> memref<640x64xf32, #tpu.memory_space<hbm>>
      %dma_wait3A_45 = arith.constant 0 : i32
      %dma_wait3A_46 = tpu.memref_slice %arg9[%mul3A_36, %dma_wait3A_45] : memref<10240x64xf32, #tpu.memory_space<vmem_shared>> -> memref<640x64xf32, #tpu.memory_space<vmem_shared>>
      tpu.wait_dma2 semaphore(%run_scoped3A : memref<!tpu.dma_semaphore, #tpu.memory_space<semaphore_mem>>) src(%dma_wait3A_46 : memref<640x64xf32, #tpu.memory_space<vmem_shared>>) dst(%dma_wait3A_44 : memref<640x64xf32, #tpu.memory_space<hbm>>)
      tpu.yield
    }) : () -> ()
    return
  }
}

#map = affine_map<(d0, d1) -> (0, 0)>
#map1 = affine_map<(d0, d1) -> (0, 0, 0)>
module attributes {stable_mosaic.version = 14 : i64} {
  func.func @_sc_agg(%arg0: i32, %arg1: i32, %arg2: memref<10240x64xf32, #tpu.memory_space<hbm>>, %arg3: memref<32x88x128xi32, #tpu.memory_space<hbm>>, %arg4: memref<32x88x128xi32, #tpu.memory_space<hbm>>, %arg5: memref<2x10240x64xf32, #tpu.memory_space<hbm>>, %arg6: memref<88x128xi32, #tpu.memory_space<vmem>>, %arg7: memref<88x128xi32, #tpu.memory_space<vmem>>, %arg8: memref<128x64xf32, #tpu.memory_space<vmem>>, %arg9: memref<10240x64xf32, #tpu.memory_space<vmem_shared>>) attributes {dimension_semantics = [#tpu.dimension_semantics<core_parallel>, #tpu.dimension_semantics<subcore_parallel>], iteration_bounds = array<i64: 2, 16>, scalar_prefetch = 0 : i64, scratch_operands = 4 : i64, tpu.core_type = #tpu.core_type<sc_vector_subcore>, window_params = [{transform_indices = #map}, {transform_indices = #map1}, {transform_indices = #map1}, {transform_indices = #map1}]} {
    %mul3A = arith.constant 16 : i32
    %mul3A_0 = arith.muli %arg0, %mul3A : i32
    %add3A = arith.addi %mul3A_0, %arg1 : i32
    %scan3A = arith.constant 0 : i32
    %scan3A_1 = arith.constant 0 : i32
    %scan3A_2 = arith.constant 512 : i32
    %scan3A_3 = arith.addi %scan3A_1, %scan3A_2 : i32
    %scan3A_4 = arith.constant 1 : i32
    %scan3A_5 = scf.for %scan3A_39 = %scan3A_1 to %scan3A_3 step %scan3A_4 iter_args(%scan3A_40 = %scan3A) -> (i32)  : i32 {
      %broadcast_in_dim3A = arith.constant 0.000000e+00 : f32
      %broadcast_in_dim3A_41 = vector.broadcast %broadcast_in_dim3A : f32 to vector<16xf32>
      %shift_right_arithmetic3A = arith.constant 2 : i32
      %shift_right_arithmetic3A_42 = arith.shrsi %scan3A_39, %shift_right_arithmetic3A : i32
      %and3A = arith.constant 3 : i32
      %and3A_43 = arith.andi %scan3A_39, %and3A : i32
      %mul3A_44 = arith.constant 16 : i32
      %mul3A_45 = arith.muli %and3A_43, %mul3A_44 : i32
      %swap3A = arith.index_cast %shift_right_arithmetic3A_42 : i32 to index
      %swap3A_46 = arith.index_cast %mul3A_45 : i32 to index
      %swap3A_47 = tpu.vector_load %arg8[%swap3A, %swap3A_46] {strides = array<i32>} : memref<128x64xf32, #tpu.memory_space<vmem>>, vector<1x16xf32>,
      %swap3A_48 = vector.shape_cast %swap3A_47 : vector<1x16xf32> to vector<16xf32>
      %swap3A_49 = vector.shape_cast %broadcast_in_dim3A_41 : vector<16xf32> to vector<1x16xf32>
      tpu.vector_store %arg8[%swap3A, %swap3A_46], %swap3A_49 {strides = array<i32>} : memref<128x64xf32, #tpu.memory_space<vmem>>, vector<1x16xf32>,
      %scan3A_50 = arith.constant 0 : i32
      scf.yield %scan3A_50 : i32
    }
    %scan3A_6 = arith.constant 512 : i32
    %mul3A_7 = arith.constant 640 : i32
    %mul3A_8 = arith.muli %arg1, %mul3A_7 : i32
    %add3A_9 = arith.constant 0 : i32
    %add3A_10 = arith.addi %mul3A_8, %add3A_9 : i32
    "tpu.region"() ({
      %run_scoped3A = tpu.sem_alloc : memref<!tpu.dma_semaphore, #tpu.memory_space<semaphore_mem>>
      %dma_start3A = arith.constant 0 : i32
      %dma_start3A_39 = tpu.memref_slice %arg9[%add3A_10, %dma_start3A] : memref<10240x64xf32, #tpu.memory_space<vmem_shared>> -> memref<128x64xf32, #tpu.memory_space<vmem_shared>>
      %dma_start3A_40 = arith.constant 0 : i32
      %dma_start3A_41 = tpu.memref_slice %arg9[%add3A_10, %dma_start3A_40] : memref<10240x64xf32, #tpu.memory_space<vmem_shared>> -> memref<128x64xf32, #tpu.memory_space<vmem_shared>>
      tpu.enqueue_dma source(%arg8 : memref<128x64xf32, #tpu.memory_space<vmem>>) target(%dma_start3A_41 : memref<128x64xf32, #tpu.memory_space<vmem_shared>>) target_semaphore(%run_scoped3A : memref<!tpu.dma_semaphore, #tpu.memory_space<semaphore_mem>>)
      %dma_wait3A = arith.constant 0 : i32
      %dma_wait3A_42 = tpu.memref_slice %arg9[%add3A_10, %dma_wait3A] : memref<10240x64xf32, #tpu.memory_space<vmem_shared>> -> memref<128x64xf32, #tpu.memory_space<vmem_shared>>
      %dma_wait3A_43 = arith.constant 0 : i32
      %dma_wait3A_44 = tpu.memref_slice %arg9[%add3A_10, %dma_wait3A_43] : memref<10240x64xf32, #tpu.memory_space<vmem_shared>> -> memref<128x64xf32, #tpu.memory_space<vmem_shared>>
      tpu.wait_dma2 semaphore(%run_scoped3A : memref<!tpu.dma_semaphore, #tpu.memory_space<semaphore_mem>>) src(%arg8 : memref<128x64xf32, #tpu.memory_space<vmem>>) dst(%dma_wait3A_44 : memref<128x64xf32, #tpu.memory_space<vmem_shared>>)
      tpu.yield
    }) : () -> ()
    %mul3A_11 = arith.constant 640 : i32
    %mul3A_12 = arith.muli %arg1, %mul3A_11 : i32
    %add3A_13 = arith.constant 128 : i32
    %add3A_14 = arith.addi %mul3A_12, %add3A_13 : i32
    "tpu.region"() ({
      %run_scoped3A = tpu.sem_alloc : memref<!tpu.dma_semaphore, #tpu.memory_space<semaphore_mem>>
      %dma_start3A = arith.constant 0 : i32
      %dma_start3A_39 = tpu.memref_slice %arg9[%add3A_14, %dma_start3A] : memref<10240x64xf32, #tpu.memory_space<vmem_shared>> -> memref<128x64xf32, #tpu.memory_space<vmem_shared>>
      %dma_start3A_40 = arith.constant 0 : i32
      %dma_start3A_41 = tpu.memref_slice %arg9[%add3A_14, %dma_start3A_40] : memref<10240x64xf32, #tpu.memory_space<vmem_shared>> -> memref<128x64xf32, #tpu.memory_space<vmem_shared>>
      tpu.enqueue_dma source(%arg8 : memref<128x64xf32, #tpu.memory_space<vmem>>) target(%dma_start3A_41 : memref<128x64xf32, #tpu.memory_space<vmem_shared>>) target_semaphore(%run_scoped3A : memref<!tpu.dma_semaphore, #tpu.memory_space<semaphore_mem>>)
      %dma_wait3A = arith.constant 0 : i32
      %dma_wait3A_42 = tpu.memref_slice %arg9[%add3A_14, %dma_wait3A] : memref<10240x64xf32, #tpu.memory_space<vmem_shared>> -> memref<128x64xf32, #tpu.memory_space<vmem_shared>>
      %dma_wait3A_43 = arith.constant 0 : i32
      %dma_wait3A_44 = tpu.memref_slice %arg9[%add3A_14, %dma_wait3A_43] : memref<10240x64xf32, #tpu.memory_space<vmem_shared>> -> memref<128x64xf32, #tpu.memory_space<vmem_shared>>
      tpu.wait_dma2 semaphore(%run_scoped3A : memref<!tpu.dma_semaphore, #tpu.memory_space<semaphore_mem>>) src(%arg8 : memref<128x64xf32, #tpu.memory_space<vmem>>) dst(%dma_wait3A_44 : memref<128x64xf32, #tpu.memory_space<vmem_shared>>)
      tpu.yield
    }) : () -> ()
    %mul3A_15 = arith.constant 640 : i32
    %mul3A_16 = arith.muli %arg1, %mul3A_15 : i32
    %add3A_17 = arith.constant 256 : i32
    %add3A_18 = arith.addi %mul3A_16, %add3A_17 : i32
    "tpu.region"() ({
      %run_scoped3A = tpu.sem_alloc : memref<!tpu.dma_semaphore, #tpu.memory_space<semaphore_mem>>
      %dma_start3A = arith.constant 0 : i32
      %dma_start3A_39 = tpu.memref_slice %arg9[%add3A_18, %dma_start3A] : memref<10240x64xf32, #tpu.memory_space<vmem_shared>> -> memref<128x64xf32, #tpu.memory_space<vmem_shared>>
      %dma_start3A_40 = arith.constant 0 : i32
      %dma_start3A_41 = tpu.memref_slice %arg9[%add3A_18, %dma_start3A_40] : memref<10240x64xf32, #tpu.memory_space<vmem_shared>> -> memref<128x64xf32, #tpu.memory_space<vmem_shared>>
      tpu.enqueue_dma source(%arg8 : memref<128x64xf32, #tpu.memory_space<vmem>>) target(%dma_start3A_41 : memref<128x64xf32, #tpu.memory_space<vmem_shared>>) target_semaphore(%run_scoped3A : memref<!tpu.dma_semaphore, #tpu.memory_space<semaphore_mem>>)
      %dma_wait3A = arith.constant 0 : i32
      %dma_wait3A_42 = tpu.memref_slice %arg9[%add3A_18, %dma_wait3A] : memref<10240x64xf32, #tpu.memory_space<vmem_shared>> -> memref<128x64xf32, #tpu.memory_space<vmem_shared>>
      %dma_wait3A_43 = arith.constant 0 : i32
      %dma_wait3A_44 = tpu.memref_slice %arg9[%add3A_18, %dma_wait3A_43] : memref<10240x64xf32, #tpu.memory_space<vmem_shared>> -> memref<128x64xf32, #tpu.memory_space<vmem_shared>>
      tpu.wait_dma2 semaphore(%run_scoped3A : memref<!tpu.dma_semaphore, #tpu.memory_space<semaphore_mem>>) src(%arg8 : memref<128x64xf32, #tpu.memory_space<vmem>>) dst(%dma_wait3A_44 : memref<128x64xf32, #tpu.memory_space<vmem_shared>>)
      tpu.yield
    }) : () -> ()
    %mul3A_19 = arith.constant 640 : i32
    %mul3A_20 = arith.muli %arg1, %mul3A_19 : i32
    %add3A_21 = arith.constant 384 : i32
    %add3A_22 = arith.addi %mul3A_20, %add3A_21 : i32
    "tpu.region"() ({
      %run_scoped3A = tpu.sem_alloc : memref<!tpu.dma_semaphore, #tpu.memory_space<semaphore_mem>>
      %dma_start3A = arith.constant 0 : i32
      %dma_start3A_39 = tpu.memref_slice %arg9[%add3A_22, %dma_start3A] : memref<10240x64xf32, #tpu.memory_space<vmem_shared>> -> memref<128x64xf32, #tpu.memory_space<vmem_shared>>
      %dma_start3A_40 = arith.constant 0 : i32
      %dma_start3A_41 = tpu.memref_slice %arg9[%add3A_22, %dma_start3A_40] : memref<10240x64xf32, #tpu.memory_space<vmem_shared>> -> memref<128x64xf32, #tpu.memory_space<vmem_shared>>
      tpu.enqueue_dma source(%arg8 : memref<128x64xf32, #tpu.memory_space<vmem>>) target(%dma_start3A_41 : memref<128x64xf32, #tpu.memory_space<vmem_shared>>) target_semaphore(%run_scoped3A : memref<!tpu.dma_semaphore, #tpu.memory_space<semaphore_mem>>)
      %dma_wait3A = arith.constant 0 : i32
      %dma_wait3A_42 = tpu.memref_slice %arg9[%add3A_22, %dma_wait3A] : memref<10240x64xf32, #tpu.memory_space<vmem_shared>> -> memref<128x64xf32, #tpu.memory_space<vmem_shared>>
      %dma_wait3A_43 = arith.constant 0 : i32
      %dma_wait3A_44 = tpu.memref_slice %arg9[%add3A_22, %dma_wait3A_43] : memref<10240x64xf32, #tpu.memory_space<vmem_shared>> -> memref<128x64xf32, #tpu.memory_space<vmem_shared>>
      tpu.wait_dma2 semaphore(%run_scoped3A : memref<!tpu.dma_semaphore, #tpu.memory_space<semaphore_mem>>) src(%arg8 : memref<128x64xf32, #tpu.memory_space<vmem>>) dst(%dma_wait3A_44 : memref<128x64xf32, #tpu.memory_space<vmem_shared>>)
      tpu.yield
    }) : () -> ()
    %mul3A_23 = arith.constant 640 : i32
    %mul3A_24 = arith.muli %arg1, %mul3A_23 : i32
    %add3A_25 = arith.constant 512 : i32
    %add3A_26 = arith.addi %mul3A_24, %add3A_25 : i32
    "tpu.region"() ({
      %run_scoped3A = tpu.sem_alloc : memref<!tpu.dma_semaphore, #tpu.memory_space<semaphore_mem>>
      %dma_start3A = arith.constant 0 : i32
      %dma_start3A_39 = tpu.memref_slice %arg9[%add3A_26, %dma_start3A] : memref<10240x64xf32, #tpu.memory_space<vmem_shared>> -> memref<128x64xf32, #tpu.memory_space<vmem_shared>>
      %dma_start3A_40 = arith.constant 0 : i32
      %dma_start3A_41 = tpu.memref_slice %arg9[%add3A_26, %dma_start3A_40] : memref<10240x64xf32, #tpu.memory_space<vmem_shared>> -> memref<128x64xf32, #tpu.memory_space<vmem_shared>>
      tpu.enqueue_dma source(%arg8 : memref<128x64xf32, #tpu.memory_space<vmem>>) target(%dma_start3A_41 : memref<128x64xf32, #tpu.memory_space<vmem_shared>>) target_semaphore(%run_scoped3A : memref<!tpu.dma_semaphore, #tpu.memory_space<semaphore_mem>>)
      %dma_wait3A = arith.constant 0 : i32
      %dma_wait3A_42 = tpu.memref_slice %arg9[%add3A_26, %dma_wait3A] : memref<10240x64xf32, #tpu.memory_space<vmem_shared>> -> memref<128x64xf32, #tpu.memory_space<vmem_shared>>
      %dma_wait3A_43 = arith.constant 0 : i32
      %dma_wait3A_44 = tpu.memref_slice %arg9[%add3A_26, %dma_wait3A_43] : memref<10240x64xf32, #tpu.memory_space<vmem_shared>> -> memref<128x64xf32, #tpu.memory_space<vmem_shared>>
      tpu.wait_dma2 semaphore(%run_scoped3A : memref<!tpu.dma_semaphore, #tpu.memory_space<semaphore_mem>>) src(%arg8 : memref<128x64xf32, #tpu.memory_space<vmem>>) dst(%dma_wait3A_44 : memref<128x64xf32, #tpu.memory_space<vmem_shared>>)
      tpu.yield
    }) : () -> ()
    %barrier3A = arith.constant 0 : index
    tpu.barrier barrier_id(%barrier3A)
    "tpu.region"() ({
      %run_scoped3A = tpu.sem_alloc : memref<!tpu.dma_semaphore, #tpu.memory_space<semaphore_mem>>
      %dma_start3A = arith.constant 0 : i32
      %dma_start3A_39 = arith.constant 0 : i32
      %dma_start3A_40 = tpu.memref_slice %arg3[%add3A, %dma_start3A, %dma_start3A_39] : memref<32x88x128xi32, #tpu.memory_space<hbm>> -> memref<1x88x128xi32, #tpu.memory_space<hbm>>
      %dma_start3A_41 = tpu.memref_squeeze %dma_start3A_40 : memref<1x88x128xi32, #tpu.memory_space<hbm>> -> memref<88x128xi32, #tpu.memory_space<hbm>>
      %dma_start3A_42 = arith.constant 0 : i32
      %dma_start3A_43 = arith.constant 0 : i32
      %dma_start3A_44 = tpu.memref_slice %arg3[%add3A, %dma_start3A_42, %dma_start3A_43] : memref<32x88x128xi32, #tpu.memory_space<hbm>> -> memref<1x88x128xi32, #tpu.memory_space<hbm>>
      %dma_start3A_45 = tpu.memref_squeeze %dma_start3A_44 : memref<1x88x128xi32, #tpu.memory_space<hbm>> -> memref<88x128xi32, #tpu.memory_space<hbm>>
      tpu.enqueue_dma source(%dma_start3A_45 : memref<88x128xi32, #tpu.memory_space<hbm>>) target(%arg6 : memref<88x128xi32, #tpu.memory_space<vmem>>) target_semaphore(%run_scoped3A : memref<!tpu.dma_semaphore, #tpu.memory_space<semaphore_mem>>)
      %dma_wait3A = arith.constant 0 : i32
      %dma_wait3A_46 = arith.constant 0 : i32
      %dma_wait3A_47 = tpu.memref_slice %arg3[%add3A, %dma_wait3A, %dma_wait3A_46] : memref<32x88x128xi32, #tpu.memory_space<hbm>> -> memref<1x88x128xi32, #tpu.memory_space<hbm>>
      %dma_wait3A_48 = tpu.memref_squeeze %dma_wait3A_47 : memref<1x88x128xi32, #tpu.memory_space<hbm>> -> memref<88x128xi32, #tpu.memory_space<hbm>>
      %dma_wait3A_49 = arith.constant 0 : i32
      %dma_wait3A_50 = arith.constant 0 : i32
      %dma_wait3A_51 = tpu.memref_slice %arg3[%add3A, %dma_wait3A_49, %dma_wait3A_50] : memref<32x88x128xi32, #tpu.memory_space<hbm>> -> memref<1x88x128xi32, #tpu.memory_space<hbm>>
      %dma_wait3A_52 = tpu.memref_squeeze %dma_wait3A_51 : memref<1x88x128xi32, #tpu.memory_space<hbm>> -> memref<88x128xi32, #tpu.memory_space<hbm>>
      tpu.wait_dma2 semaphore(%run_scoped3A : memref<!tpu.dma_semaphore, #tpu.memory_space<semaphore_mem>>) src(%dma_wait3A_52 : memref<88x128xi32, #tpu.memory_space<hbm>>) dst(%arg6 : memref<88x128xi32, #tpu.memory_space<vmem>>)
      tpu.yield
    }) : () -> ()
    "tpu.region"() ({
      %run_scoped3A = tpu.sem_alloc : memref<!tpu.dma_semaphore, #tpu.memory_space<semaphore_mem>>
      %dma_start3A = arith.constant 0 : i32
      %dma_start3A_39 = arith.constant 0 : i32
      %dma_start3A_40 = tpu.memref_slice %arg4[%add3A, %dma_start3A, %dma_start3A_39] : memref<32x88x128xi32, #tpu.memory_space<hbm>> -> memref<1x88x128xi32, #tpu.memory_space<hbm>>
      %dma_start3A_41 = tpu.memref_squeeze %dma_start3A_40 : memref<1x88x128xi32, #tpu.memory_space<hbm>> -> memref<88x128xi32, #tpu.memory_space<hbm>>
      %dma_start3A_42 = arith.constant 0 : i32
      %dma_start3A_43 = arith.constant 0 : i32
      %dma_start3A_44 = tpu.memref_slice %arg4[%add3A, %dma_start3A_42, %dma_start3A_43] : memref<32x88x128xi32, #tpu.memory_space<hbm>> -> memref<1x88x128xi32, #tpu.memory_space<hbm>>
      %dma_start3A_45 = tpu.memref_squeeze %dma_start3A_44 : memref<1x88x128xi32, #tpu.memory_space<hbm>> -> memref<88x128xi32, #tpu.memory_space<hbm>>
      tpu.enqueue_dma source(%dma_start3A_45 : memref<88x128xi32, #tpu.memory_space<hbm>>) target(%arg7 : memref<88x128xi32, #tpu.memory_space<vmem>>) target_semaphore(%run_scoped3A : memref<!tpu.dma_semaphore, #tpu.memory_space<semaphore_mem>>)
      %dma_wait3A = arith.constant 0 : i32
      %dma_wait3A_46 = arith.constant 0 : i32
      %dma_wait3A_47 = tpu.memref_slice %arg4[%add3A, %dma_wait3A, %dma_wait3A_46] : memref<32x88x128xi32, #tpu.memory_space<hbm>> -> memref<1x88x128xi32, #tpu.memory_space<hbm>>
      %dma_wait3A_48 = tpu.memref_squeeze %dma_wait3A_47 : memref<1x88x128xi32, #tpu.memory_space<hbm>> -> memref<88x128xi32, #tpu.memory_space<hbm>>
      %dma_wait3A_49 = arith.constant 0 : i32
      %dma_wait3A_50 = arith.constant 0 : i32
      %dma_wait3A_51 = tpu.memref_slice %arg4[%add3A, %dma_wait3A_49, %dma_wait3A_50] : memref<32x88x128xi32, #tpu.memory_space<hbm>> -> memref<1x88x128xi32, #tpu.memory_space<hbm>>
      %dma_wait3A_52 = tpu.memref_squeeze %dma_wait3A_51 : memref<1x88x128xi32, #tpu.memory_space<hbm>> -> memref<88x128xi32, #tpu.memory_space<hbm>>
      tpu.wait_dma2 semaphore(%run_scoped3A : memref<!tpu.dma_semaphore, #tpu.memory_space<semaphore_mem>>) src(%dma_wait3A_52 : memref<88x128xi32, #tpu.memory_space<hbm>>) dst(%arg7 : memref<88x128xi32, #tpu.memory_space<vmem>>)
      tpu.yield
    }) : () -> ()
    %scan3A_27 = arith.constant 0 : i32
    %scan3A_28 = arith.constant 0 : i32
    %scan3A_29 = arith.constant 88 : i32
    %scan3A_30 = arith.addi %scan3A_28, %scan3A_29 : i32
    %scan3A_31 = arith.constant 1 : i32
    %scan3A_32 = scf.for %scan3A_39 = %scan3A_28 to %scan3A_30 step %scan3A_31 iter_args(%scan3A_40 = %scan3A_27) -> (i32)  : i32 {
      "tpu.region"() ({
        %run_scoped3A = tpu.sem_alloc : memref<!tpu.dma_semaphore, #tpu.memory_space<semaphore_mem>>
        %dma_start3A = arith.constant 0 : i32
        %dma_start3A_42 = tpu.memref_slice %arg6[%scan3A_39, %dma_start3A] : memref<88x128xi32, #tpu.memory_space<vmem>> -> memref<1x128xi32, #tpu.memory_space<vmem>>
        %dma_start3A_43 = tpu.memref_squeeze %dma_start3A_42 : memref<1x128xi32, #tpu.memory_space<vmem>> -> memref<128xi32, #tpu.memory_space<vmem>>
        %dma_start3A_44 = arith.constant 0 : i32
        %dma_start3A_45 = arith.constant 0 : i32
        %dma_start3A_46 = tpu.memref_slice %arg2[%dma_start3A_44, %dma_start3A_45] : memref<10240x64xf32, #tpu.memory_space<hbm>> -> memref<10240x64xf32, #tpu.memory_space<hbm>>
        tpu.enqueue_indirect_dma source(%dma_start3A_46 : memref<10240x64xf32, #tpu.memory_space<hbm>>) target(%arg8 : memref<128x64xf32, #tpu.memory_space<vmem>>) offsets(%dma_start3A_43 : memref<128xi32, #tpu.memory_space<vmem>>) semaphore(%run_scoped3A : memref<!tpu.dma_semaphore, #tpu.memory_space<semaphore_mem>>)
        %dma_wait3A = arith.constant 0 : i32
        %dma_wait3A_47 = tpu.memref_slice %arg6[%scan3A_39, %dma_wait3A] : memref<88x128xi32, #tpu.memory_space<vmem>> -> memref<1x128xi32, #tpu.memory_space<vmem>>
        %dma_wait3A_48 = tpu.memref_squeeze %dma_wait3A_47 : memref<1x128xi32, #tpu.memory_space<vmem>> -> memref<128xi32, #tpu.memory_space<vmem>>
        %dma_wait3A_49 = arith.constant 0 : i32
        %dma_wait3A_50 = arith.constant 0 : i32
        %dma_wait3A_51 = tpu.memref_slice %arg2[%dma_wait3A_49, %dma_wait3A_50] : memref<10240x64xf32, #tpu.memory_space<hbm>> -> memref<10240x64xf32, #tpu.memory_space<hbm>>
        tpu.wait_indirect_dma semaphore(%run_scoped3A : memref<!tpu.dma_semaphore, #tpu.memory_space<semaphore_mem>>) src(%dma_wait3A_51 : memref<10240x64xf32, #tpu.memory_space<hbm>>) dst(%arg8 : memref<128x64xf32, #tpu.memory_space<vmem>>)
        tpu.yield
      }) : () -> ()
      "tpu.region"() ({
        %run_scoped3A = tpu.sem_alloc : memref<!tpu.dma_semaphore, #tpu.memory_space<semaphore_mem>>
        %dma_start3A = arith.constant 0 : i32
        %dma_start3A_42 = tpu.memref_slice %arg7[%scan3A_39, %dma_start3A] : memref<88x128xi32, #tpu.memory_space<vmem>> -> memref<1x128xi32, #tpu.memory_space<vmem>>
        %dma_start3A_43 = tpu.memref_squeeze %dma_start3A_42 : memref<1x128xi32, #tpu.memory_space<vmem>> -> memref<128xi32, #tpu.memory_space<vmem>>
        %dma_start3A_44 = arith.constant 0 : i32
        %dma_start3A_45 = arith.constant 0 : i32
        %dma_start3A_46 = tpu.memref_slice %arg9[%dma_start3A_44, %dma_start3A_45] : memref<10240x64xf32, #tpu.memory_space<vmem_shared>> -> memref<10240x64xf32, #tpu.memory_space<vmem_shared>>
        tpu.enqueue_indirect_dma source(%arg8 : memref<128x64xf32, #tpu.memory_space<vmem>>) target(%dma_start3A_46 : memref<10240x64xf32, #tpu.memory_space<vmem_shared>>) offsets(%dma_start3A_43 : memref<128xi32, #tpu.memory_space<vmem>>) semaphore(%run_scoped3A : memref<!tpu.dma_semaphore, #tpu.memory_space<semaphore_mem>>) {add = true}
        %dma_wait3A = arith.constant 0 : i32
        %dma_wait3A_47 = tpu.memref_slice %arg7[%scan3A_39, %dma_wait3A] : memref<88x128xi32, #tpu.memory_space<vmem>> -> memref<1x128xi32, #tpu.memory_space<vmem>>
        %dma_wait3A_48 = tpu.memref_squeeze %dma_wait3A_47 : memref<1x128xi32, #tpu.memory_space<vmem>> -> memref<128xi32, #tpu.memory_space<vmem>>
        %dma_wait3A_49 = arith.constant 0 : i32
        %dma_wait3A_50 = arith.constant 0 : i32
        %dma_wait3A_51 = tpu.memref_slice %arg9[%dma_wait3A_49, %dma_wait3A_50] : memref<10240x64xf32, #tpu.memory_space<vmem_shared>> -> memref<10240x64xf32, #tpu.memory_space<vmem_shared>>
        tpu.wait_indirect_dma semaphore(%run_scoped3A : memref<!tpu.dma_semaphore, #tpu.memory_space<semaphore_mem>>) src(%arg8 : memref<128x64xf32, #tpu.memory_space<vmem>>) dst(%dma_wait3A_51 : memref<10240x64xf32, #tpu.memory_space<vmem_shared>>)
        tpu.yield
      }) : () -> ()
      %scan3A_41 = arith.constant 0 : i32
      scf.yield %scan3A_41 : i32
    }
    %scan3A_33 = arith.constant 88 : i32
    %barrier3A_34 = arith.constant 0 : index
    tpu.barrier barrier_id(%barrier3A_34)
    %mul3A_35 = arith.constant 640 : i32
    %mul3A_36 = arith.muli %arg1, %mul3A_35 : i32
    %mul3A_37 = arith.constant 640 : i32
    %mul3A_38 = arith.muli %arg1, %mul3A_37 : i32
    "tpu.region"() ({
      %run_scoped3A = tpu.sem_alloc : memref<!tpu.dma_semaphore, #tpu.memory_space<semaphore_mem>>
      %dma_start3A = arith.constant 0 : i32
      %dma_start3A_39 = tpu.memref_slice %arg5[%arg0, %mul3A_38, %dma_start3A] : memref<2x10240x64xf32, #tpu.memory_space<hbm>> -> memref<1x640x64xf32, #tpu.memory_space<hbm>>
      %dma_start3A_40 = tpu.memref_squeeze %dma_start3A_39 : memref<1x640x64xf32, #tpu.memory_space<hbm>> -> memref<640x64xf32, #tpu.memory_space<hbm>>
      %dma_start3A_41 = arith.constant 0 : i32
      %dma_start3A_42 = tpu.memref_slice %arg9[%mul3A_36, %dma_start3A_41] : memref<10240x64xf32, #tpu.memory_space<vmem_shared>> -> memref<640x64xf32, #tpu.memory_space<vmem_shared>>
      tpu.enqueue_dma source(%dma_start3A_42 : memref<640x64xf32, #tpu.memory_space<vmem_shared>>) target(%dma_start3A_40 : memref<640x64xf32, #tpu.memory_space<hbm>>) target_semaphore(%run_scoped3A : memref<!tpu.dma_semaphore, #tpu.memory_space<semaphore_mem>>)
      %dma_wait3A = arith.constant 0 : i32
      %dma_wait3A_43 = tpu.memref_slice %arg5[%arg0, %mul3A_38, %dma_wait3A] : memref<2x10240x64xf32, #tpu.memory_space<hbm>> -> memref<1x640x64xf32, #tpu.memory_space<hbm>>
      %dma_wait3A_44 = tpu.memref_squeeze %dma_wait3A_43 : memref<1x640x64xf32, #tpu.memory_space<hbm>> -> memref<640x64xf32, #tpu.memory_space<hbm>>
      %dma_wait3A_45 = arith.constant 0 : i32
      %dma_wait3A_46 = tpu.memref_slice %arg9[%mul3A_36, %dma_wait3A_45] : memref<10240x64xf32, #tpu.memory_space<vmem_shared>> -> memref<640x64xf32, #tpu.memory_space<vmem_shared>>
      tpu.wait_dma2 semaphore(%run_scoped3A : memref<!tpu.dma_semaphore, #tpu.memory_space<semaphore_mem>>) src(%dma_wait3A_46 : memref<640x64xf32, #tpu.memory_space<vmem_shared>>) dst(%dma_wait3A_44 : memref<640x64xf32, #tpu.memory_space<hbm>>)
      tpu.yield
    }) : () -> ()
    return
  }
}

#map = affine_map<(d0, d1) -> (0, 0, 0)>
#map1 = affine_map<(d0, d1) -> (0, 0)>
module attributes {stable_mosaic.version = 14 : i64} {
  func.func @_sc_deg_cnt(%arg0: i32, %arg1: i32, %arg2: memref<32x88x128xi32, #tpu.memory_space<hbm>>, %arg3: memref<32x5x64xi32, #tpu.memory_space<hbm>>, %arg4: memref<2x10240xf32, #tpu.memory_space<hbm>>, %arg5: memref<2x320xf32, #tpu.memory_space<hbm>>, %arg6: memref<88x128xi32, #tpu.memory_space<vmem>>, %arg7: memref<5x64xi32, #tpu.memory_space<vmem>>, %arg8: memref<128xf32, #tpu.memory_space<vmem>>, %arg9: memref<640xf32, #tpu.memory_space<vmem>>, %arg10: memref<10240xf32, #tpu.memory_space<vmem_shared>>, %arg11: memref<320xf32, #tpu.memory_space<vmem_shared>>) attributes {dimension_semantics = [#tpu.dimension_semantics<core_parallel>, #tpu.dimension_semantics<subcore_parallel>], iteration_bounds = array<i64: 2, 16>, scalar_prefetch = 0 : i64, scratch_operands = 6 : i64, tpu.core_type = #tpu.core_type<sc_vector_subcore>, window_params = [{transform_indices = #map}, {transform_indices = #map}, {transform_indices = #map1}, {transform_indices = #map1}]} {
    %mul3A = arith.constant 16 : i32
    %mul3A_0 = arith.muli %arg0, %mul3A : i32
    %add3A = arith.addi %mul3A_0, %arg1 : i32
    %scan3A = arith.constant 0 : i32
    %scan3A_1 = arith.constant 0 : i32
    %scan3A_2 = arith.constant 40 : i32
    %scan3A_3 = arith.addi %scan3A_1, %scan3A_2 : i32
    %scan3A_4 = arith.constant 1 : i32
    %scan3A_5 = scf.for %scan3A_39 = %scan3A_1 to %scan3A_3 step %scan3A_4 iter_args(%scan3A_40 = %scan3A) -> (i32)  : i32 {
      %broadcast_in_dim3A = arith.constant 0.000000e+00 : f32
      %broadcast_in_dim3A_41 = vector.broadcast %broadcast_in_dim3A : f32 to vector<16xf32>
      %mul3A_42 = arith.constant 16 : i32
      %mul3A_43 = arith.muli %scan3A_39, %mul3A_42 : i32
      %swap3A = arith.index_cast %mul3A_43 : i32 to index
      %swap3A_44 = tpu.vector_load %arg9[%swap3A] {strides = array<i32>} : memref<640xf32, #tpu.memory_space<vmem>>, vector<16xf32>,
      %swap3A_45 = vector.shape_cast %swap3A_44 : vector<16xf32> to vector<16xf32>
      %swap3A_46 = vector.shape_cast %broadcast_in_dim3A_41 : vector<16xf32> to vector<16xf32>
      tpu.vector_store %arg9[%swap3A], %swap3A_46 {strides = array<i32>} : memref<640xf32, #tpu.memory_space<vmem>>, vector<16xf32>,
      %scan3A_47 = arith.constant 0 : i32
      scf.yield %scan3A_47 : i32
    }
    %scan3A_6 = arith.constant 40 : i32
    %scan3A_7 = arith.constant 0 : i32
    %scan3A_8 = arith.constant 0 : i32
    %scan3A_9 = arith.constant 8 : i32
    %scan3A_10 = arith.addi %scan3A_8, %scan3A_9 : i32
    %scan3A_11 = arith.constant 1 : i32
    %scan3A_12 = scf.for %scan3A_39 = %scan3A_8 to %scan3A_10 step %scan3A_11 iter_args(%scan3A_40 = %scan3A_7) -> (i32)  : i32 {
      %broadcast_in_dim3A = arith.constant 1.000000e+00 : f32
      %broadcast_in_dim3A_41 = vector.broadcast %broadcast_in_dim3A : f32 to vector<16xf32>
      %mul3A_42 = arith.constant 16 : i32
      %mul3A_43 = arith.muli %scan3A_39, %mul3A_42 : i32
      %swap3A = arith.index_cast %mul3A_43 : i32 to index
      %swap3A_44 = tpu.vector_load %arg8[%swap3A] {strides = array<i32>} : memref<128xf32, #tpu.memory_space<vmem>>, vector<16xf32>,
      %swap3A_45 = vector.shape_cast %swap3A_44 : vector<16xf32> to vector<16xf32>
      %swap3A_46 = vector.shape_cast %broadcast_in_dim3A_41 : vector<16xf32> to vector<16xf32>
      tpu.vector_store %arg8[%swap3A], %swap3A_46 {strides = array<i32>} : memref<128xf32, #tpu.memory_space<vmem>>, vector<16xf32>,
      %scan3A_47 = arith.constant 0 : i32
      scf.yield %scan3A_47 : i32
    }
    %scan3A_13 = arith.constant 8 : i32
    %mul3A_14 = arith.constant 640 : i32
    %mul3A_15 = arith.muli %arg1, %mul3A_14 : i32
    "tpu.region"() ({
      %run_scoped3A_39 = tpu.sem_alloc : memref<!tpu.dma_semaphore, #tpu.memory_space<semaphore_mem>>
      %dma_start3A = tpu.memref_slice %arg10[%mul3A_15] : memref<10240xf32, #tpu.memory_space<vmem_shared>> -> memref<640xf32, #tpu.memory_space<vmem_shared>>
      %dma_start3A_40 = tpu.memref_slice %arg10[%mul3A_15] : memref<10240xf32, #tpu.memory_space<vmem_shared>> -> memref<640xf32, #tpu.memory_space<vmem_shared>>
      tpu.enqueue_dma source(%arg9 : memref<640xf32, #tpu.memory_space<vmem>>) target(%dma_start3A_40 : memref<640xf32, #tpu.memory_space<vmem_shared>>) target_semaphore(%run_scoped3A_39 : memref<!tpu.dma_semaphore, #tpu.memory_space<semaphore_mem>>)
      %dma_wait3A = tpu.memref_slice %arg10[%mul3A_15] : memref<10240xf32, #tpu.memory_space<vmem_shared>> -> memref<640xf32, #tpu.memory_space<vmem_shared>>
      %dma_wait3A_41 = tpu.memref_slice %arg10[%mul3A_15] : memref<10240xf32, #tpu.memory_space<vmem_shared>> -> memref<640xf32, #tpu.memory_space<vmem_shared>>
      tpu.wait_dma2 semaphore(%run_scoped3A_39 : memref<!tpu.dma_semaphore, #tpu.memory_space<semaphore_mem>>) src(%arg9 : memref<640xf32, #tpu.memory_space<vmem>>) dst(%dma_wait3A_41 : memref<640xf32, #tpu.memory_space<vmem_shared>>)
      tpu.yield
    }) : () -> ()
    %eq3A = arith.constant 0 : i32
    %eq3A_16 = arith.cmpi eq, %arg1, %eq3A : i32
    %convert_element_type3A = arith.extui %eq3A_16 : i1 to i32
    %cond3A = arith.constant 0 : i32
    %cond3A_17 = arith.cmpi ne, %convert_element_type3A, %cond3A : i32
    scf.if %cond3A_17 {
      "tpu.region"() ({
        %run_scoped3A_39 = tpu.sem_alloc : memref<!tpu.dma_semaphore, #tpu.memory_space<semaphore_mem>>
        %dma_start3A = arith.constant 0 : i32
        %dma_start3A_40 = tpu.memref_slice %arg9[%dma_start3A] : memref<640xf32, #tpu.memory_space<vmem>> -> memref<320xf32, #tpu.memory_space<vmem>>
        %dma_start3A_41 = arith.constant 0 : i32
        %dma_start3A_42 = tpu.memref_slice %arg9[%dma_start3A_41] : memref<640xf32, #tpu.memory_space<vmem>> -> memref<320xf32, #tpu.memory_space<vmem>>
        tpu.enqueue_dma source(%dma_start3A_42 : memref<320xf32, #tpu.memory_space<vmem>>) target(%arg11 : memref<320xf32, #tpu.memory_space<vmem_shared>>) target_semaphore(%run_scoped3A_39 : memref<!tpu.dma_semaphore, #tpu.memory_space<semaphore_mem>>)
        %dma_wait3A = arith.constant 0 : i32
        %dma_wait3A_43 = tpu.memref_slice %arg9[%dma_wait3A] : memref<640xf32, #tpu.memory_space<vmem>> -> memref<320xf32, #tpu.memory_space<vmem>>
        %dma_wait3A_44 = arith.constant 0 : i32
        %dma_wait3A_45 = tpu.memref_slice %arg9[%dma_wait3A_44] : memref<640xf32, #tpu.memory_space<vmem>> -> memref<320xf32, #tpu.memory_space<vmem>>
        tpu.wait_dma2 semaphore(%run_scoped3A_39 : memref<!tpu.dma_semaphore, #tpu.memory_space<semaphore_mem>>) src(%dma_wait3A_45 : memref<320xf32, #tpu.memory_space<vmem>>) dst(%arg11 : memref<320xf32, #tpu.memory_space<vmem_shared>>)
        tpu.yield
      }) : () -> ()
    } else {
    }
    %barrier3A = arith.constant 0 : index
    tpu.barrier barrier_id(%barrier3A)
    "tpu.region"() ({
      %run_scoped3A_39 = tpu.sem_alloc : memref<!tpu.dma_semaphore, #tpu.memory_space<semaphore_mem>>
      %dma_start3A = arith.constant 0 : i32
      %dma_start3A_40 = arith.constant 0 : i32
      %dma_start3A_41 = tpu.memref_slice %arg2[%add3A, %dma_start3A, %dma_start3A_40] : memref<32x88x128xi32, #tpu.memory_space<hbm>> -> memref<1x88x128xi32, #tpu.memory_space<hbm>>
      %dma_start3A_42 = tpu.memref_squeeze %dma_start3A_41 : memref<1x88x128xi32, #tpu.memory_space<hbm>> -> memref<88x128xi32, #tpu.memory_space<hbm>>
      %dma_start3A_43 = arith.constant 0 : i32
      %dma_start3A_44 = arith.constant 0 : i32
      %dma_start3A_45 = tpu.memref_slice %arg2[%add3A, %dma_start3A_43, %dma_start3A_44] : memref<32x88x128xi32, #tpu.memory_space<hbm>> -> memref<1x88x128xi32, #tpu.memory_space<hbm>>
      %dma_start3A_46 = tpu.memref_squeeze %dma_start3A_45 : memref<1x88x128xi32, #tpu.memory_space<hbm>> -> memref<88x128xi32, #tpu.memory_space<hbm>>
      tpu.enqueue_dma source(%dma_start3A_46 : memref<88x128xi32, #tpu.memory_space<hbm>>) target(%arg6 : memref<88x128xi32, #tpu.memory_space<vmem>>) target_semaphore(%run_scoped3A_39 : memref<!tpu.dma_semaphore, #tpu.memory_space<semaphore_mem>>)
      %dma_wait3A = arith.constant 0 : i32
      %dma_wait3A_47 = arith.constant 0 : i32
      %dma_wait3A_48 = tpu.memref_slice %arg2[%add3A, %dma_wait3A, %dma_wait3A_47] : memref<32x88x128xi32, #tpu.memory_space<hbm>> -> memref<1x88x128xi32, #tpu.memory_space<hbm>>
      %dma_wait3A_49 = tpu.memref_squeeze %dma_wait3A_48 : memref<1x88x128xi32, #tpu.memory_space<hbm>> -> memref<88x128xi32, #tpu.memory_space<hbm>>
      %dma_wait3A_50 = arith.constant 0 : i32
      %dma_wait3A_51 = arith.constant 0 : i32
      %dma_wait3A_52 = tpu.memref_slice %arg2[%add3A, %dma_wait3A_50, %dma_wait3A_51] : memref<32x88x128xi32, #tpu.memory_space<hbm>> -> memref<1x88x128xi32, #tpu.memory_space<hbm>>
      %dma_wait3A_53 = tpu.memref_squeeze %dma_wait3A_52 : memref<1x88x128xi32, #tpu.memory_space<hbm>> -> memref<88x128xi32, #tpu.memory_space<hbm>>
      tpu.wait_dma2 semaphore(%run_scoped3A_39 : memref<!tpu.dma_semaphore, #tpu.memory_space<semaphore_mem>>) src(%dma_wait3A_53 : memref<88x128xi32, #tpu.memory_space<hbm>>) dst(%arg6 : memref<88x128xi32, #tpu.memory_space<vmem>>)
      tpu.yield
    }) : () -> ()
    "tpu.region"() ({
      %run_scoped3A_39 = tpu.sem_alloc : memref<!tpu.dma_semaphore, #tpu.memory_space<semaphore_mem>>
      %dma_start3A = arith.constant 0 : i32
      %dma_start3A_40 = arith.constant 0 : i32
      %dma_start3A_41 = tpu.memref_slice %arg3[%add3A, %dma_start3A, %dma_start3A_40] : memref<32x5x64xi32, #tpu.memory_space<hbm>> -> memref<1x5x64xi32, #tpu.memory_space<hbm>>
      %dma_start3A_42 = tpu.memref_squeeze %dma_start3A_41 : memref<1x5x64xi32, #tpu.memory_space<hbm>> -> memref<5x64xi32, #tpu.memory_space<hbm>>
      %dma_start3A_43 = arith.constant 0 : i32
      %dma_start3A_44 = arith.constant 0 : i32
      %dma_start3A_45 = tpu.memref_slice %arg3[%add3A, %dma_start3A_43, %dma_start3A_44] : memref<32x5x64xi32, #tpu.memory_space<hbm>> -> memref<1x5x64xi32, #tpu.memory_space<hbm>>
      %dma_start3A_46 = tpu.memref_squeeze %dma_start3A_45 : memref<1x5x64xi32, #tpu.memory_space<hbm>> -> memref<5x64xi32, #tpu.memory_space<hbm>>
      tpu.enqueue_dma source(%dma_start3A_46 : memref<5x64xi32, #tpu.memory_space<hbm>>) target(%arg7 : memref<5x64xi32, #tpu.memory_space<vmem>>) target_semaphore(%run_scoped3A_39 : memref<!tpu.dma_semaphore, #tpu.memory_space<semaphore_mem>>)
      %dma_wait3A = arith.constant 0 : i32
      %dma_wait3A_47 = arith.constant 0 : i32
      %dma_wait3A_48 = tpu.memref_slice %arg3[%add3A, %dma_wait3A, %dma_wait3A_47] : memref<32x5x64xi32, #tpu.memory_space<hbm>> -> memref<1x5x64xi32, #tpu.memory_space<hbm>>
      %dma_wait3A_49 = tpu.memref_squeeze %dma_wait3A_48 : memref<1x5x64xi32, #tpu.memory_space<hbm>> -> memref<5x64xi32, #tpu.memory_space<hbm>>
      %dma_wait3A_50 = arith.constant 0 : i32
      %dma_wait3A_51 = arith.constant 0 : i32
      %dma_wait3A_52 = tpu.memref_slice %arg3[%add3A, %dma_wait3A_50, %dma_wait3A_51] : memref<32x5x64xi32, #tpu.memory_space<hbm>> -> memref<1x5x64xi32, #tpu.memory_space<hbm>>
      %dma_wait3A_53 = tpu.memref_squeeze %dma_wait3A_52 : memref<1x5x64xi32, #tpu.memory_space<hbm>> -> memref<5x64xi32, #tpu.memory_space<hbm>>
      tpu.wait_dma2 semaphore(%run_scoped3A_39 : memref<!tpu.dma_semaphore, #tpu.memory_space<semaphore_mem>>) src(%dma_wait3A_53 : memref<5x64xi32, #tpu.memory_space<hbm>>) dst(%arg7 : memref<5x64xi32, #tpu.memory_space<vmem>>)
      tpu.yield
    }) : () -> ()
    %scan3A_18 = arith.constant 0 : i32
    %scan3A_19 = arith.constant 0 : i32
    %scan3A_20 = arith.constant 88 : i32
    %scan3A_21 = arith.addi %scan3A_19, %scan3A_20 : i32
    %scan3A_22 = arith.constant 1 : i32
    %scan3A_23 = scf.for %scan3A_39 = %scan3A_19 to %scan3A_21 step %scan3A_22 iter_args(%scan3A_40 = %scan3A_18) -> (i32)  : i32 {
      "tpu.region"() ({
        %run_scoped3A_42 = tpu.sem_alloc : memref<!tpu.dma_semaphore, #tpu.memory_space<semaphore_mem>>
        %dma_start3A = arith.constant 0 : i32
        %dma_start3A_43 = tpu.memref_slice %arg6[%scan3A_39, %dma_start3A] : memref<88x128xi32, #tpu.memory_space<vmem>> -> memref<1x128xi32, #tpu.memory_space<vmem>>
        %dma_start3A_44 = tpu.memref_squeeze %dma_start3A_43 : memref<1x128xi32, #tpu.memory_space<vmem>> -> memref<128xi32, #tpu.memory_space<vmem>>
        %dma_start3A_45 = arith.constant 0 : i32
        %dma_start3A_46 = tpu.memref_slice %arg10[%dma_start3A_45] : memref<10240xf32, #tpu.memory_space<vmem_shared>> -> memref<10240xf32, #tpu.memory_space<vmem_shared>>
        tpu.enqueue_indirect_dma source(%arg8 : memref<128xf32, #tpu.memory_space<vmem>>) target(%dma_start3A_46 : memref<10240xf32, #tpu.memory_space<vmem_shared>>) offsets(%dma_start3A_44 : memref<128xi32, #tpu.memory_space<vmem>>) semaphore(%run_scoped3A_42 : memref<!tpu.dma_semaphore, #tpu.memory_space<semaphore_mem>>) {add = true}
        %dma_wait3A = arith.constant 0 : i32
        %dma_wait3A_47 = tpu.memref_slice %arg6[%scan3A_39, %dma_wait3A] : memref<88x128xi32, #tpu.memory_space<vmem>> -> memref<1x128xi32, #tpu.memory_space<vmem>>
        %dma_wait3A_48 = tpu.memref_squeeze %dma_wait3A_47 : memref<1x128xi32, #tpu.memory_space<vmem>> -> memref<128xi32, #tpu.memory_space<vmem>>
        %dma_wait3A_49 = arith.constant 0 : i32
        %dma_wait3A_50 = tpu.memref_slice %arg10[%dma_wait3A_49] : memref<10240xf32, #tpu.memory_space<vmem_shared>> -> memref<10240xf32, #tpu.memory_space<vmem_shared>>
        tpu.wait_indirect_dma semaphore(%run_scoped3A_42 : memref<!tpu.dma_semaphore, #tpu.memory_space<semaphore_mem>>) src(%arg8 : memref<128xf32, #tpu.memory_space<vmem>>) dst(%dma_wait3A_50 : memref<10240xf32, #tpu.memory_space<vmem_shared>>)
        tpu.yield
      }) : () -> ()
      %scan3A_41 = arith.constant 0 : i32
      scf.yield %scan3A_41 : i32
    }
    %scan3A_24 = arith.constant 88 : i32
    %run_scoped3A = arith.constant 0 : i32
    "tpu.region"() ({
      %run_scoped3A_39 = tpu.sem_alloc : memref<!tpu.dma_semaphore, #tpu.memory_space<semaphore_mem>>
      %dma_start3A = arith.constant 0 : i32
      %dma_start3A_40 = tpu.memref_slice %arg8[%dma_start3A] : memref<128xf32, #tpu.memory_space<vmem>> -> memref<64xf32, #tpu.memory_space<vmem>>
      %dma_start3A_41 = arith.constant 0 : i32
      %dma_start3A_42 = tpu.memref_slice %arg7[%run_scoped3A, %dma_start3A_41] : memref<5x64xi32, #tpu.memory_space<vmem>> -> memref<1x64xi32, #tpu.memory_space<vmem>>
      %dma_start3A_43 = tpu.memref_squeeze %dma_start3A_42 : memref<1x64xi32, #tpu.memory_space<vmem>> -> memref<64xi32, #tpu.memory_space<vmem>>
      %dma_start3A_44 = arith.constant 0 : i32
      %dma_start3A_45 = tpu.memref_slice %arg11[%dma_start3A_44] : memref<320xf32, #tpu.memory_space<vmem_shared>> -> memref<320xf32, #tpu.memory_space<vmem_shared>>
      tpu.enqueue_indirect_dma source(%dma_start3A_40 : memref<64xf32, #tpu.memory_space<vmem>>) target(%dma_start3A_45 : memref<320xf32, #tpu.memory_space<vmem_shared>>) offsets(%dma_start3A_43 : memref<64xi32, #tpu.memory_space<vmem>>) semaphore(%run_scoped3A_39 : memref<!tpu.dma_semaphore, #tpu.memory_space<semaphore_mem>>) {add = true}
      %dma_wait3A = arith.constant 0 : i32
      %dma_wait3A_46 = tpu.memref_slice %arg8[%dma_wait3A] : memref<128xf32, #tpu.memory_space<vmem>> -> memref<64xf32, #tpu.memory_space<vmem>>
      %dma_wait3A_47 = arith.constant 0 : i32
      %dma_wait3A_48 = tpu.memref_slice %arg7[%run_scoped3A, %dma_wait3A_47] : memref<5x64xi32, #tpu.memory_space<vmem>> -> memref<1x64xi32, #tpu.memory_space<vmem>>
      %dma_wait3A_49 = tpu.memref_squeeze %dma_wait3A_48 : memref<1x64xi32, #tpu.memory_space<vmem>> -> memref<64xi32, #tpu.memory_space<vmem>>
      %dma_wait3A_50 = arith.constant 0 : i32
      %dma_wait3A_51 = tpu.memref_slice %arg11[%dma_wait3A_50] : memref<320xf32, #tpu.memory_space<vmem_shared>> -> memref<320xf32, #tpu.memory_space<vmem_shared>>
      tpu.wait_indirect_dma semaphore(%run_scoped3A_39 : memref<!tpu.dma_semaphore, #tpu.memory_space<semaphore_mem>>) src(%dma_wait3A_46 : memref<64xf32, #tpu.memory_space<vmem>>) dst(%dma_wait3A_51 : memref<320xf32, #tpu.memory_space<vmem_shared>>)
      tpu.yield
    }) : () -> ()
    %run_scoped3A_25 = arith.constant 1 : i32
    "tpu.region"() ({
      %run_scoped3A_39 = tpu.sem_alloc : memref<!tpu.dma_semaphore, #tpu.memory_space<semaphore_mem>>
      %dma_start3A = arith.constant 0 : i32
      %dma_start3A_40 = tpu.memref_slice %arg8[%dma_start3A] : memref<128xf32, #tpu.memory_space<vmem>> -> memref<64xf32, #tpu.memory_space<vmem>>
      %dma_start3A_41 = arith.constant 0 : i32
      %dma_start3A_42 = tpu.memref_slice %arg7[%run_scoped3A_25, %dma_start3A_41] : memref<5x64xi32, #tpu.memory_space<vmem>> -> memref<1x64xi32, #tpu.memory_space<vmem>>
      %dma_start3A_43 = tpu.memref_squeeze %dma_start3A_42 : memref<1x64xi32, #tpu.memory_space<vmem>> -> memref<64xi32, #tpu.memory_space<vmem>>
      %dma_start3A_44 = arith.constant 0 : i32
      %dma_start3A_45 = tpu.memref_slice %arg11[%dma_start3A_44] : memref<320xf32, #tpu.memory_space<vmem_shared>> -> memref<320xf32, #tpu.memory_space<vmem_shared>>
      tpu.enqueue_indirect_dma source(%dma_start3A_40 : memref<64xf32, #tpu.memory_space<vmem>>) target(%dma_start3A_45 : memref<320xf32, #tpu.memory_space<vmem_shared>>) offsets(%dma_start3A_43 : memref<64xi32, #tpu.memory_space<vmem>>) semaphore(%run_scoped3A_39 : memref<!tpu.dma_semaphore, #tpu.memory_space<semaphore_mem>>) {add = true}
      %dma_wait3A = arith.constant 0 : i32
      %dma_wait3A_46 = tpu.memref_slice %arg8[%dma_wait3A] : memref<128xf32, #tpu.memory_space<vmem>> -> memref<64xf32, #tpu.memory_space<vmem>>
      %dma_wait3A_47 = arith.constant 0 : i32
      %dma_wait3A_48 = tpu.memref_slice %arg7[%run_scoped3A_25, %dma_wait3A_47] : memref<5x64xi32, #tpu.memory_space<vmem>> -> memref<1x64xi32, #tpu.memory_space<vmem>>
      %dma_wait3A_49 = tpu.memref_squeeze %dma_wait3A_48 : memref<1x64xi32, #tpu.memory_space<vmem>> -> memref<64xi32, #tpu.memory_space<vmem>>
      %dma_wait3A_50 = arith.constant 0 : i32
      %dma_wait3A_51 = tpu.memref_slice %arg11[%dma_wait3A_50] : memref<320xf32, #tpu.memory_space<vmem_shared>> -> memref<320xf32, #tpu.memory_space<vmem_shared>>
      tpu.wait_indirect_dma semaphore(%run_scoped3A_39 : memref<!tpu.dma_semaphore, #tpu.memory_space<semaphore_mem>>) src(%dma_wait3A_46 : memref<64xf32, #tpu.memory_space<vmem>>) dst(%dma_wait3A_51 : memref<320xf32, #tpu.memory_space<vmem_shared>>)
      tpu.yield
    }) : () -> ()
    %run_scoped3A_26 = arith.constant 2 : i32
    "tpu.region"() ({
      %run_scoped3A_39 = tpu.sem_alloc : memref<!tpu.dma_semaphore, #tpu.memory_space<semaphore_mem>>
      %dma_start3A = arith.constant 0 : i32
      %dma_start3A_40 = tpu.memref_slice %arg8[%dma_start3A] : memref<128xf32, #tpu.memory_space<vmem>> -> memref<64xf32, #tpu.memory_space<vmem>>
      %dma_start3A_41 = arith.constant 0 : i32
      %dma_start3A_42 = tpu.memref_slice %arg7[%run_scoped3A_26, %dma_start3A_41] : memref<5x64xi32, #tpu.memory_space<vmem>> -> memref<1x64xi32, #tpu.memory_space<vmem>>
      %dma_start3A_43 = tpu.memref_squeeze %dma_start3A_42 : memref<1x64xi32, #tpu.memory_space<vmem>> -> memref<64xi32, #tpu.memory_space<vmem>>
      %dma_start3A_44 = arith.constant 0 : i32
      %dma_start3A_45 = tpu.memref_slice %arg11[%dma_start3A_44] : memref<320xf32, #tpu.memory_space<vmem_shared>> -> memref<320xf32, #tpu.memory_space<vmem_shared>>
      tpu.enqueue_indirect_dma source(%dma_start3A_40 : memref<64xf32, #tpu.memory_space<vmem>>) target(%dma_start3A_45 : memref<320xf32, #tpu.memory_space<vmem_shared>>) offsets(%dma_start3A_43 : memref<64xi32, #tpu.memory_space<vmem>>) semaphore(%run_scoped3A_39 : memref<!tpu.dma_semaphore, #tpu.memory_space<semaphore_mem>>) {add = true}
      %dma_wait3A = arith.constant 0 : i32
      %dma_wait3A_46 = tpu.memref_slice %arg8[%dma_wait3A] : memref<128xf32, #tpu.memory_space<vmem>> -> memref<64xf32, #tpu.memory_space<vmem>>
      %dma_wait3A_47 = arith.constant 0 : i32
      %dma_wait3A_48 = tpu.memref_slice %arg7[%run_scoped3A_26, %dma_wait3A_47] : memref<5x64xi32, #tpu.memory_space<vmem>> -> memref<1x64xi32, #tpu.memory_space<vmem>>
      %dma_wait3A_49 = tpu.memref_squeeze %dma_wait3A_48 : memref<1x64xi32, #tpu.memory_space<vmem>> -> memref<64xi32, #tpu.memory_space<vmem>>
      %dma_wait3A_50 = arith.constant 0 : i32
      %dma_wait3A_51 = tpu.memref_slice %arg11[%dma_wait3A_50] : memref<320xf32, #tpu.memory_space<vmem_shared>> -> memref<320xf32, #tpu.memory_space<vmem_shared>>
      tpu.wait_indirect_dma semaphore(%run_scoped3A_39 : memref<!tpu.dma_semaphore, #tpu.memory_space<semaphore_mem>>) src(%dma_wait3A_46 : memref<64xf32, #tpu.memory_space<vmem>>) dst(%dma_wait3A_51 : memref<320xf32, #tpu.memory_space<vmem_shared>>)
      tpu.yield
    }) : () -> ()
    %run_scoped3A_27 = arith.constant 3 : i32
    "tpu.region"() ({
      %run_scoped3A_39 = tpu.sem_alloc : memref<!tpu.dma_semaphore, #tpu.memory_space<semaphore_mem>>
      %dma_start3A = arith.constant 0 : i32
      %dma_start3A_40 = tpu.memref_slice %arg8[%dma_start3A] : memref<128xf32, #tpu.memory_space<vmem>> -> memref<64xf32, #tpu.memory_space<vmem>>
      %dma_start3A_41 = arith.constant 0 : i32
      %dma_start3A_42 = tpu.memref_slice %arg7[%run_scoped3A_27, %dma_start3A_41] : memref<5x64xi32, #tpu.memory_space<vmem>> -> memref<1x64xi32, #tpu.memory_space<vmem>>
      %dma_start3A_43 = tpu.memref_squeeze %dma_start3A_42 : memref<1x64xi32, #tpu.memory_space<vmem>> -> memref<64xi32, #tpu.memory_space<vmem>>
      %dma_start3A_44 = arith.constant 0 : i32
      %dma_start3A_45 = tpu.memref_slice %arg11[%dma_start3A_44] : memref<320xf32, #tpu.memory_space<vmem_shared>> -> memref<320xf32, #tpu.memory_space<vmem_shared>>
      tpu.enqueue_indirect_dma source(%dma_start3A_40 : memref<64xf32, #tpu.memory_space<vmem>>) target(%dma_start3A_45 : memref<320xf32, #tpu.memory_space<vmem_shared>>) offsets(%dma_start3A_43 : memref<64xi32, #tpu.memory_space<vmem>>) semaphore(%run_scoped3A_39 : memref<!tpu.dma_semaphore, #tpu.memory_space<semaphore_mem>>) {add = true}
      %dma_wait3A = arith.constant 0 : i32
      %dma_wait3A_46 = tpu.memref_slice %arg8[%dma_wait3A] : memref<128xf32, #tpu.memory_space<vmem>> -> memref<64xf32, #tpu.memory_space<vmem>>
      %dma_wait3A_47 = arith.constant 0 : i32
      %dma_wait3A_48 = tpu.memref_slice %arg7[%run_scoped3A_27, %dma_wait3A_47] : memref<5x64xi32, #tpu.memory_space<vmem>> -> memref<1x64xi32, #tpu.memory_space<vmem>>
      %dma_wait3A_49 = tpu.memref_squeeze %dma_wait3A_48 : memref<1x64xi32, #tpu.memory_space<vmem>> -> memref<64xi32, #tpu.memory_space<vmem>>
      %dma_wait3A_50 = arith.constant 0 : i32
      %dma_wait3A_51 = tpu.memref_slice %arg11[%dma_wait3A_50] : memref<320xf32, #tpu.memory_space<vmem_shared>> -> memref<320xf32, #tpu.memory_space<vmem_shared>>
      tpu.wait_indirect_dma semaphore(%run_scoped3A_39 : memref<!tpu.dma_semaphore, #tpu.memory_space<semaphore_mem>>) src(%dma_wait3A_46 : memref<64xf32, #tpu.memory_space<vmem>>) dst(%dma_wait3A_51 : memref<320xf32, #tpu.memory_space<vmem_shared>>)
      tpu.yield
    }) : () -> ()
    %run_scoped3A_28 = arith.constant 4 : i32
    "tpu.region"() ({
      %run_scoped3A_39 = tpu.sem_alloc : memref<!tpu.dma_semaphore, #tpu.memory_space<semaphore_mem>>
      %dma_start3A = arith.constant 0 : i32
      %dma_start3A_40 = tpu.memref_slice %arg8[%dma_start3A] : memref<128xf32, #tpu.memory_space<vmem>> -> memref<64xf32, #tpu.memory_space<vmem>>
      %dma_start3A_41 = arith.constant 0 : i32
      %dma_start3A_42 = tpu.memref_slice %arg7[%run_scoped3A_28, %dma_start3A_41] : memref<5x64xi32, #tpu.memory_space<vmem>> -> memref<1x64xi32, #tpu.memory_space<vmem>>
      %dma_start3A_43 = tpu.memref_squeeze %dma_start3A_42 : memref<1x64xi32, #tpu.memory_space<vmem>> -> memref<64xi32, #tpu.memory_space<vmem>>
      %dma_start3A_44 = arith.constant 0 : i32
      %dma_start3A_45 = tpu.memref_slice %arg11[%dma_start3A_44] : memref<320xf32, #tpu.memory_space<vmem_shared>> -> memref<320xf32, #tpu.memory_space<vmem_shared>>
      tpu.enqueue_indirect_dma source(%dma_start3A_40 : memref<64xf32, #tpu.memory_space<vmem>>) target(%dma_start3A_45 : memref<320xf32, #tpu.memory_space<vmem_shared>>) offsets(%dma_start3A_43 : memref<64xi32, #tpu.memory_space<vmem>>) semaphore(%run_scoped3A_39 : memref<!tpu.dma_semaphore, #tpu.memory_space<semaphore_mem>>) {add = true}
      %dma_wait3A = arith.constant 0 : i32
      %dma_wait3A_46 = tpu.memref_slice %arg8[%dma_wait3A] : memref<128xf32, #tpu.memory_space<vmem>> -> memref<64xf32, #tpu.memory_space<vmem>>
      %dma_wait3A_47 = arith.constant 0 : i32
      %dma_wait3A_48 = tpu.memref_slice %arg7[%run_scoped3A_28, %dma_wait3A_47] : memref<5x64xi32, #tpu.memory_space<vmem>> -> memref<1x64xi32, #tpu.memory_space<vmem>>
      %dma_wait3A_49 = tpu.memref_squeeze %dma_wait3A_48 : memref<1x64xi32, #tpu.memory_space<vmem>> -> memref<64xi32, #tpu.memory_space<vmem>>
      %dma_wait3A_50 = arith.constant 0 : i32
      %dma_wait3A_51 = tpu.memref_slice %arg11[%dma_wait3A_50] : memref<320xf32, #tpu.memory_space<vmem_shared>> -> memref<320xf32, #tpu.memory_space<vmem_shared>>
      tpu.wait_indirect_dma semaphore(%run_scoped3A_39 : memref<!tpu.dma_semaphore, #tpu.memory_space<semaphore_mem>>) src(%dma_wait3A_46 : memref<64xf32, #tpu.memory_space<vmem>>) dst(%dma_wait3A_51 : memref<320xf32, #tpu.memory_space<vmem_shared>>)
      tpu.yield
    }) : () -> ()
    %barrier3A_29 = arith.constant 0 : index
    tpu.barrier barrier_id(%barrier3A_29)
    %mul3A_30 = arith.constant 640 : i32
    %mul3A_31 = arith.muli %arg1, %mul3A_30 : i32
    %mul3A_32 = arith.constant 640 : i32
    %mul3A_33 = arith.muli %arg1, %mul3A_32 : i32
    "tpu.region"() ({
      %run_scoped3A_39 = tpu.sem_alloc : memref<!tpu.dma_semaphore, #tpu.memory_space<semaphore_mem>>
      %dma_start3A = tpu.memref_slice %arg4[%arg0, %mul3A_33] : memref<2x10240xf32, #tpu.memory_space<hbm>> -> memref<1x640xf32, #tpu.memory_space<hbm>>
      %dma_start3A_40 = tpu.memref_squeeze %dma_start3A : memref<1x640xf32, #tpu.memory_space<hbm>> -> memref<640xf32, #tpu.memory_space<hbm>>
      %dma_start3A_41 = tpu.memref_slice %arg10[%mul3A_31] : memref<10240xf32, #tpu.memory_space<vmem_shared>> -> memref<640xf32, #tpu.memory_space<vmem_shared>>
      tpu.enqueue_dma source(%dma_start3A_41 : memref<640xf32, #tpu.memory_space<vmem_shared>>) target(%dma_start3A_40 : memref<640xf32, #tpu.memory_space<hbm>>) target_semaphore(%run_scoped3A_39 : memref<!tpu.dma_semaphore, #tpu.memory_space<semaphore_mem>>)
      %dma_wait3A = tpu.memref_slice %arg4[%arg0, %mul3A_33] : memref<2x10240xf32, #tpu.memory_space<hbm>> -> memref<1x640xf32, #tpu.memory_space<hbm>>
      %dma_wait3A_42 = tpu.memref_squeeze %dma_wait3A : memref<1x640xf32, #tpu.memory_space<hbm>> -> memref<640xf32, #tpu.memory_space<hbm>>
      %dma_wait3A_43 = tpu.memref_slice %arg10[%mul3A_31] : memref<10240xf32, #tpu.memory_space<vmem_shared>> -> memref<640xf32, #tpu.memory_space<vmem_shared>>
      tpu.wait_dma2 semaphore(%run_scoped3A_39 : memref<!tpu.dma_semaphore, #tpu.memory_space<semaphore_mem>>) src(%dma_wait3A_43 : memref<640xf32, #tpu.memory_space<vmem_shared>>) dst(%dma_wait3A_42 : memref<640xf32, #tpu.memory_space<hbm>>)
      tpu.yield
    }) : () -> ()
    %eq3A_34 = arith.constant 0 : i32
    %eq3A_35 = arith.cmpi eq, %arg1, %eq3A_34 : i32
    %convert_element_type3A_36 = arith.extui %eq3A_35 : i1 to i32
    %cond3A_37 = arith.constant 0 : i32
    %cond3A_38 = arith.cmpi ne, %convert_element_type3A_36, %cond3A_37 : i32
    scf.if %cond3A_38 {
      "tpu.region"() ({
        %run_scoped3A_39 = tpu.sem_alloc : memref<!tpu.dma_semaphore, #tpu.memory_space<semaphore_mem>>
        %dma_start3A = arith.constant 0 : i32
        %dma_start3A_40 = tpu.memref_slice %arg5[%arg0, %dma_start3A] : memref<2x320xf32, #tpu.memory_space<hbm>> -> memref<1x320xf32, #tpu.memory_space<hbm>>
        %dma_start3A_41 = tpu.memref_squeeze %dma_start3A_40 : memref<1x320xf32, #tpu.memory_space<hbm>> -> memref<320xf32, #tpu.memory_space<hbm>>
        tpu.enqueue_dma source(%arg11 : memref<320xf32, #tpu.memory_space<vmem_shared>>) target(%dma_start3A_41 : memref<320xf32, #tpu.memory_space<hbm>>) target_semaphore(%run_scoped3A_39 : memref<!tpu.dma_semaphore, #tpu.memory_space<semaphore_mem>>)
        %dma_wait3A = arith.constant 0 : i32
        %dma_wait3A_42 = tpu.memref_slice %arg5[%arg0, %dma_wait3A] : memref<2x320xf32, #tpu.memory_space<hbm>> -> memref<1x320xf32, #tpu.memory_space<hbm>>
        %dma_wait3A_43 = tpu.memref_squeeze %dma_wait3A_42 : memref<1x320xf32, #tpu.memory_space<hbm>> -> memref<320xf32, #tpu.memory_space<hbm>>
        tpu.wait_dma2 semaphore(%run_scoped3A_39 : memref<!tpu.dma_semaphore, #tpu.memory_space<semaphore_mem>>) src(%arg11 : memref<320xf32, #tpu.memory_space<vmem_shared>>) dst(%dma_wait3A_43 : memref<320xf32, #tpu.memory_space<hbm>>)
        tpu.yield
      }) : () -> ()
    } else {
    }
    return
  }
}

#map = affine_map<(d0, d1) -> (0, 0)>
#map1 = affine_map<(d0, d1) -> (0, 0, 0)>
module attributes {stable_mosaic.version = 14 : i64} {
  func.func @_sc_agg(%arg0: i32, %arg1: i32, %arg2: memref<10240x64xf32, #tpu.memory_space<hbm>>, %arg3: memref<32x88x128xi32, #tpu.memory_space<hbm>>, %arg4: memref<32x88x128xi32, #tpu.memory_space<hbm>>, %arg5: memref<2x10240x64xf32, #tpu.memory_space<hbm>>, %arg6: memref<88x128xi32, #tpu.memory_space<vmem>>, %arg7: memref<88x128xi32, #tpu.memory_space<vmem>>, %arg8: memref<128x64xf32, #tpu.memory_space<vmem>>, %arg9: memref<10240x64xf32, #tpu.memory_space<vmem_shared>>) attributes {dimension_semantics = [#tpu.dimension_semantics<core_parallel>, #tpu.dimension_semantics<subcore_parallel>], iteration_bounds = array<i64: 2, 16>, scalar_prefetch = 0 : i64, scratch_operands = 4 : i64, tpu.core_type = #tpu.core_type<sc_vector_subcore>, window_params = [{transform_indices = #map}, {transform_indices = #map1}, {transform_indices = #map1}, {transform_indices = #map1}]} {
    %mul3A = arith.constant 16 : i32
    %mul3A_0 = arith.muli %arg0, %mul3A : i32
    %add3A = arith.addi %mul3A_0, %arg1 : i32
    %scan3A = arith.constant 0 : i32
    %scan3A_1 = arith.constant 0 : i32
    %scan3A_2 = arith.constant 512 : i32
    %scan3A_3 = arith.addi %scan3A_1, %scan3A_2 : i32
    %scan3A_4 = arith.constant 1 : i32
    %scan3A_5 = scf.for %scan3A_39 = %scan3A_1 to %scan3A_3 step %scan3A_4 iter_args(%scan3A_40 = %scan3A) -> (i32)  : i32 {
      %broadcast_in_dim3A = arith.constant 0.000000e+00 : f32
      %broadcast_in_dim3A_41 = vector.broadcast %broadcast_in_dim3A : f32 to vector<16xf32>
      %shift_right_arithmetic3A = arith.constant 2 : i32
      %shift_right_arithmetic3A_42 = arith.shrsi %scan3A_39, %shift_right_arithmetic3A : i32
      %and3A = arith.constant 3 : i32
      %and3A_43 = arith.andi %scan3A_39, %and3A : i32
      %mul3A_44 = arith.constant 16 : i32
      %mul3A_45 = arith.muli %and3A_43, %mul3A_44 : i32
      %swap3A = arith.index_cast %shift_right_arithmetic3A_42 : i32 to index
      %swap3A_46 = arith.index_cast %mul3A_45 : i32 to index
      %swap3A_47 = tpu.vector_load %arg8[%swap3A, %swap3A_46] {strides = array<i32>} : memref<128x64xf32, #tpu.memory_space<vmem>>, vector<1x16xf32>,
      %swap3A_48 = vector.shape_cast %swap3A_47 : vector<1x16xf32> to vector<16xf32>
      %swap3A_49 = vector.shape_cast %broadcast_in_dim3A_41 : vector<16xf32> to vector<1x16xf32>
      tpu.vector_store %arg8[%swap3A, %swap3A_46], %swap3A_49 {strides = array<i32>} : memref<128x64xf32, #tpu.memory_space<vmem>>, vector<1x16xf32>,
      %scan3A_50 = arith.constant 0 : i32
      scf.yield %scan3A_50 : i32
    }
    %scan3A_6 = arith.constant 512 : i32
    %mul3A_7 = arith.constant 640 : i32
    %mul3A_8 = arith.muli %arg1, %mul3A_7 : i32
    %add3A_9 = arith.constant 0 : i32
    %add3A_10 = arith.addi %mul3A_8, %add3A_9 : i32
    "tpu.region"() ({
      %run_scoped3A = tpu.sem_alloc : memref<!tpu.dma_semaphore, #tpu.memory_space<semaphore_mem>>
      %dma_start3A = arith.constant 0 : i32
      %dma_start3A_39 = tpu.memref_slice %arg9[%add3A_10, %dma_start3A] : memref<10240x64xf32, #tpu.memory_space<vmem_shared>> -> memref<128x64xf32, #tpu.memory_space<vmem_shared>>
      %dma_start3A_40 = arith.constant 0 : i32
      %dma_start3A_41 = tpu.memref_slice %arg9[%add3A_10, %dma_start3A_40] : memref<10240x64xf32, #tpu.memory_space<vmem_shared>> -> memref<128x64xf32, #tpu.memory_space<vmem_shared>>
      tpu.enqueue_dma source(%arg8 : memref<128x64xf32, #tpu.memory_space<vmem>>) target(%dma_start3A_41 : memref<128x64xf32, #tpu.memory_space<vmem_shared>>) target_semaphore(%run_scoped3A : memref<!tpu.dma_semaphore, #tpu.memory_space<semaphore_mem>>)
      %dma_wait3A = arith.constant 0 : i32
      %dma_wait3A_42 = tpu.memref_slice %arg9[%add3A_10, %dma_wait3A] : memref<10240x64xf32, #tpu.memory_space<vmem_shared>> -> memref<128x64xf32, #tpu.memory_space<vmem_shared>>
      %dma_wait3A_43 = arith.constant 0 : i32
      %dma_wait3A_44 = tpu.memref_slice %arg9[%add3A_10, %dma_wait3A_43] : memref<10240x64xf32, #tpu.memory_space<vmem_shared>> -> memref<128x64xf32, #tpu.memory_space<vmem_shared>>
      tpu.wait_dma2 semaphore(%run_scoped3A : memref<!tpu.dma_semaphore, #tpu.memory_space<semaphore_mem>>) src(%arg8 : memref<128x64xf32, #tpu.memory_space<vmem>>) dst(%dma_wait3A_44 : memref<128x64xf32, #tpu.memory_space<vmem_shared>>)
      tpu.yield
    }) : () -> ()
    %mul3A_11 = arith.constant 640 : i32
    %mul3A_12 = arith.muli %arg1, %mul3A_11 : i32
    %add3A_13 = arith.constant 128 : i32
    %add3A_14 = arith.addi %mul3A_12, %add3A_13 : i32
    "tpu.region"() ({
      %run_scoped3A = tpu.sem_alloc : memref<!tpu.dma_semaphore, #tpu.memory_space<semaphore_mem>>
      %dma_start3A = arith.constant 0 : i32
      %dma_start3A_39 = tpu.memref_slice %arg9[%add3A_14, %dma_start3A] : memref<10240x64xf32, #tpu.memory_space<vmem_shared>> -> memref<128x64xf32, #tpu.memory_space<vmem_shared>>
      %dma_start3A_40 = arith.constant 0 : i32
      %dma_start3A_41 = tpu.memref_slice %arg9[%add3A_14, %dma_start3A_40] : memref<10240x64xf32, #tpu.memory_space<vmem_shared>> -> memref<128x64xf32, #tpu.memory_space<vmem_shared>>
      tpu.enqueue_dma source(%arg8 : memref<128x64xf32, #tpu.memory_space<vmem>>) target(%dma_start3A_41 : memref<128x64xf32, #tpu.memory_space<vmem_shared>>) target_semaphore(%run_scoped3A : memref<!tpu.dma_semaphore, #tpu.memory_space<semaphore_mem>>)
      %dma_wait3A = arith.constant 0 : i32
      %dma_wait3A_42 = tpu.memref_slice %arg9[%add3A_14, %dma_wait3A] : memref<10240x64xf32, #tpu.memory_space<vmem_shared>> -> memref<128x64xf32, #tpu.memory_space<vmem_shared>>
      %dma_wait3A_43 = arith.constant 0 : i32
      %dma_wait3A_44 = tpu.memref_slice %arg9[%add3A_14, %dma_wait3A_43] : memref<10240x64xf32, #tpu.memory_space<vmem_shared>> -> memref<128x64xf32, #tpu.memory_space<vmem_shared>>
      tpu.wait_dma2 semaphore(%run_scoped3A : memref<!tpu.dma_semaphore, #tpu.memory_space<semaphore_mem>>) src(%arg8 : memref<128x64xf32, #tpu.memory_space<vmem>>) dst(%dma_wait3A_44 : memref<128x64xf32, #tpu.memory_space<vmem_shared>>)
      tpu.yield
    }) : () -> ()
    %mul3A_15 = arith.constant 640 : i32
    %mul3A_16 = arith.muli %arg1, %mul3A_15 : i32
    %add3A_17 = arith.constant 256 : i32
    %add3A_18 = arith.addi %mul3A_16, %add3A_17 : i32
    "tpu.region"() ({
      %run_scoped3A = tpu.sem_alloc : memref<!tpu.dma_semaphore, #tpu.memory_space<semaphore_mem>>
      %dma_start3A = arith.constant 0 : i32
      %dma_start3A_39 = tpu.memref_slice %arg9[%add3A_18, %dma_start3A] : memref<10240x64xf32, #tpu.memory_space<vmem_shared>> -> memref<128x64xf32, #tpu.memory_space<vmem_shared>>
      %dma_start3A_40 = arith.constant 0 : i32
      %dma_start3A_41 = tpu.memref_slice %arg9[%add3A_18, %dma_start3A_40] : memref<10240x64xf32, #tpu.memory_space<vmem_shared>> -> memref<128x64xf32, #tpu.memory_space<vmem_shared>>
      tpu.enqueue_dma source(%arg8 : memref<128x64xf32, #tpu.memory_space<vmem>>) target(%dma_start3A_41 : memref<128x64xf32, #tpu.memory_space<vmem_shared>>) target_semaphore(%run_scoped3A : memref<!tpu.dma_semaphore, #tpu.memory_space<semaphore_mem>>)
      %dma_wait3A = arith.constant 0 : i32
      %dma_wait3A_42 = tpu.memref_slice %arg9[%add3A_18, %dma_wait3A] : memref<10240x64xf32, #tpu.memory_space<vmem_shared>> -> memref<128x64xf32, #tpu.memory_space<vmem_shared>>
      %dma_wait3A_43 = arith.constant 0 : i32
      %dma_wait3A_44 = tpu.memref_slice %arg9[%add3A_18, %dma_wait3A_43] : memref<10240x64xf32, #tpu.memory_space<vmem_shared>> -> memref<128x64xf32, #tpu.memory_space<vmem_shared>>
      tpu.wait_dma2 semaphore(%run_scoped3A : memref<!tpu.dma_semaphore, #tpu.memory_space<semaphore_mem>>) src(%arg8 : memref<128x64xf32, #tpu.memory_space<vmem>>) dst(%dma_wait3A_44 : memref<128x64xf32, #tpu.memory_space<vmem_shared>>)
      tpu.yield
    }) : () -> ()
    %mul3A_19 = arith.constant 640 : i32
    %mul3A_20 = arith.muli %arg1, %mul3A_19 : i32
    %add3A_21 = arith.constant 384 : i32
    %add3A_22 = arith.addi %mul3A_20, %add3A_21 : i32
    "tpu.region"() ({
      %run_scoped3A = tpu.sem_alloc : memref<!tpu.dma_semaphore, #tpu.memory_space<semaphore_mem>>
      %dma_start3A = arith.constant 0 : i32
      %dma_start3A_39 = tpu.memref_slice %arg9[%add3A_22, %dma_start3A] : memref<10240x64xf32, #tpu.memory_space<vmem_shared>> -> memref<128x64xf32, #tpu.memory_space<vmem_shared>>
      %dma_start3A_40 = arith.constant 0 : i32
      %dma_start3A_41 = tpu.memref_slice %arg9[%add3A_22, %dma_start3A_40] : memref<10240x64xf32, #tpu.memory_space<vmem_shared>> -> memref<128x64xf32, #tpu.memory_space<vmem_shared>>
      tpu.enqueue_dma source(%arg8 : memref<128x64xf32, #tpu.memory_space<vmem>>) target(%dma_start3A_41 : memref<128x64xf32, #tpu.memory_space<vmem_shared>>) target_semaphore(%run_scoped3A : memref<!tpu.dma_semaphore, #tpu.memory_space<semaphore_mem>>)
      %dma_wait3A = arith.constant 0 : i32
      %dma_wait3A_42 = tpu.memref_slice %arg9[%add3A_22, %dma_wait3A] : memref<10240x64xf32, #tpu.memory_space<vmem_shared>> -> memref<128x64xf32, #tpu.memory_space<vmem_shared>>
      %dma_wait3A_43 = arith.constant 0 : i32
      %dma_wait3A_44 = tpu.memref_slice %arg9[%add3A_22, %dma_wait3A_43] : memref<10240x64xf32, #tpu.memory_space<vmem_shared>> -> memref<128x64xf32, #tpu.memory_space<vmem_shared>>
      tpu.wait_dma2 semaphore(%run_scoped3A : memref<!tpu.dma_semaphore, #tpu.memory_space<semaphore_mem>>) src(%arg8 : memref<128x64xf32, #tpu.memory_space<vmem>>) dst(%dma_wait3A_44 : memref<128x64xf32, #tpu.memory_space<vmem_shared>>)
      tpu.yield
    }) : () -> ()
    %mul3A_23 = arith.constant 640 : i32
    %mul3A_24 = arith.muli %arg1, %mul3A_23 : i32
    %add3A_25 = arith.constant 512 : i32
    %add3A_26 = arith.addi %mul3A_24, %add3A_25 : i32
    "tpu.region"() ({
      %run_scoped3A = tpu.sem_alloc : memref<!tpu.dma_semaphore, #tpu.memory_space<semaphore_mem>>
      %dma_start3A = arith.constant 0 : i32
      %dma_start3A_39 = tpu.memref_slice %arg9[%add3A_26, %dma_start3A] : memref<10240x64xf32, #tpu.memory_space<vmem_shared>> -> memref<128x64xf32, #tpu.memory_space<vmem_shared>>
      %dma_start3A_40 = arith.constant 0 : i32
      %dma_start3A_41 = tpu.memref_slice %arg9[%add3A_26, %dma_start3A_40] : memref<10240x64xf32, #tpu.memory_space<vmem_shared>> -> memref<128x64xf32, #tpu.memory_space<vmem_shared>>
      tpu.enqueue_dma source(%arg8 : memref<128x64xf32, #tpu.memory_space<vmem>>) target(%dma_start3A_41 : memref<128x64xf32, #tpu.memory_space<vmem_shared>>) target_semaphore(%run_scoped3A : memref<!tpu.dma_semaphore, #tpu.memory_space<semaphore_mem>>)
      %dma_wait3A = arith.constant 0 : i32
      %dma_wait3A_42 = tpu.memref_slice %arg9[%add3A_26, %dma_wait3A] : memref<10240x64xf32, #tpu.memory_space<vmem_shared>> -> memref<128x64xf32, #tpu.memory_space<vmem_shared>>
      %dma_wait3A_43 = arith.constant 0 : i32
      %dma_wait3A_44 = tpu.memref_slice %arg9[%add3A_26, %dma_wait3A_43] : memref<10240x64xf32, #tpu.memory_space<vmem_shared>> -> memref<128x64xf32, #tpu.memory_space<vmem_shared>>
      tpu.wait_dma2 semaphore(%run_scoped3A : memref<!tpu.dma_semaphore, #tpu.memory_space<semaphore_mem>>) src(%arg8 : memref<128x64xf32, #tpu.memory_space<vmem>>) dst(%dma_wait3A_44 : memref<128x64xf32, #tpu.memory_space<vmem_shared>>)
      tpu.yield
    }) : () -> ()
    %barrier3A = arith.constant 0 : index
    tpu.barrier barrier_id(%barrier3A)
    "tpu.region"() ({
      %run_scoped3A = tpu.sem_alloc : memref<!tpu.dma_semaphore, #tpu.memory_space<semaphore_mem>>
      %dma_start3A = arith.constant 0 : i32
      %dma_start3A_39 = arith.constant 0 : i32
      %dma_start3A_40 = tpu.memref_slice %arg3[%add3A, %dma_start3A, %dma_start3A_39] : memref<32x88x128xi32, #tpu.memory_space<hbm>> -> memref<1x88x128xi32, #tpu.memory_space<hbm>>
      %dma_start3A_41 = tpu.memref_squeeze %dma_start3A_40 : memref<1x88x128xi32, #tpu.memory_space<hbm>> -> memref<88x128xi32, #tpu.memory_space<hbm>>
      %dma_start3A_42 = arith.constant 0 : i32
      %dma_start3A_43 = arith.constant 0 : i32
      %dma_start3A_44 = tpu.memref_slice %arg3[%add3A, %dma_start3A_42, %dma_start3A_43] : memref<32x88x128xi32, #tpu.memory_space<hbm>> -> memref<1x88x128xi32, #tpu.memory_space<hbm>>
      %dma_start3A_45 = tpu.memref_squeeze %dma_start3A_44 : memref<1x88x128xi32, #tpu.memory_space<hbm>> -> memref<88x128xi32, #tpu.memory_space<hbm>>
      tpu.enqueue_dma source(%dma_start3A_45 : memref<88x128xi32, #tpu.memory_space<hbm>>) target(%arg6 : memref<88x128xi32, #tpu.memory_space<vmem>>) target_semaphore(%run_scoped3A : memref<!tpu.dma_semaphore, #tpu.memory_space<semaphore_mem>>)
      %dma_wait3A = arith.constant 0 : i32
      %dma_wait3A_46 = arith.constant 0 : i32
      %dma_wait3A_47 = tpu.memref_slice %arg3[%add3A, %dma_wait3A, %dma_wait3A_46] : memref<32x88x128xi32, #tpu.memory_space<hbm>> -> memref<1x88x128xi32, #tpu.memory_space<hbm>>
      %dma_wait3A_48 = tpu.memref_squeeze %dma_wait3A_47 : memref<1x88x128xi32, #tpu.memory_space<hbm>> -> memref<88x128xi32, #tpu.memory_space<hbm>>
      %dma_wait3A_49 = arith.constant 0 : i32
      %dma_wait3A_50 = arith.constant 0 : i32
      %dma_wait3A_51 = tpu.memref_slice %arg3[%add3A, %dma_wait3A_49, %dma_wait3A_50] : memref<32x88x128xi32, #tpu.memory_space<hbm>> -> memref<1x88x128xi32, #tpu.memory_space<hbm>>
      %dma_wait3A_52 = tpu.memref_squeeze %dma_wait3A_51 : memref<1x88x128xi32, #tpu.memory_space<hbm>> -> memref<88x128xi32, #tpu.memory_space<hbm>>
      tpu.wait_dma2 semaphore(%run_scoped3A : memref<!tpu.dma_semaphore, #tpu.memory_space<semaphore_mem>>) src(%dma_wait3A_52 : memref<88x128xi32, #tpu.memory_space<hbm>>) dst(%arg6 : memref<88x128xi32, #tpu.memory_space<vmem>>)
      tpu.yield
    }) : () -> ()
    "tpu.region"() ({
      %run_scoped3A = tpu.sem_alloc : memref<!tpu.dma_semaphore, #tpu.memory_space<semaphore_mem>>
      %dma_start3A = arith.constant 0 : i32
      %dma_start3A_39 = arith.constant 0 : i32
      %dma_start3A_40 = tpu.memref_slice %arg4[%add3A, %dma_start3A, %dma_start3A_39] : memref<32x88x128xi32, #tpu.memory_space<hbm>> -> memref<1x88x128xi32, #tpu.memory_space<hbm>>
      %dma_start3A_41 = tpu.memref_squeeze %dma_start3A_40 : memref<1x88x128xi32, #tpu.memory_space<hbm>> -> memref<88x128xi32, #tpu.memory_space<hbm>>
      %dma_start3A_42 = arith.constant 0 : i32
      %dma_start3A_43 = arith.constant 0 : i32
      %dma_start3A_44 = tpu.memref_slice %arg4[%add3A, %dma_start3A_42, %dma_start3A_43] : memref<32x88x128xi32, #tpu.memory_space<hbm>> -> memref<1x88x128xi32, #tpu.memory_space<hbm>>
      %dma_start3A_45 = tpu.memref_squeeze %dma_start3A_44 : memref<1x88x128xi32, #tpu.memory_space<hbm>> -> memref<88x128xi32, #tpu.memory_space<hbm>>
      tpu.enqueue_dma source(%dma_start3A_45 : memref<88x128xi32, #tpu.memory_space<hbm>>) target(%arg7 : memref<88x128xi32, #tpu.memory_space<vmem>>) target_semaphore(%run_scoped3A : memref<!tpu.dma_semaphore, #tpu.memory_space<semaphore_mem>>)
      %dma_wait3A = arith.constant 0 : i32
      %dma_wait3A_46 = arith.constant 0 : i32
      %dma_wait3A_47 = tpu.memref_slice %arg4[%add3A, %dma_wait3A, %dma_wait3A_46] : memref<32x88x128xi32, #tpu.memory_space<hbm>> -> memref<1x88x128xi32, #tpu.memory_space<hbm>>
      %dma_wait3A_48 = tpu.memref_squeeze %dma_wait3A_47 : memref<1x88x128xi32, #tpu.memory_space<hbm>> -> memref<88x128xi32, #tpu.memory_space<hbm>>
      %dma_wait3A_49 = arith.constant 0 : i32
      %dma_wait3A_50 = arith.constant 0 : i32
      %dma_wait3A_51 = tpu.memref_slice %arg4[%add3A, %dma_wait3A_49, %dma_wait3A_50] : memref<32x88x128xi32, #tpu.memory_space<hbm>> -> memref<1x88x128xi32, #tpu.memory_space<hbm>>
      %dma_wait3A_52 = tpu.memref_squeeze %dma_wait3A_51 : memref<1x88x128xi32, #tpu.memory_space<hbm>> -> memref<88x128xi32, #tpu.memory_space<hbm>>
      tpu.wait_dma2 semaphore(%run_scoped3A : memref<!tpu.dma_semaphore, #tpu.memory_space<semaphore_mem>>) src(%dma_wait3A_52 : memref<88x128xi32, #tpu.memory_space<hbm>>) dst(%arg7 : memref<88x128xi32, #tpu.memory_space<vmem>>)
      tpu.yield
    }) : () -> ()
    %scan3A_27 = arith.constant 0 : i32
    %scan3A_28 = arith.constant 0 : i32
    %scan3A_29 = arith.constant 88 : i32
    %scan3A_30 = arith.addi %scan3A_28, %scan3A_29 : i32
    %scan3A_31 = arith.constant 1 : i32
    %scan3A_32 = scf.for %scan3A_39 = %scan3A_28 to %scan3A_30 step %scan3A_31 iter_args(%scan3A_40 = %scan3A_27) -> (i32)  : i32 {
      "tpu.region"() ({
        %run_scoped3A = tpu.sem_alloc : memref<!tpu.dma_semaphore, #tpu.memory_space<semaphore_mem>>
        %dma_start3A = arith.constant 0 : i32
        %dma_start3A_42 = tpu.memref_slice %arg6[%scan3A_39, %dma_start3A] : memref<88x128xi32, #tpu.memory_space<vmem>> -> memref<1x128xi32, #tpu.memory_space<vmem>>
        %dma_start3A_43 = tpu.memref_squeeze %dma_start3A_42 : memref<1x128xi32, #tpu.memory_space<vmem>> -> memref<128xi32, #tpu.memory_space<vmem>>
        %dma_start3A_44 = arith.constant 0 : i32
        %dma_start3A_45 = arith.constant 0 : i32
        %dma_start3A_46 = tpu.memref_slice %arg2[%dma_start3A_44, %dma_start3A_45] : memref<10240x64xf32, #tpu.memory_space<hbm>> -> memref<10240x64xf32, #tpu.memory_space<hbm>>
        tpu.enqueue_indirect_dma source(%dma_start3A_46 : memref<10240x64xf32, #tpu.memory_space<hbm>>) target(%arg8 : memref<128x64xf32, #tpu.memory_space<vmem>>) offsets(%dma_start3A_43 : memref<128xi32, #tpu.memory_space<vmem>>) semaphore(%run_scoped3A : memref<!tpu.dma_semaphore, #tpu.memory_space<semaphore_mem>>)
        %dma_wait3A = arith.constant 0 : i32
        %dma_wait3A_47 = tpu.memref_slice %arg6[%scan3A_39, %dma_wait3A] : memref<88x128xi32, #tpu.memory_space<vmem>> -> memref<1x128xi32, #tpu.memory_space<vmem>>
        %dma_wait3A_48 = tpu.memref_squeeze %dma_wait3A_47 : memref<1x128xi32, #tpu.memory_space<vmem>> -> memref<128xi32, #tpu.memory_space<vmem>>
        %dma_wait3A_49 = arith.constant 0 : i32
        %dma_wait3A_50 = arith.constant 0 : i32
        %dma_wait3A_51 = tpu.memref_slice %arg2[%dma_wait3A_49, %dma_wait3A_50] : memref<10240x64xf32, #tpu.memory_space<hbm>> -> memref<10240x64xf32, #tpu.memory_space<hbm>>
        tpu.wait_indirect_dma semaphore(%run_scoped3A : memref<!tpu.dma_semaphore, #tpu.memory_space<semaphore_mem>>) src(%dma_wait3A_51 : memref<10240x64xf32, #tpu.memory_space<hbm>>) dst(%arg8 : memref<128x64xf32, #tpu.memory_space<vmem>>)
        tpu.yield
      }) : () -> ()
      "tpu.region"() ({
        %run_scoped3A = tpu.sem_alloc : memref<!tpu.dma_semaphore, #tpu.memory_space<semaphore_mem>>
        %dma_start3A = arith.constant 0 : i32
        %dma_start3A_42 = tpu.memref_slice %arg7[%scan3A_39, %dma_start3A] : memref<88x128xi32, #tpu.memory_space<vmem>> -> memref<1x128xi32, #tpu.memory_space<vmem>>
        %dma_start3A_43 = tpu.memref_squeeze %dma_start3A_42 : memref<1x128xi32, #tpu.memory_space<vmem>> -> memref<128xi32, #tpu.memory_space<vmem>>
        %dma_start3A_44 = arith.constant 0 : i32
        %dma_start3A_45 = arith.constant 0 : i32
        %dma_start3A_46 = tpu.memref_slice %arg9[%dma_start3A_44, %dma_start3A_45] : memref<10240x64xf32, #tpu.memory_space<vmem_shared>> -> memref<10240x64xf32, #tpu.memory_space<vmem_shared>>
        tpu.enqueue_indirect_dma source(%arg8 : memref<128x64xf32, #tpu.memory_space<vmem>>) target(%dma_start3A_46 : memref<10240x64xf32, #tpu.memory_space<vmem_shared>>) offsets(%dma_start3A_43 : memref<128xi32, #tpu.memory_space<vmem>>) semaphore(%run_scoped3A : memref<!tpu.dma_semaphore, #tpu.memory_space<semaphore_mem>>) {add = true}
        %dma_wait3A = arith.constant 0 : i32
        %dma_wait3A_47 = tpu.memref_slice %arg7[%scan3A_39, %dma_wait3A] : memref<88x128xi32, #tpu.memory_space<vmem>> -> memref<1x128xi32, #tpu.memory_space<vmem>>
        %dma_wait3A_48 = tpu.memref_squeeze %dma_wait3A_47 : memref<1x128xi32, #tpu.memory_space<vmem>> -> memref<128xi32, #tpu.memory_space<vmem>>
        %dma_wait3A_49 = arith.constant 0 : i32
        %dma_wait3A_50 = arith.constant 0 : i32
        %dma_wait3A_51 = tpu.memref_slice %arg9[%dma_wait3A_49, %dma_wait3A_50] : memref<10240x64xf32, #tpu.memory_space<vmem_shared>> -> memref<10240x64xf32, #tpu.memory_space<vmem_shared>>
        tpu.wait_indirect_dma semaphore(%run_scoped3A : memref<!tpu.dma_semaphore, #tpu.memory_space<semaphore_mem>>) src(%arg8 : memref<128x64xf32, #tpu.memory_space<vmem>>) dst(%dma_wait3A_51 : memref<10240x64xf32, #tpu.memory_space<vmem_shared>>)
        tpu.yield
      }) : () -> ()
      %scan3A_41 = arith.constant 0 : i32
      scf.yield %scan3A_41 : i32
    }
    %scan3A_33 = arith.constant 88 : i32
    %barrier3A_34 = arith.constant 0 : index
    tpu.barrier barrier_id(%barrier3A_34)
    %mul3A_35 = arith.constant 640 : i32
    %mul3A_36 = arith.muli %arg1, %mul3A_35 : i32
    %mul3A_37 = arith.constant 640 : i32
    %mul3A_38 = arith.muli %arg1, %mul3A_37 : i32
    "tpu.region"() ({
      %run_scoped3A = tpu.sem_alloc : memref<!tpu.dma_semaphore, #tpu.memory_space<semaphore_mem>>
      %dma_start3A = arith.constant 0 : i32
      %dma_start3A_39 = tpu.memref_slice %arg5[%arg0, %mul3A_38, %dma_start3A] : memref<2x10240x64xf32, #tpu.memory_space<hbm>> -> memref<1x640x64xf32, #tpu.memory_space<hbm>>
      %dma_start3A_40 = tpu.memref_squeeze %dma_start3A_39 : memref<1x640x64xf32, #tpu.memory_space<hbm>> -> memref<640x64xf32, #tpu.memory_space<hbm>>
      %dma_start3A_41 = arith.constant 0 : i32
      %dma_start3A_42 = tpu.memref_slice %arg9[%mul3A_36, %dma_start3A_41] : memref<10240x64xf32, #tpu.memory_space<vmem_shared>> -> memref<640x64xf32, #tpu.memory_space<vmem_shared>>
      tpu.enqueue_dma source(%dma_start3A_42 : memref<640x64xf32, #tpu.memory_space<vmem_shared>>) target(%dma_start3A_40 : memref<640x64xf32, #tpu.memory_space<hbm>>) target_semaphore(%run_scoped3A : memref<!tpu.dma_semaphore, #tpu.memory_space<semaphore_mem>>)
      %dma_wait3A = arith.constant 0 : i32
      %dma_wait3A_43 = tpu.memref_slice %arg5[%arg0, %mul3A_38, %dma_wait3A] : memref<2x10240x64xf32, #tpu.memory_space<hbm>> -> memref<1x640x64xf32, #tpu.memory_space<hbm>>
      %dma_wait3A_44 = tpu.memref_squeeze %dma_wait3A_43 : memref<1x640x64xf32, #tpu.memory_space<hbm>> -> memref<640x64xf32, #tpu.memory_space<hbm>>
      %dma_wait3A_45 = arith.constant 0 : i32
      %dma_wait3A_46 = tpu.memref_slice %arg9[%mul3A_36, %dma_wait3A_45] : memref<10240x64xf32, #tpu.memory_space<vmem_shared>> -> memref<640x64xf32, #tpu.memory_space<vmem_shared>>
      tpu.wait_dma2 semaphore(%run_scoped3A : memref<!tpu.dma_semaphore, #tpu.memory_space<semaphore_mem>>) src(%dma_wait3A_46 : memref<640x64xf32, #tpu.memory_space<vmem_shared>>) dst(%dma_wait3A_44 : memref<640x64xf32, #tpu.memory_space<hbm>>)
      tpu.yield
    }) : () -> ()
    return
  }
}

#map = affine_map<(d0, d1) -> (0, 0)>
#map1 = affine_map<(d0, d1) -> (0, 0, 0)>
module attributes {stable_mosaic.version = 14 : i64} {
  func.func @_sc_pool(%arg0: i32, %arg1: i32, %arg2: memref<10240x64xf32, #tpu.memory_space<hbm>>, %arg3: memref<32x5x64xi32, #tpu.memory_space<hbm>>, %arg4: memref<2x320x64xf32, #tpu.memory_space<hbm>>, %arg5: memref<5x64xi32, #tpu.memory_space<vmem>>, %arg6: memref<320x64xf32, #tpu.memory_space<vmem>>, %arg7: memref<128x64xf32, #tpu.memory_space<vmem>>, %arg8: memref<320x64xf32, #tpu.memory_space<vmem_shared>>) attributes {dimension_semantics = [#tpu.dimension_semantics<core_parallel>, #tpu.dimension_semantics<subcore_parallel>], iteration_bounds = array<i64: 2, 16>, scalar_prefetch = 0 : i64, scratch_operands = 4 : i64, tpu.core_type = #tpu.core_type<sc_vector_subcore>, window_params = [{transform_indices = #map}, {transform_indices = #map1}, {transform_indices = #map1}]} {
    %mul3A = arith.constant 16 : i32
    %mul3A_0 = arith.muli %arg0, %mul3A : i32
    %add3A = arith.addi %mul3A_0, %arg1 : i32
    %scan3A = arith.constant 0 : i32
    %scan3A_1 = arith.constant 0 : i32
    %scan3A_2 = arith.constant 512 : i32
    %scan3A_3 = arith.addi %scan3A_1, %scan3A_2 : i32
    %scan3A_4 = arith.constant 1 : i32
    %scan3A_5 = scf.for %scan3A_21 = %scan3A_1 to %scan3A_3 step %scan3A_4 iter_args(%scan3A_22 = %scan3A) -> (i32)  : i32 {
      %broadcast_in_dim3A = arith.constant 0.000000e+00 : f32
      %broadcast_in_dim3A_23 = vector.broadcast %broadcast_in_dim3A : f32 to vector<16xf32>
      %shift_right_arithmetic3A = arith.constant 2 : i32
      %shift_right_arithmetic3A_24 = arith.shrsi %scan3A_21, %shift_right_arithmetic3A : i32
      %and3A = arith.constant 3 : i32
      %and3A_25 = arith.andi %scan3A_21, %and3A : i32
      %mul3A_26 = arith.constant 16 : i32
      %mul3A_27 = arith.muli %and3A_25, %mul3A_26 : i32
      %swap3A = arith.index_cast %shift_right_arithmetic3A_24 : i32 to index
      %swap3A_28 = arith.index_cast %mul3A_27 : i32 to index
      %swap3A_29 = tpu.vector_load %arg7[%swap3A, %swap3A_28] {strides = array<i32>} : memref<128x64xf32, #tpu.memory_space<vmem>>, vector<1x16xf32>,
      %swap3A_30 = vector.shape_cast %swap3A_29 : vector<1x16xf32> to vector<16xf32>
      %swap3A_31 = vector.shape_cast %broadcast_in_dim3A_23 : vector<16xf32> to vector<1x16xf32>
      tpu.vector_store %arg7[%swap3A, %swap3A_28], %swap3A_31 {strides = array<i32>} : memref<128x64xf32, #tpu.memory_space<vmem>>, vector<1x16xf32>,
      %scan3A_32 = arith.constant 0 : i32
      scf.yield %scan3A_32 : i32
    }
    %scan3A_6 = arith.constant 512 : i32
    %eq3A = arith.constant 0 : i32
    %eq3A_7 = arith.cmpi eq, %arg1, %eq3A : i32
    %convert_element_type3A = arith.extui %eq3A_7 : i1 to i32
    %cond3A = arith.constant 0 : i32
    %cond3A_8 = arith.cmpi ne, %convert_element_type3A, %cond3A : i32
    scf.if %cond3A_8 {
      "tpu.region"() ({
        %run_scoped3A_21 = tpu.sem_alloc : memref<!tpu.dma_semaphore, #tpu.memory_space<semaphore_mem>>
        %dma_start3A = arith.constant 0 : i32
        %dma_start3A_22 = arith.constant 0 : i32
        %dma_start3A_23 = tpu.memref_slice %arg8[%dma_start3A, %dma_start3A_22] : memref<320x64xf32, #tpu.memory_space<vmem_shared>> -> memref<128x64xf32, #tpu.memory_space<vmem_shared>>
        %dma_start3A_24 = arith.constant 0 : i32
        %dma_start3A_25 = arith.constant 0 : i32
        %dma_start3A_26 = tpu.memref_slice %arg8[%dma_start3A_24, %dma_start3A_25] : memref<320x64xf32, #tpu.memory_space<vmem_shared>> -> memref<128x64xf32, #tpu.memory_space<vmem_shared>>
        tpu.enqueue_dma source(%arg7 : memref<128x64xf32, #tpu.memory_space<vmem>>) target(%dma_start3A_26 : memref<128x64xf32, #tpu.memory_space<vmem_shared>>) target_semaphore(%run_scoped3A_21 : memref<!tpu.dma_semaphore, #tpu.memory_space<semaphore_mem>>)
        %dma_wait3A = arith.constant 0 : i32
        %dma_wait3A_27 = arith.constant 0 : i32
        %dma_wait3A_28 = tpu.memref_slice %arg8[%dma_wait3A, %dma_wait3A_27] : memref<320x64xf32, #tpu.memory_space<vmem_shared>> -> memref<128x64xf32, #tpu.memory_space<vmem_shared>>
        %dma_wait3A_29 = arith.constant 0 : i32
        %dma_wait3A_30 = arith.constant 0 : i32
        %dma_wait3A_31 = tpu.memref_slice %arg8[%dma_wait3A_29, %dma_wait3A_30] : memref<320x64xf32, #tpu.memory_space<vmem_shared>> -> memref<128x64xf32, #tpu.memory_space<vmem_shared>>
        tpu.wait_dma2 semaphore(%run_scoped3A_21 : memref<!tpu.dma_semaphore, #tpu.memory_space<semaphore_mem>>) src(%arg7 : memref<128x64xf32, #tpu.memory_space<vmem>>) dst(%dma_wait3A_31 : memref<128x64xf32, #tpu.memory_space<vmem_shared>>)
        tpu.yield
      }) : () -> ()
      "tpu.region"() ({
        %run_scoped3A_21 = tpu.sem_alloc : memref<!tpu.dma_semaphore, #tpu.memory_space<semaphore_mem>>
        %dma_start3A = arith.constant 128 : i32
        %dma_start3A_22 = arith.constant 0 : i32
        %dma_start3A_23 = tpu.memref_slice %arg8[%dma_start3A, %dma_start3A_22] : memref<320x64xf32, #tpu.memory_space<vmem_shared>> -> memref<128x64xf32, #tpu.memory_space<vmem_shared>>
        %dma_start3A_24 = arith.constant 128 : i32
        %dma_start3A_25 = arith.constant 0 : i32
        %dma_start3A_26 = tpu.memref_slice %arg8[%dma_start3A_24, %dma_start3A_25] : memref<320x64xf32, #tpu.memory_space<vmem_shared>> -> memref<128x64xf32, #tpu.memory_space<vmem_shared>>
        tpu.enqueue_dma source(%arg7 : memref<128x64xf32, #tpu.memory_space<vmem>>) target(%dma_start3A_26 : memref<128x64xf32, #tpu.memory_space<vmem_shared>>) target_semaphore(%run_scoped3A_21 : memref<!tpu.dma_semaphore, #tpu.memory_space<semaphore_mem>>)
        %dma_wait3A = arith.constant 128 : i32
        %dma_wait3A_27 = arith.constant 0 : i32
        %dma_wait3A_28 = tpu.memref_slice %arg8[%dma_wait3A, %dma_wait3A_27] : memref<320x64xf32, #tpu.memory_space<vmem_shared>> -> memref<128x64xf32, #tpu.memory_space<vmem_shared>>
        %dma_wait3A_29 = arith.constant 128 : i32
        %dma_wait3A_30 = arith.constant 0 : i32
        %dma_wait3A_31 = tpu.memref_slice %arg8[%dma_wait3A_29, %dma_wait3A_30] : memref<320x64xf32, #tpu.memory_space<vmem_shared>> -> memref<128x64xf32, #tpu.memory_space<vmem_shared>>
        tpu.wait_dma2 semaphore(%run_scoped3A_21 : memref<!tpu.dma_semaphore, #tpu.memory_space<semaphore_mem>>) src(%arg7 : memref<128x64xf32, #tpu.memory_space<vmem>>) dst(%dma_wait3A_31 : memref<128x64xf32, #tpu.memory_space<vmem_shared>>)
        tpu.yield
      }) : () -> ()
      "tpu.region"() ({
        %run_scoped3A_21 = tpu.sem_alloc : memref<!tpu.dma_semaphore, #tpu.memory_space<semaphore_mem>>
        %dma_start3A = arith.constant 0 : i32
        %dma_start3A_22 = arith.constant 0 : i32
        %dma_start3A_23 = tpu.memref_slice %arg7[%dma_start3A, %dma_start3A_22] : memref<128x64xf32, #tpu.memory_space<vmem>> -> memref<64x64xf32, #tpu.memory_space<vmem>>
        %dma_start3A_24 = arith.constant 256 : i32
        %dma_start3A_25 = arith.constant 0 : i32
        %dma_start3A_26 = tpu.memref_slice %arg8[%dma_start3A_24, %dma_start3A_25] : memref<320x64xf32, #tpu.memory_space<vmem_shared>> -> memref<64x64xf32, #tpu.memory_space<vmem_shared>>
        %dma_start3A_27 = arith.constant 256 : i32
        %dma_start3A_28 = arith.constant 0 : i32
        %dma_start3A_29 = tpu.memref_slice %arg8[%dma_start3A_27, %dma_start3A_28] : memref<320x64xf32, #tpu.memory_space<vmem_shared>> -> memref<64x64xf32, #tpu.memory_space<vmem_shared>>
        %dma_start3A_30 = arith.constant 0 : i32
        %dma_start3A_31 = arith.constant 0 : i32
        %dma_start3A_32 = tpu.memref_slice %arg7[%dma_start3A_30, %dma_start3A_31] : memref<128x64xf32, #tpu.memory_space<vmem>> -> memref<64x64xf32, #tpu.memory_space<vmem>>
        tpu.enqueue_dma source(%dma_start3A_32 : memref<64x64xf32, #tpu.memory_space<vmem>>) target(%dma_start3A_29 : memref<64x64xf32, #tpu.memory_space<vmem_shared>>) target_semaphore(%run_scoped3A_21 : memref<!tpu.dma_semaphore, #tpu.memory_space<semaphore_mem>>)
        %dma_wait3A = arith.constant 0 : i32
        %dma_wait3A_33 = arith.constant 0 : i32
        %dma_wait3A_34 = tpu.memref_slice %arg7[%dma_wait3A, %dma_wait3A_33] : memref<128x64xf32, #tpu.memory_space<vmem>> -> memref<64x64xf32, #tpu.memory_space<vmem>>
        %dma_wait3A_35 = arith.constant 256 : i32
        %dma_wait3A_36 = arith.constant 0 : i32
        %dma_wait3A_37 = tpu.memref_slice %arg8[%dma_wait3A_35, %dma_wait3A_36] : memref<320x64xf32, #tpu.memory_space<vmem_shared>> -> memref<64x64xf32, #tpu.memory_space<vmem_shared>>
        %dma_wait3A_38 = arith.constant 256 : i32
        %dma_wait3A_39 = arith.constant 0 : i32
        %dma_wait3A_40 = tpu.memref_slice %arg8[%dma_wait3A_38, %dma_wait3A_39] : memref<320x64xf32, #tpu.memory_space<vmem_shared>> -> memref<64x64xf32, #tpu.memory_space<vmem_shared>>
        %dma_wait3A_41 = arith.constant 0 : i32
        %dma_wait3A_42 = arith.constant 0 : i32
        %dma_wait3A_43 = tpu.memref_slice %arg7[%dma_wait3A_41, %dma_wait3A_42] : memref<128x64xf32, #tpu.memory_space<vmem>> -> memref<64x64xf32, #tpu.memory_space<vmem>>
        tpu.wait_dma2 semaphore(%run_scoped3A_21 : memref<!tpu.dma_semaphore, #tpu.memory_space<semaphore_mem>>) src(%dma_wait3A_43 : memref<64x64xf32, #tpu.memory_space<vmem>>) dst(%dma_wait3A_40 : memref<64x64xf32, #tpu.memory_space<vmem_shared>>)
        tpu.yield
      }) : () -> ()
    } else {
    }
    %barrier3A = arith.constant 0 : index
    tpu.barrier barrier_id(%barrier3A)
    "tpu.region"() ({
      %run_scoped3A_21 = tpu.sem_alloc : memref<!tpu.dma_semaphore, #tpu.memory_space<semaphore_mem>>
      %dma_start3A = arith.constant 0 : i32
      %dma_start3A_22 = arith.constant 0 : i32
      %dma_start3A_23 = tpu.memref_slice %arg3[%add3A, %dma_start3A, %dma_start3A_22] : memref<32x5x64xi32, #tpu.memory_space<hbm>> -> memref<1x5x64xi32, #tpu.memory_space<hbm>>
      %dma_start3A_24 = tpu.memref_squeeze %dma_start3A_23 : memref<1x5x64xi32, #tpu.memory_space<hbm>> -> memref<5x64xi32, #tpu.memory_space<hbm>>
      %dma_start3A_25 = arith.constant 0 : i32
      %dma_start3A_26 = arith.constant 0 : i32
      %dma_start3A_27 = tpu.memref_slice %arg3[%add3A, %dma_start3A_25, %dma_start3A_26] : memref<32x5x64xi32, #tpu.memory_space<hbm>> -> memref<1x5x64xi32, #tpu.memory_space<hbm>>
      %dma_start3A_28 = tpu.memref_squeeze %dma_start3A_27 : memref<1x5x64xi32, #tpu.memory_space<hbm>> -> memref<5x64xi32, #tpu.memory_space<hbm>>
      tpu.enqueue_dma source(%dma_start3A_28 : memref<5x64xi32, #tpu.memory_space<hbm>>) target(%arg5 : memref<5x64xi32, #tpu.memory_space<vmem>>) target_semaphore(%run_scoped3A_21 : memref<!tpu.dma_semaphore, #tpu.memory_space<semaphore_mem>>)
      %dma_wait3A = arith.constant 0 : i32
      %dma_wait3A_29 = arith.constant 0 : i32
      %dma_wait3A_30 = tpu.memref_slice %arg3[%add3A, %dma_wait3A, %dma_wait3A_29] : memref<32x5x64xi32, #tpu.memory_space<hbm>> -> memref<1x5x64xi32, #tpu.memory_space<hbm>>
      %dma_wait3A_31 = tpu.memref_squeeze %dma_wait3A_30 : memref<1x5x64xi32, #tpu.memory_space<hbm>> -> memref<5x64xi32, #tpu.memory_space<hbm>>
      %dma_wait3A_32 = arith.constant 0 : i32
      %dma_wait3A_33 = arith.constant 0 : i32
      %dma_wait3A_34 = tpu.memref_slice %arg3[%add3A, %dma_wait3A_32, %dma_wait3A_33] : memref<32x5x64xi32, #tpu.memory_space<hbm>> -> memref<1x5x64xi32, #tpu.memory_space<hbm>>
      %dma_wait3A_35 = tpu.memref_squeeze %dma_wait3A_34 : memref<1x5x64xi32, #tpu.memory_space<hbm>> -> memref<5x64xi32, #tpu.memory_space<hbm>>
      tpu.wait_dma2 semaphore(%run_scoped3A_21 : memref<!tpu.dma_semaphore, #tpu.memory_space<semaphore_mem>>) src(%dma_wait3A_35 : memref<5x64xi32, #tpu.memory_space<hbm>>) dst(%arg5 : memref<5x64xi32, #tpu.memory_space<vmem>>)
      tpu.yield
    }) : () -> ()
    %mul3A_9 = arith.constant 320 : i32
    %mul3A_10 = arith.muli %add3A, %mul3A_9 : i32
    "tpu.region"() ({
      %run_scoped3A_21 = tpu.sem_alloc : memref<!tpu.dma_semaphore, #tpu.memory_space<semaphore_mem>>
      %dma_start3A = arith.constant 0 : i32
      %dma_start3A_22 = tpu.memref_slice %arg2[%mul3A_10, %dma_start3A] : memref<10240x64xf32, #tpu.memory_space<hbm>> -> memref<320x64xf32, #tpu.memory_space<hbm>>
      %dma_start3A_23 = arith.constant 0 : i32
      %dma_start3A_24 = tpu.memref_slice %arg2[%mul3A_10, %dma_start3A_23] : memref<10240x64xf32, #tpu.memory_space<hbm>> -> memref<320x64xf32, #tpu.memory_space<hbm>>
      tpu.enqueue_dma source(%dma_start3A_24 : memref<320x64xf32, #tpu.memory_space<hbm>>) target(%arg6 : memref<320x64xf32, #tpu.memory_space<vmem>>) target_semaphore(%run_scoped3A_21 : memref<!tpu.dma_semaphore, #tpu.memory_space<semaphore_mem>>)
      %dma_wait3A = arith.constant 0 : i32
      %dma_wait3A_25 = tpu.memref_slice %arg2[%mul3A_10, %dma_wait3A] : memref<10240x64xf32, #tpu.memory_space<hbm>> -> memref<320x64xf32, #tpu.memory_space<hbm>>
      %dma_wait3A_26 = arith.constant 0 : i32
      %dma_wait3A_27 = tpu.memref_slice %arg2[%mul3A_10, %dma_wait3A_26] : memref<10240x64xf32, #tpu.memory_space<hbm>> -> memref<320x64xf32, #tpu.memory_space<hbm>>
      tpu.wait_dma2 semaphore(%run_scoped3A_21 : memref<!tpu.dma_semaphore, #tpu.memory_space<semaphore_mem>>) src(%dma_wait3A_27 : memref<320x64xf32, #tpu.memory_space<hbm>>) dst(%arg6 : memref<320x64xf32, #tpu.memory_space<vmem>>)
      tpu.yield
    }) : () -> ()
    %run_scoped3A = arith.constant 0 : i32
    "tpu.region"() ({
      %run_scoped3A_21 = tpu.sem_alloc : memref<!tpu.dma_semaphore, #tpu.memory_space<semaphore_mem>>
      %dma_start3A = arith.constant 0 : i32
      %dma_start3A_22 = arith.constant 0 : i32
      %dma_start3A_23 = tpu.memref_slice %arg6[%dma_start3A, %dma_start3A_22] : memref<320x64xf32, #tpu.memory_space<vmem>> -> memref<64x64xf32, #tpu.memory_space<vmem>>
      %dma_start3A_24 = arith.constant 0 : i32
      %dma_start3A_25 = tpu.memref_slice %arg5[%run_scoped3A, %dma_start3A_24] : memref<5x64xi32, #tpu.memory_space<vmem>> -> memref<1x64xi32, #tpu.memory_space<vmem>>
      %dma_start3A_26 = tpu.memref_squeeze %dma_start3A_25 : memref<1x64xi32, #tpu.memory_space<vmem>> -> memref<64xi32, #tpu.memory_space<vmem>>
      %dma_start3A_27 = arith.constant 0 : i32
      %dma_start3A_28 = arith.constant 0 : i32
      %dma_start3A_29 = tpu.memref_slice %arg8[%dma_start3A_27, %dma_start3A_28] : memref<320x64xf32, #tpu.memory_space<vmem_shared>> -> memref<320x64xf32, #tpu.memory_space<vmem_shared>>
      tpu.enqueue_indirect_dma source(%dma_start3A_23 : memref<64x64xf32, #tpu.memory_space<vmem>>) target(%dma_start3A_29 : memref<320x64xf32, #tpu.memory_space<vmem_shared>>) offsets(%dma_start3A_26 : memref<64xi32, #tpu.memory_space<vmem>>) semaphore(%run_scoped3A_21 : memref<!tpu.dma_semaphore, #tpu.memory_space<semaphore_mem>>) {add = true}
      %dma_wait3A = arith.constant 0 : i32
      %dma_wait3A_30 = arith.constant 0 : i32
      %dma_wait3A_31 = tpu.memref_slice %arg6[%dma_wait3A, %dma_wait3A_30] : memref<320x64xf32, #tpu.memory_space<vmem>> -> memref<64x64xf32, #tpu.memory_space<vmem>>
      %dma_wait3A_32 = arith.constant 0 : i32
      %dma_wait3A_33 = tpu.memref_slice %arg5[%run_scoped3A, %dma_wait3A_32] : memref<5x64xi32, #tpu.memory_space<vmem>> -> memref<1x64xi32, #tpu.memory_space<vmem>>
      %dma_wait3A_34 = tpu.memref_squeeze %dma_wait3A_33 : memref<1x64xi32, #tpu.memory_space<vmem>> -> memref<64xi32, #tpu.memory_space<vmem>>
      %dma_wait3A_35 = arith.constant 0 : i32
      %dma_wait3A_36 = arith.constant 0 : i32
      %dma_wait3A_37 = tpu.memref_slice %arg8[%dma_wait3A_35, %dma_wait3A_36] : memref<320x64xf32, #tpu.memory_space<vmem_shared>> -> memref<320x64xf32, #tpu.memory_space<vmem_shared>>
      tpu.wait_indirect_dma semaphore(%run_scoped3A_21 : memref<!tpu.dma_semaphore, #tpu.memory_space<semaphore_mem>>) src(%dma_wait3A_31 : memref<64x64xf32, #tpu.memory_space<vmem>>) dst(%dma_wait3A_37 : memref<320x64xf32, #tpu.memory_space<vmem_shared>>)
      tpu.yield
    }) : () -> ()
    %run_scoped3A_11 = arith.constant 1 : i32
    "tpu.region"() ({
      %run_scoped3A_21 = tpu.sem_alloc : memref<!tpu.dma_semaphore, #tpu.memory_space<semaphore_mem>>
      %dma_start3A = arith.constant 64 : i32
      %dma_start3A_22 = arith.constant 0 : i32
      %dma_start3A_23 = tpu.memref_slice %arg6[%dma_start3A, %dma_start3A_22] : memref<320x64xf32, #tpu.memory_space<vmem>> -> memref<64x64xf32, #tpu.memory_space<vmem>>
      %dma_start3A_24 = arith.constant 0 : i32
      %dma_start3A_25 = tpu.memref_slice %arg5[%run_scoped3A_11, %dma_start3A_24] : memref<5x64xi32, #tpu.memory_space<vmem>> -> memref<1x64xi32, #tpu.memory_space<vmem>>
      %dma_start3A_26 = tpu.memref_squeeze %dma_start3A_25 : memref<1x64xi32, #tpu.memory_space<vmem>> -> memref<64xi32, #tpu.memory_space<vmem>>
      %dma_start3A_27 = arith.constant 0 : i32
      %dma_start3A_28 = arith.constant 0 : i32
      %dma_start3A_29 = tpu.memref_slice %arg8[%dma_start3A_27, %dma_start3A_28] : memref<320x64xf32, #tpu.memory_space<vmem_shared>> -> memref<320x64xf32, #tpu.memory_space<vmem_shared>>
      tpu.enqueue_indirect_dma source(%dma_start3A_23 : memref<64x64xf32, #tpu.memory_space<vmem>>) target(%dma_start3A_29 : memref<320x64xf32, #tpu.memory_space<vmem_shared>>) offsets(%dma_start3A_26 : memref<64xi32, #tpu.memory_space<vmem>>) semaphore(%run_scoped3A_21 : memref<!tpu.dma_semaphore, #tpu.memory_space<semaphore_mem>>) {add = true}
      %dma_wait3A = arith.constant 64 : i32
      %dma_wait3A_30 = arith.constant 0 : i32
      %dma_wait3A_31 = tpu.memref_slice %arg6[%dma_wait3A, %dma_wait3A_30] : memref<320x64xf32, #tpu.memory_space<vmem>> -> memref<64x64xf32, #tpu.memory_space<vmem>>
      %dma_wait3A_32 = arith.constant 0 : i32
      %dma_wait3A_33 = tpu.memref_slice %arg5[%run_scoped3A_11, %dma_wait3A_32] : memref<5x64xi32, #tpu.memory_space<vmem>> -> memref<1x64xi32, #tpu.memory_space<vmem>>
      %dma_wait3A_34 = tpu.memref_squeeze %dma_wait3A_33 : memref<1x64xi32, #tpu.memory_space<vmem>> -> memref<64xi32, #tpu.memory_space<vmem>>
      %dma_wait3A_35 = arith.constant 0 : i32
      %dma_wait3A_36 = arith.constant 0 : i32
      %dma_wait3A_37 = tpu.memref_slice %arg8[%dma_wait3A_35, %dma_wait3A_36] : memref<320x64xf32, #tpu.memory_space<vmem_shared>> -> memref<320x64xf32, #tpu.memory_space<vmem_shared>>
      tpu.wait_indirect_dma semaphore(%run_scoped3A_21 : memref<!tpu.dma_semaphore, #tpu.memory_space<semaphore_mem>>) src(%dma_wait3A_31 : memref<64x64xf32, #tpu.memory_space<vmem>>) dst(%dma_wait3A_37 : memref<320x64xf32, #tpu.memory_space<vmem_shared>>)
      tpu.yield
    }) : () -> ()
    %run_scoped3A_12 = arith.constant 2 : i32
    "tpu.region"() ({
      %run_scoped3A_21 = tpu.sem_alloc : memref<!tpu.dma_semaphore, #tpu.memory_space<semaphore_mem>>
      %dma_start3A = arith.constant 128 : i32
      %dma_start3A_22 = arith.constant 0 : i32
      %dma_start3A_23 = tpu.memref_slice %arg6[%dma_start3A, %dma_start3A_22] : memref<320x64xf32, #tpu.memory_space<vmem>> -> memref<64x64xf32, #tpu.memory_space<vmem>>
      %dma_start3A_24 = arith.constant 0 : i32
      %dma_start3A_25 = tpu.memref_slice %arg5[%run_scoped3A_12, %dma_start3A_24] : memref<5x64xi32, #tpu.memory_space<vmem>> -> memref<1x64xi32, #tpu.memory_space<vmem>>
      %dma_start3A_26 = tpu.memref_squeeze %dma_start3A_25 : memref<1x64xi32, #tpu.memory_space<vmem>> -> memref<64xi32, #tpu.memory_space<vmem>>
      %dma_start3A_27 = arith.constant 0 : i32
      %dma_start3A_28 = arith.constant 0 : i32
      %dma_start3A_29 = tpu.memref_slice %arg8[%dma_start3A_27, %dma_start3A_28] : memref<320x64xf32, #tpu.memory_space<vmem_shared>> -> memref<320x64xf32, #tpu.memory_space<vmem_shared>>
      tpu.enqueue_indirect_dma source(%dma_start3A_23 : memref<64x64xf32, #tpu.memory_space<vmem>>) target(%dma_start3A_29 : memref<320x64xf32, #tpu.memory_space<vmem_shared>>) offsets(%dma_start3A_26 : memref<64xi32, #tpu.memory_space<vmem>>) semaphore(%run_scoped3A_21 : memref<!tpu.dma_semaphore, #tpu.memory_space<semaphore_mem>>) {add = true}
      %dma_wait3A = arith.constant 128 : i32
      %dma_wait3A_30 = arith.constant 0 : i32
      %dma_wait3A_31 = tpu.memref_slice %arg6[%dma_wait3A, %dma_wait3A_30] : memref<320x64xf32, #tpu.memory_space<vmem>> -> memref<64x64xf32, #tpu.memory_space<vmem>>
      %dma_wait3A_32 = arith.constant 0 : i32
      %dma_wait3A_33 = tpu.memref_slice %arg5[%run_scoped3A_12, %dma_wait3A_32] : memref<5x64xi32, #tpu.memory_space<vmem>> -> memref<1x64xi32, #tpu.memory_space<vmem>>
      %dma_wait3A_34 = tpu.memref_squeeze %dma_wait3A_33 : memref<1x64xi32, #tpu.memory_space<vmem>> -> memref<64xi32, #tpu.memory_space<vmem>>
      %dma_wait3A_35 = arith.constant 0 : i32
      %dma_wait3A_36 = arith.constant 0 : i32
      %dma_wait3A_37 = tpu.memref_slice %arg8[%dma_wait3A_35, %dma_wait3A_36] : memref<320x64xf32, #tpu.memory_space<vmem_shared>> -> memref<320x64xf32, #tpu.memory_space<vmem_shared>>
      tpu.wait_indirect_dma semaphore(%run_scoped3A_21 : memref<!tpu.dma_semaphore, #tpu.memory_space<semaphore_mem>>) src(%dma_wait3A_31 : memref<64x64xf32, #tpu.memory_space<vmem>>) dst(%dma_wait3A_37 : memref<320x64xf32, #tpu.memory_space<vmem_shared>>)
      tpu.yield
    }) : () -> ()
    %run_scoped3A_13 = arith.constant 3 : i32
    "tpu.region"() ({
      %run_scoped3A_21 = tpu.sem_alloc : memref<!tpu.dma_semaphore, #tpu.memory_space<semaphore_mem>>
      %dma_start3A = arith.constant 192 : i32
      %dma_start3A_22 = arith.constant 0 : i32
      %dma_start3A_23 = tpu.memref_slice %arg6[%dma_start3A, %dma_start3A_22] : memref<320x64xf32, #tpu.memory_space<vmem>> -> memref<64x64xf32, #tpu.memory_space<vmem>>
      %dma_start3A_24 = arith.constant 0 : i32
      %dma_start3A_25 = tpu.memref_slice %arg5[%run_scoped3A_13, %dma_start3A_24] : memref<5x64xi32, #tpu.memory_space<vmem>> -> memref<1x64xi32, #tpu.memory_space<vmem>>
      %dma_start3A_26 = tpu.memref_squeeze %dma_start3A_25 : memref<1x64xi32, #tpu.memory_space<vmem>> -> memref<64xi32, #tpu.memory_space<vmem>>
      %dma_start3A_27 = arith.constant 0 : i32
      %dma_start3A_28 = arith.constant 0 : i32
      %dma_start3A_29 = tpu.memref_slice %arg8[%dma_start3A_27, %dma_start3A_28] : memref<320x64xf32, #tpu.memory_space<vmem_shared>> -> memref<320x64xf32, #tpu.memory_space<vmem_shared>>
      tpu.enqueue_indirect_dma source(%dma_start3A_23 : memref<64x64xf32, #tpu.memory_space<vmem>>) target(%dma_start3A_29 : memref<320x64xf32, #tpu.memory_space<vmem_shared>>) offsets(%dma_start3A_26 : memref<64xi32, #tpu.memory_space<vmem>>) semaphore(%run_scoped3A_21 : memref<!tpu.dma_semaphore, #tpu.memory_space<semaphore_mem>>) {add = true}
      %dma_wait3A = arith.constant 192 : i32
      %dma_wait3A_30 = arith.constant 0 : i32
      %dma_wait3A_31 = tpu.memref_slice %arg6[%dma_wait3A, %dma_wait3A_30] : memref<320x64xf32, #tpu.memory_space<vmem>> -> memref<64x64xf32, #tpu.memory_space<vmem>>
      %dma_wait3A_32 = arith.constant 0 : i32
      %dma_wait3A_33 = tpu.memref_slice %arg5[%run_scoped3A_13, %dma_wait3A_32] : memref<5x64xi32, #tpu.memory_space<vmem>> -> memref<1x64xi32, #tpu.memory_space<vmem>>
      %dma_wait3A_34 = tpu.memref_squeeze %dma_wait3A_33 : memref<1x64xi32, #tpu.memory_space<vmem>> -> memref<64xi32, #tpu.memory_space<vmem>>
      %dma_wait3A_35 = arith.constant 0 : i32
      %dma_wait3A_36 = arith.constant 0 : i32
      %dma_wait3A_37 = tpu.memref_slice %arg8[%dma_wait3A_35, %dma_wait3A_36] : memref<320x64xf32, #tpu.memory_space<vmem_shared>> -> memref<320x64xf32, #tpu.memory_space<vmem_shared>>
      tpu.wait_indirect_dma semaphore(%run_scoped3A_21 : memref<!tpu.dma_semaphore, #tpu.memory_space<semaphore_mem>>) src(%dma_wait3A_31 : memref<64x64xf32, #tpu.memory_space<vmem>>) dst(%dma_wait3A_37 : memref<320x64xf32, #tpu.memory_space<vmem_shared>>)
      tpu.yield
    }) : () -> ()
    %run_scoped3A_14 = arith.constant 4 : i32
    "tpu.region"() ({
      %run_scoped3A_21 = tpu.sem_alloc : memref<!tpu.dma_semaphore, #tpu.memory_space<semaphore_mem>>
      %dma_start3A = arith.constant 256 : i32
      %dma_start3A_22 = arith.constant 0 : i32
      %dma_start3A_23 = tpu.memref_slice %arg6[%dma_start3A, %dma_start3A_22] : memref<320x64xf32, #tpu.memory_space<vmem>> -> memref<64x64xf32, #tpu.memory_space<vmem>>
      %dma_start3A_24 = arith.constant 0 : i32
      %dma_start3A_25 = tpu.memref_slice %arg5[%run_scoped3A_14, %dma_start3A_24] : memref<5x64xi32, #tpu.memory_space<vmem>> -> memref<1x64xi32, #tpu.memory_space<vmem>>
      %dma_start3A_26 = tpu.memref_squeeze %dma_start3A_25 : memref<1x64xi32, #tpu.memory_space<vmem>> -> memref<64xi32, #tpu.memory_space<vmem>>
      %dma_start3A_27 = arith.constant 0 : i32
      %dma_start3A_28 = arith.constant 0 : i32
      %dma_start3A_29 = tpu.memref_slice %arg8[%dma_start3A_27, %dma_start3A_28] : memref<320x64xf32, #tpu.memory_space<vmem_shared>> -> memref<320x64xf32, #tpu.memory_space<vmem_shared>>
      tpu.enqueue_indirect_dma source(%dma_start3A_23 : memref<64x64xf32, #tpu.memory_space<vmem>>) target(%dma_start3A_29 : memref<320x64xf32, #tpu.memory_space<vmem_shared>>) offsets(%dma_start3A_26 : memref<64xi32, #tpu.memory_space<vmem>>) semaphore(%run_scoped3A_21 : memref<!tpu.dma_semaphore, #tpu.memory_space<semaphore_mem>>) {add = true}
      %dma_wait3A = arith.constant 256 : i32
      %dma_wait3A_30 = arith.constant 0 : i32
      %dma_wait3A_31 = tpu.memref_slice %arg6[%dma_wait3A, %dma_wait3A_30] : memref<320x64xf32, #tpu.memory_space<vmem>> -> memref<64x64xf32, #tpu.memory_space<vmem>>
      %dma_wait3A_32 = arith.constant 0 : i32
      %dma_wait3A_33 = tpu.memref_slice %arg5[%run_scoped3A_14, %dma_wait3A_32] : memref<5x64xi32, #tpu.memory_space<vmem>> -> memref<1x64xi32, #tpu.memory_space<vmem>>
      %dma_wait3A_34 = tpu.memref_squeeze %dma_wait3A_33 : memref<1x64xi32, #tpu.memory_space<vmem>> -> memref<64xi32, #tpu.memory_space<vmem>>
      %dma_wait3A_35 = arith.constant 0 : i32
      %dma_wait3A_36 = arith.constant 0 : i32
      %dma_wait3A_37 = tpu.memref_slice %arg8[%dma_wait3A_35, %dma_wait3A_36] : memref<320x64xf32, #tpu.memory_space<vmem_shared>> -> memref<320x64xf32, #tpu.memory_space<vmem_shared>>
      tpu.wait_indirect_dma semaphore(%run_scoped3A_21 : memref<!tpu.dma_semaphore, #tpu.memory_space<semaphore_mem>>) src(%dma_wait3A_31 : memref<64x64xf32, #tpu.memory_space<vmem>>) dst(%dma_wait3A_37 : memref<320x64xf32, #tpu.memory_space<vmem_shared>>)
      tpu.yield
    }) : () -> ()
    %barrier3A_15 = arith.constant 0 : index
    tpu.barrier barrier_id(%barrier3A_15)
    %eq3A_16 = arith.constant 0 : i32
    %eq3A_17 = arith.cmpi eq, %arg1, %eq3A_16 : i32
    %convert_element_type3A_18 = arith.extui %eq3A_17 : i1 to i32
    %cond3A_19 = arith.constant 0 : i32
    %cond3A_20 = arith.cmpi ne, %convert_element_type3A_18, %cond3A_19 : i32
    scf.if %cond3A_20 {
      "tpu.region"() ({
        %run_scoped3A_21 = tpu.sem_alloc : memref<!tpu.dma_semaphore, #tpu.memory_space<semaphore_mem>>
        %dma_start3A = arith.constant 0 : i32
        %dma_start3A_22 = arith.constant 0 : i32
        %dma_start3A_23 = tpu.memref_slice %arg4[%arg0, %dma_start3A, %dma_start3A_22] : memref<2x320x64xf32, #tpu.memory_space<hbm>> -> memref<1x320x64xf32, #tpu.memory_space<hbm>>
        %dma_start3A_24 = tpu.memref_squeeze %dma_start3A_23 : memref<1x320x64xf32, #tpu.memory_space<hbm>> -> memref<320x64xf32, #tpu.memory_space<hbm>>
        tpu.enqueue_dma source(%arg8 : memref<320x64xf32, #tpu.memory_space<vmem_shared>>) target(%dma_start3A_24 : memref<320x64xf32, #tpu.memory_space<hbm>>) target_semaphore(%run_scoped3A_21 : memref<!tpu.dma_semaphore, #tpu.memory_space<semaphore_mem>>)
        %dma_wait3A = arith.constant 0 : i32
        %dma_wait3A_25 = arith.constant 0 : i32
        %dma_wait3A_26 = tpu.memref_slice %arg4[%arg0, %dma_wait3A, %dma_wait3A_25] : memref<2x320x64xf32, #tpu.memory_space<hbm>> -> memref<1x320x64xf32, #tpu.memory_space<hbm>>
        %dma_wait3A_27 = tpu.memref_squeeze %dma_wait3A_26 : memref<1x320x64xf32, #tpu.memory_space<hbm>> -> memref<320x64xf32, #tpu.memory_space<hbm>>
        tpu.wait_dma2 semaphore(%run_scoped3A_21 : memref<!tpu.dma_semaphore, #tpu.memory_space<semaphore_mem>>) src(%arg8 : memref<320x64xf32, #tpu.memory_space<vmem_shared>>) dst(%dma_wait3A_27 : memref<320x64xf32, #tpu.memory_space<hbm>>)
        tpu.yield
      }) : () -> ()
    } else {
    }
    return
  }
}

module attributes {stable_mosaic.version = 14 : i64} {
  func.func @_tc1_body(%arg0: memref<10240x128xf32, #tpu.memory_space<vmem>>, %arg1: memref<128x64xf32, #tpu.memory_space<vmem>>, %arg2: memref<2x10240xf32, #tpu.memory_space<vmem>>, %arg3: memref<10240x64xf32, #tpu.memory_space<vmem>>, %arg4: memref<1x10240xf32, #tpu.memory_space<vmem>>) attributes {dimension_semantics = [], scalar_prefetch = 0 : i64, scratch_operands = 0 : i64, tpu.core_type = #tpu.core_type<tc>} {
    %get3A = arith.constant 0 : index
    %get3A_0 = arith.constant 0 : index
    %get3A_1 = vector.load %arg2[%get3A, %get3A_0] : memref<2x10240xf32, #tpu.memory_space<vmem>>, vector<1x10240xf32>
    %get3A_2 = vector.shape_cast %get3A_1 : vector<1x10240xf32> to vector<10240xf32>
    %get3A_3 = arith.constant 1 : index
    %get3A_4 = arith.constant 0 : index
    %get3A_5 = vector.load %arg2[%get3A_3, %get3A_4] : memref<2x10240xf32, #tpu.memory_space<vmem>>, vector<1x10240xf32>
    %get3A_6 = vector.shape_cast %get3A_5 : vector<1x10240xf32> to vector<10240xf32>
    %add3A = arith.addf %get3A_2, %get3A_6 : vector<10240xf32>
    %max3A = arith.constant 1.000000e+00 : f32
    %max3A_7 = vector.broadcast %max3A : f32 to vector<10240xf32>
    %max3A_8 = arith.maximumf %add3A, %max3A_7 : vector<10240xf32>
    %rsqrt3A = math.rsqrt %max3A_8 : vector<10240xf32>
    %swap3A = arith.constant 0 : index
    %swap3A_9 = arith.constant 0 : index
    %swap3A_10 = vector.load %arg4[%swap3A, %swap3A_9] : memref<1x10240xf32, #tpu.memory_space<vmem>>, vector<1x10240xf32>
    %swap3A_11 = vector.shape_cast %swap3A_10 : vector<1x10240xf32> to vector<10240xf32>
    %swap3A_12 = vector.shape_cast %rsqrt3A : vector<10240xf32> to vector<1x10240xf32>
    tpu.vector_store %arg4[%swap3A, %swap3A_9], %swap3A_12 {strides = array<i32>} : memref<1x10240xf32, #tpu.memory_space<vmem>>, vector<1x10240xf32>,
    %get3A_13 = arith.constant 0 : index
    %get3A_14 = arith.constant 0 : index
    %get3A_15 = vector.load %arg0[%get3A_13, %get3A_14] : memref<10240x128xf32, #tpu.memory_space<vmem>>, vector<10240x128xf32>
    %get3A_16 = arith.constant 0 : index
    %get3A_17 = arith.constant 0 : index
    %get3A_18 = vector.load %arg1[%get3A_16, %get3A_17] : memref<128x64xf32, #tpu.memory_space<vmem>>, vector<128x64xf32>
    %dot_general3A = arith.constant dense<0.000000e+00> : vector<10240x64xf32>
    %dot_general3A_19 = tpu.matmul %get3A_15, %get3A_18, %dot_general3A {dimension_numbers = #tpu.dot_dimension_numbers<[1], [0], [0], [1], [0, 0, 1, 1], [], []>, transpose_lhs_hint = false} : vector<10240x128xf32>, vector<128x64xf32>, vector<10240x64xf32> -> vector<10240x64xf32>
    %broadcast_in_dim3A = vector.shape_cast %rsqrt3A : vector<10240xf32> to vector<10240x1xf32>
    %mul3A = vector.broadcast %broadcast_in_dim3A : vector<10240x1xf32> to vector<10240x64xf32>
    %mul3A_20 = arith.mulf %dot_general3A_19, %mul3A : vector<10240x64xf32>
    %swap3A_21 = arith.constant 0 : index
    %swap3A_22 = arith.constant 0 : index
    %swap3A_23 = vector.load %arg3[%swap3A_21, %swap3A_22] : memref<10240x64xf32, #tpu.memory_space<vmem>>, vector<10240x64xf32>
    tpu.vector_store %arg3[%swap3A_21, %swap3A_22], %mul3A_20 {strides = array<i32>} : memref<10240x64xf32, #tpu.memory_space<vmem>>, vector<10240x64xf32>,
    return
  }
}

module attributes {stable_mosaic.version = 14 : i64} {
  func.func @_tc_mid_body(%arg0: memref<2x10240x64xf32, #tpu.memory_space<vmem>>, %arg1: memref<1x10240xf32, #tpu.memory_space<vmem>>, %arg2: memref<64x64xf32, #tpu.memory_space<vmem>>, %arg3: memref<64x64xf32, #tpu.memory_space<vmem>>, %arg4: memref<1x64xf32, #tpu.memory_space<vmem>>, %arg5: memref<1x64xf32, #tpu.memory_space<vmem>>, %arg6: memref<10240x64xf32, #tpu.memory_space<vmem>>, %arg7: memref<10240x64xf32, #tpu.memory_space<vmem>>) attributes {dimension_semantics = [], scalar_prefetch = 0 : i64, scratch_operands = 0 : i64, tpu.core_type = #tpu.core_type<tc>} {
    %get3A = arith.constant 0 : index
    %get3A_0 = arith.constant 0 : index
    %get3A_1 = vector.load %arg1[%get3A, %get3A_0] : memref<1x10240xf32, #tpu.memory_space<vmem>>, vector<1x10240xf32>
    %get3A_2 = vector.shape_cast %get3A_1 : vector<1x10240xf32> to vector<10240xf32>
    %broadcast_in_dim3A = vector.shape_cast %get3A_2 : vector<10240xf32> to vector<10240x1xf32>
    %get3A_3 = arith.constant 0 : index
    %get3A_4 = arith.constant 0 : index
    %get3A_5 = arith.constant 0 : index
    %get3A_6 = vector.load %arg0[%get3A_3, %get3A_4, %get3A_5] : memref<2x10240x64xf32, #tpu.memory_space<vmem>>, vector<1x10240x64xf32>
    %get3A_7 = vector.shape_cast %get3A_6 : vector<1x10240x64xf32> to vector<10240x64xf32>
    %get3A_8 = arith.constant 1 : index
    %get3A_9 = arith.constant 0 : index
    %get3A_10 = arith.constant 0 : index
    %get3A_11 = vector.load %arg0[%get3A_8, %get3A_9, %get3A_10] : memref<2x10240x64xf32, #tpu.memory_space<vmem>>, vector<1x10240x64xf32>
    %get3A_12 = vector.shape_cast %get3A_11 : vector<1x10240x64xf32> to vector<10240x64xf32>
    %add3A = arith.addf %get3A_7, %get3A_12 : vector<10240x64xf32>
    %mul3A = vector.broadcast %broadcast_in_dim3A : vector<10240x1xf32> to vector<10240x64xf32>
    %mul3A_13 = arith.mulf %mul3A, %add3A : vector<10240x64xf32>
    %get3A_14 = arith.constant 0 : index
    %get3A_15 = arith.constant 0 : index
    %get3A_16 = vector.load %arg4[%get3A_14, %get3A_15] : memref<1x64xf32, #tpu.memory_space<vmem>>, vector<1x64xf32>
    %get3A_17 = vector.shape_cast %get3A_16 : vector<1x64xf32> to vector<64xf32>
    %broadcast_in_dim3A_18 = vector.shape_cast %get3A_17 : vector<64xf32> to vector<1x64xf32>
    %add3A_19 = vector.broadcast %broadcast_in_dim3A_18 : vector<1x64xf32> to vector<10240x64xf32>
    %add3A_20 = arith.addf %mul3A_13, %add3A_19 : vector<10240x64xf32>
    %max3A = arith.constant 0.000000e+00 : f32
    %max3A_21 = vector.broadcast %max3A : f32 to vector<10240x64xf32>
    %max3A_22 = arith.maximumf %add3A_20, %max3A_21 : vector<10240x64xf32>
    %get3A_23 = arith.constant 0 : index
    %get3A_24 = arith.constant 0 : index
    %get3A_25 = vector.load %arg2[%get3A_23, %get3A_24] : memref<64x64xf32, #tpu.memory_space<vmem>>, vector<64x64xf32>
    %dot_general3A = arith.constant dense<0.000000e+00> : vector<10240x64xf32>
    %dot_general3A_26 = tpu.matmul %max3A_22, %get3A_25, %dot_general3A {dimension_numbers = #tpu.dot_dimension_numbers<[1], [0], [0], [1], [0, 0, 1, 1], [], []>, transpose_lhs_hint = false} : vector<10240x64xf32>, vector<64x64xf32>, vector<10240x64xf32> -> vector<10240x64xf32>
    %broadcast_in_dim3A_27 = vector.shape_cast %get3A_2 : vector<10240xf32> to vector<10240x1xf32>
    %mul3A_28 = vector.broadcast %broadcast_in_dim3A_27 : vector<10240x1xf32> to vector<10240x64xf32>
    %mul3A_29 = arith.mulf %dot_general3A_26, %mul3A_28 : vector<10240x64xf32>
    %swap3A = arith.constant 0 : index
    %swap3A_30 = arith.constant 0 : index
    %swap3A_31 = vector.load %arg6[%swap3A, %swap3A_30] : memref<10240x64xf32, #tpu.memory_space<vmem>>, vector<10240x64xf32>
    tpu.vector_store %arg6[%swap3A, %swap3A_30], %mul3A_29 {strides = array<i32>} : memref<10240x64xf32, #tpu.memory_space<vmem>>, vector<10240x64xf32>,
    %get3A_32 = arith.constant 0 : index
    %get3A_33 = arith.constant 0 : index
    %get3A_34 = vector.load %arg3[%get3A_32, %get3A_33] : memref<64x64xf32, #tpu.memory_space<vmem>>, vector<64x64xf32>
    %dot_general3A_35 = arith.constant dense<0.000000e+00> : vector<10240x64xf32>
    %dot_general3A_36 = tpu.matmul %max3A_22, %get3A_34, %dot_general3A_35 {dimension_numbers = #tpu.dot_dimension_numbers<[1], [0], [0], [1], [0, 0, 1, 1], [], []>, transpose_lhs_hint = false} : vector<10240x64xf32>, vector<64x64xf32>, vector<10240x64xf32> -> vector<10240x64xf32>
    %get3A_37 = arith.constant 0 : index
    %get3A_38 = arith.constant 0 : index
    %get3A_39 = vector.load %arg5[%get3A_37, %get3A_38] : memref<1x64xf32, #tpu.memory_space<vmem>>, vector<1x64xf32>
    %get3A_40 = vector.shape_cast %get3A_39 : vector<1x64xf32> to vector<64xf32>
    %broadcast_in_dim3A_41 = vector.shape_cast %get3A_40 : vector<64xf32> to vector<1x64xf32>
    %add3A_42 = vector.broadcast %broadcast_in_dim3A_41 : vector<1x64xf32> to vector<10240x64xf32>
    %add3A_43 = arith.addf %dot_general3A_36, %add3A_42 : vector<10240x64xf32>
    %swap3A_44 = arith.constant 0 : index
    %swap3A_45 = arith.constant 0 : index
    %swap3A_46 = vector.load %arg7[%swap3A_44, %swap3A_45] : memref<10240x64xf32, #tpu.memory_space<vmem>>, vector<10240x64xf32>
    tpu.vector_store %arg7[%swap3A_44, %swap3A_45], %add3A_43 {strides = array<i32>} : memref<10240x64xf32, #tpu.memory_space<vmem>>, vector<10240x64xf32>,
    return
  }
}

module attributes {stable_mosaic.version = 14 : i64} {
  func.func @_tc_mid_body(%arg0: memref<2x10240x64xf32, #tpu.memory_space<vmem>>, %arg1: memref<1x10240xf32, #tpu.memory_space<vmem>>, %arg2: memref<10240x64xf32, #tpu.memory_space<vmem>>, %arg3: memref<64x64xf32, #tpu.memory_space<vmem>>, %arg4: memref<64x64xf32, #tpu.memory_space<vmem>>, %arg5: memref<1x64xf32, #tpu.memory_space<vmem>>, %arg6: memref<1x64xf32, #tpu.memory_space<vmem>>, %arg7: memref<10240x64xf32, #tpu.memory_space<vmem>>, %arg8: memref<10240x64xf32, #tpu.memory_space<vmem>>) attributes {dimension_semantics = [], scalar_prefetch = 0 : i64, scratch_operands = 0 : i64, tpu.core_type = #tpu.core_type<tc>} {
    %get3A = arith.constant 0 : index
    %get3A_0 = arith.constant 0 : index
    %get3A_1 = vector.load %arg1[%get3A, %get3A_0] : memref<1x10240xf32, #tpu.memory_space<vmem>>, vector<1x10240xf32>
    %get3A_2 = vector.shape_cast %get3A_1 : vector<1x10240xf32> to vector<10240xf32>
    %broadcast_in_dim3A = vector.shape_cast %get3A_2 : vector<10240xf32> to vector<10240x1xf32>
    %get3A_3 = arith.constant 0 : index
    %get3A_4 = arith.constant 0 : index
    %get3A_5 = arith.constant 0 : index
    %get3A_6 = vector.load %arg0[%get3A_3, %get3A_4, %get3A_5] : memref<2x10240x64xf32, #tpu.memory_space<vmem>>, vector<1x10240x64xf32>
    %get3A_7 = vector.shape_cast %get3A_6 : vector<1x10240x64xf32> to vector<10240x64xf32>
    %get3A_8 = arith.constant 1 : index
    %get3A_9 = arith.constant 0 : index
    %get3A_10 = arith.constant 0 : index
    %get3A_11 = vector.load %arg0[%get3A_8, %get3A_9, %get3A_10] : memref<2x10240x64xf32, #tpu.memory_space<vmem>>, vector<1x10240x64xf32>
    %get3A_12 = vector.shape_cast %get3A_11 : vector<1x10240x64xf32> to vector<10240x64xf32>
    %add3A = arith.addf %get3A_7, %get3A_12 : vector<10240x64xf32>
    %mul3A = vector.broadcast %broadcast_in_dim3A : vector<10240x1xf32> to vector<10240x64xf32>
    %mul3A_13 = arith.mulf %mul3A, %add3A : vector<10240x64xf32>
    %get3A_14 = arith.constant 0 : index
    %get3A_15 = arith.constant 0 : index
    %get3A_16 = vector.load %arg5[%get3A_14, %get3A_15] : memref<1x64xf32, #tpu.memory_space<vmem>>, vector<1x64xf32>
    %get3A_17 = vector.shape_cast %get3A_16 : vector<1x64xf32> to vector<64xf32>
    %broadcast_in_dim3A_18 = vector.shape_cast %get3A_17 : vector<64xf32> to vector<1x64xf32>
    %add3A_19 = vector.broadcast %broadcast_in_dim3A_18 : vector<1x64xf32> to vector<10240x64xf32>
    %add3A_20 = arith.addf %mul3A_13, %add3A_19 : vector<10240x64xf32>
    %max3A = arith.constant 0.000000e+00 : f32
    %max3A_21 = vector.broadcast %max3A : f32 to vector<10240x64xf32>
    %max3A_22 = arith.maximumf %add3A_20, %max3A_21 : vector<10240x64xf32>
    %get3A_23 = arith.constant 0 : index
    %get3A_24 = arith.constant 0 : index
    %get3A_25 = vector.load %arg2[%get3A_23, %get3A_24] : memref<10240x64xf32, #tpu.memory_space<vmem>>, vector<10240x64xf32>
    %add3A_26 = arith.addf %max3A_22, %get3A_25 : vector<10240x64xf32>
    %get3A_27 = arith.constant 0 : index
    %get3A_28 = arith.constant 0 : index
    %get3A_29 = vector.load %arg3[%get3A_27, %get3A_28] : memref<64x64xf32, #tpu.memory_space<vmem>>, vector<64x64xf32>
    %dot_general3A = arith.constant dense<0.000000e+00> : vector<10240x64xf32>
    %dot_general3A_30 = tpu.matmul %add3A_26, %get3A_29, %dot_general3A {dimension_numbers = #tpu.dot_dimension_numbers<[1], [0], [0], [1], [0, 0, 1, 1], [], []>, transpose_lhs_hint = false} : vector<10240x64xf32>, vector<64x64xf32>, vector<10240x64xf32> -> vector<10240x64xf32>
    %broadcast_in_dim3A_31 = vector.shape_cast %get3A_2 : vector<10240xf32> to vector<10240x1xf32>
    %mul3A_32 = vector.broadcast %broadcast_in_dim3A_31 : vector<10240x1xf32> to vector<10240x64xf32>
    %mul3A_33 = arith.mulf %dot_general3A_30, %mul3A_32 : vector<10240x64xf32>
    %swap3A = arith.constant 0 : index
    %swap3A_34 = arith.constant 0 : index
    %swap3A_35 = vector.load %arg7[%swap3A, %swap3A_34] : memref<10240x64xf32, #tpu.memory_space<vmem>>, vector<10240x64xf32>
    tpu.vector_store %arg7[%swap3A, %swap3A_34], %mul3A_33 {strides = array<i32>} : memref<10240x64xf32, #tpu.memory_space<vmem>>, vector<10240x64xf32>,
    %get3A_36 = arith.constant 0 : index
    %get3A_37 = arith.constant 0 : index
    %get3A_38 = vector.load %arg4[%get3A_36, %get3A_37] : memref<64x64xf32, #tpu.memory_space<vmem>>, vector<64x64xf32>
    %dot_general3A_39 = arith.constant dense<0.000000e+00> : vector<10240x64xf32>
    %dot_general3A_40 = tpu.matmul %add3A_26, %get3A_38, %dot_general3A_39 {dimension_numbers = #tpu.dot_dimension_numbers<[1], [0], [0], [1], [0, 0, 1, 1], [], []>, transpose_lhs_hint = false} : vector<10240x64xf32>, vector<64x64xf32>, vector<10240x64xf32> -> vector<10240x64xf32>
    %get3A_41 = arith.constant 0 : index
    %get3A_42 = arith.constant 0 : index
    %get3A_43 = vector.load %arg6[%get3A_41, %get3A_42] : memref<1x64xf32, #tpu.memory_space<vmem>>, vector<1x64xf32>
    %get3A_44 = vector.shape_cast %get3A_43 : vector<1x64xf32> to vector<64xf32>
    %broadcast_in_dim3A_45 = vector.shape_cast %get3A_44 : vector<64xf32> to vector<1x64xf32>
    %add3A_46 = vector.broadcast %broadcast_in_dim3A_45 : vector<1x64xf32> to vector<10240x64xf32>
    %add3A_47 = arith.addf %dot_general3A_40, %add3A_46 : vector<10240x64xf32>
    %swap3A_48 = arith.constant 0 : index
    %swap3A_49 = arith.constant 0 : index
    %swap3A_50 = vector.load %arg8[%swap3A_48, %swap3A_49] : memref<10240x64xf32, #tpu.memory_space<vmem>>, vector<10240x64xf32>
    tpu.vector_store %arg8[%swap3A_48, %swap3A_49], %add3A_47 {strides = array<i32>} : memref<10240x64xf32, #tpu.memory_space<vmem>>, vector<10240x64xf32>,
    return
  }
}

module attributes {stable_mosaic.version = 14 : i64} {
  func.func @_tc4_body(%arg0: memref<2x10240x64xf32, #tpu.memory_space<vmem>>, %arg1: memref<1x10240xf32, #tpu.memory_space<vmem>>, %arg2: memref<10240x64xf32, #tpu.memory_space<vmem>>, %arg3: memref<1x64xf32, #tpu.memory_space<vmem>>, %arg4: memref<10240x64xf32, #tpu.memory_space<vmem>>) attributes {dimension_semantics = [], scalar_prefetch = 0 : i64, scratch_operands = 0 : i64, tpu.core_type = #tpu.core_type<tc>} {
    %get3A = arith.constant 0 : index
    %get3A_0 = arith.constant 0 : index
    %get3A_1 = vector.load %arg1[%get3A, %get3A_0] : memref<1x10240xf32, #tpu.memory_space<vmem>>, vector<1x10240xf32>
    %get3A_2 = vector.shape_cast %get3A_1 : vector<1x10240xf32> to vector<10240xf32>
    %broadcast_in_dim3A = vector.shape_cast %get3A_2 : vector<10240xf32> to vector<10240x1xf32>
    %get3A_3 = arith.constant 0 : index
    %get3A_4 = arith.constant 0 : index
    %get3A_5 = arith.constant 0 : index
    %get3A_6 = vector.load %arg0[%get3A_3, %get3A_4, %get3A_5] : memref<2x10240x64xf32, #tpu.memory_space<vmem>>, vector<1x10240x64xf32>
    %get3A_7 = vector.shape_cast %get3A_6 : vector<1x10240x64xf32> to vector<10240x64xf32>
    %get3A_8 = arith.constant 1 : index
    %get3A_9 = arith.constant 0 : index
    %get3A_10 = arith.constant 0 : index
    %get3A_11 = vector.load %arg0[%get3A_8, %get3A_9, %get3A_10] : memref<2x10240x64xf32, #tpu.memory_space<vmem>>, vector<1x10240x64xf32>
    %get3A_12 = vector.shape_cast %get3A_11 : vector<1x10240x64xf32> to vector<10240x64xf32>
    %add3A = arith.addf %get3A_7, %get3A_12 : vector<10240x64xf32>
    %mul3A = vector.broadcast %broadcast_in_dim3A : vector<10240x1xf32> to vector<10240x64xf32>
    %mul3A_13 = arith.mulf %mul3A, %add3A : vector<10240x64xf32>
    %get3A_14 = arith.constant 0 : index
    %get3A_15 = arith.constant 0 : index
    %get3A_16 = vector.load %arg3[%get3A_14, %get3A_15] : memref<1x64xf32, #tpu.memory_space<vmem>>, vector<1x64xf32>
    %get3A_17 = vector.shape_cast %get3A_16 : vector<1x64xf32> to vector<64xf32>
    %broadcast_in_dim3A_18 = vector.shape_cast %get3A_17 : vector<64xf32> to vector<1x64xf32>
    %add3A_19 = vector.broadcast %broadcast_in_dim3A_18 : vector<1x64xf32> to vector<10240x64xf32>
    %add3A_20 = arith.addf %mul3A_13, %add3A_19 : vector<10240x64xf32>
    %max3A = arith.constant 0.000000e+00 : f32
    %max3A_21 = vector.broadcast %max3A : f32 to vector<10240x64xf32>
    %max3A_22 = arith.maximumf %add3A_20, %max3A_21 : vector<10240x64xf32>
    %get3A_23 = arith.constant 0 : index
    %get3A_24 = arith.constant 0 : index
    %get3A_25 = vector.load %arg2[%get3A_23, %get3A_24] : memref<10240x64xf32, #tpu.memory_space<vmem>>, vector<10240x64xf32>
    %add3A_26 = arith.addf %max3A_22, %get3A_25 : vector<10240x64xf32>
    %swap3A = arith.constant 0 : index
    %swap3A_27 = arith.constant 0 : index
    %swap3A_28 = vector.load %arg4[%swap3A, %swap3A_27] : memref<10240x64xf32, #tpu.memory_space<vmem>>, vector<10240x64xf32>
    tpu.vector_store %arg4[%swap3A, %swap3A_27], %add3A_26 {strides = array<i32>} : memref<10240x64xf32, #tpu.memory_space<vmem>>, vector<10240x64xf32>,
    return
  }
}

module attributes {stable_mosaic.version = 14 : i64} {
  func.func @_tc5_body(%arg0: memref<2x320x64xf32, #tpu.memory_space<vmem>>, %arg1: memref<2x320xf32, #tpu.memory_space<vmem>>, %arg2: memref<64x32xf32, #tpu.memory_space<vmem>>, %arg3: memref<1x32xf32, #tpu.memory_space<vmem>>, %arg4: memref<32x1xf32, #tpu.memory_space<vmem>>, %arg5: memref<1x1xf32, #tpu.memory_space<vmem>>, %arg6: memref<256x1xf32, #tpu.memory_space<vmem>>) attributes {dimension_semantics = [], scalar_prefetch = 0 : i64, scratch_operands = 0 : i64, tpu.core_type = #tpu.core_type<tc>} {
    %get3A = arith.constant 0 : index
    %get3A_0 = arith.constant 0 : index
    %get3A_1 = arith.constant 0 : index
    %get3A_2 = vector.load %arg0[%get3A, %get3A_0, %get3A_1] : memref<2x320x64xf32, #tpu.memory_space<vmem>>, vector<1x320x64xf32>
    %get3A_3 = vector.shape_cast %get3A_2 : vector<1x320x64xf32> to vector<320x64xf32>
    %get3A_4 = arith.constant 1 : index
    %get3A_5 = arith.constant 0 : index
    %get3A_6 = arith.constant 0 : index
    %get3A_7 = vector.load %arg0[%get3A_4, %get3A_5, %get3A_6] : memref<2x320x64xf32, #tpu.memory_space<vmem>>, vector<1x320x64xf32>
    %get3A_8 = vector.shape_cast %get3A_7 : vector<1x320x64xf32> to vector<320x64xf32>
    %add3A = arith.addf %get3A_3, %get3A_8 : vector<320x64xf32>
    %get3A_9 = arith.constant 0 : index
    %get3A_10 = arith.constant 0 : index
    %get3A_11 = vector.load %arg1[%get3A_9, %get3A_10] : memref<2x320xf32, #tpu.memory_space<vmem>>, vector<1x320xf32>
    %get3A_12 = vector.shape_cast %get3A_11 : vector<1x320xf32> to vector<320xf32>
    %get3A_13 = arith.constant 1 : index
    %get3A_14 = arith.constant 0 : index
    %get3A_15 = vector.load %arg1[%get3A_13, %get3A_14] : memref<2x320xf32, #tpu.memory_space<vmem>>, vector<1x320xf32>
    %get3A_16 = vector.shape_cast %get3A_15 : vector<1x320xf32> to vector<320xf32>
    %add3A_17 = arith.addf %get3A_12, %get3A_16 : vector<320xf32>
    %slice3A = vector.extract_strided_slice %add3A {offsets = [0, 0], sizes = [256, 64], strides = [1, 1]} : vector<320x64xf32> to vector<256x64xf32>
    %slice3A_18 = vector.extract_strided_slice %add3A_17 {offsets = [0], sizes = [256], strides = [1]} : vector<320xf32> to vector<256xf32>
    %max3A = arith.constant 1.000000e+00 : f32
    %max3A_19 = vector.broadcast %max3A : f32 to vector<256xf32>
    %max3A_20 = arith.maximumf %slice3A_18, %max3A_19 : vector<256xf32>
    %broadcast_in_dim3A = vector.shape_cast %max3A_20 : vector<256xf32> to vector<256x1xf32>
    %div3A = vector.broadcast %broadcast_in_dim3A : vector<256x1xf32> to vector<256x64xf32>
    %div3A_21 = arith.divf %slice3A, %div3A : vector<256x64xf32>
    %get3A_22 = arith.constant 0 : index
    %get3A_23 = arith.constant 0 : index
    %get3A_24 = vector.load %arg2[%get3A_22, %get3A_23] : memref<64x32xf32, #tpu.memory_space<vmem>>, vector<64x32xf32>
    %dot_general3A = arith.constant dense<0.000000e+00> : vector<256x32xf32>
    %dot_general3A_25 = tpu.matmul %div3A_21, %get3A_24, %dot_general3A {dimension_numbers = #tpu.dot_dimension_numbers<[1], [0], [0], [1], [0, 0, 1, 1], [], []>, transpose_lhs_hint = false} : vector<256x64xf32>, vector<64x32xf32>, vector<256x32xf32> -> vector<256x32xf32>
    %get3A_26 = arith.constant 0 : index
    %get3A_27 = arith.constant 0 : index
    %get3A_28 = vector.load %arg3[%get3A_26, %get3A_27] : memref<1x32xf32, #tpu.memory_space<vmem>>, vector<1x32xf32>
    %get3A_29 = vector.shape_cast %get3A_28 : vector<1x32xf32> to vector<32xf32>
    %broadcast_in_dim3A_30 = vector.shape_cast %get3A_29 : vector<32xf32> to vector<1x32xf32>
    %add3A_31 = vector.broadcast %broadcast_in_dim3A_30 : vector<1x32xf32> to vector<256x32xf32>
    %add3A_32 = arith.addf %dot_general3A_25, %add3A_31 : vector<256x32xf32>
    %max3A_33 = arith.constant 0.000000e+00 : f32
    %max3A_34 = vector.broadcast %max3A_33 : f32 to vector<256x32xf32>
    %max3A_35 = arith.maximumf %add3A_32, %max3A_34 : vector<256x32xf32>
    %get3A_36 = arith.constant 0 : index
    %get3A_37 = arith.constant 0 : index
    %get3A_38 = vector.load %arg4[%get3A_36, %get3A_37] : memref<32x1xf32, #tpu.memory_space<vmem>>, vector<32x1xf32>
    %dot_general3A_39 = arith.constant dense<0.000000e+00> : vector<256x1xf32>
    %dot_general3A_40 = tpu.matmul %max3A_35, %get3A_38, %dot_general3A_39 {dimension_numbers = #tpu.dot_dimension_numbers<[1], [0], [0], [1], [0, 0, 1, 1], [], []>, transpose_lhs_hint = false} : vector<256x32xf32>, vector<32x1xf32>, vector<256x1xf32> -> vector<256x1xf32>
    %get3A_41 = arith.constant 0 : index
    %get3A_42 = arith.constant 0 : index
    %get3A_43 = vector.load %arg5[%get3A_41, %get3A_42] : memref<1x1xf32, #tpu.memory_space<vmem>>, vector<1x1xf32>
    %get3A_44 = vector.shape_cast %get3A_43 : vector<1x1xf32> to vector<1xf32>
    %broadcast_in_dim3A_45 = vector.shape_cast %get3A_44 : vector<1xf32> to vector<1x1xf32>
    %add3A_46 = vector.broadcast %broadcast_in_dim3A_45 : vector<1x1xf32> to vector<256x1xf32>
    %add3A_47 = arith.addf %dot_general3A_40, %add3A_46 : vector<256x1xf32>
    %swap3A = arith.constant 0 : index
    %swap3A_48 = arith.constant 0 : index
    %swap3A_49 = vector.load %arg6[%swap3A, %swap3A_48] : memref<256x1xf32, #tpu.memory_space<vmem>>, vector<256x1xf32>
    tpu.vector_store %arg6[%swap3A, %swap3A_48], %add3A_47 {strides = array<i32>} : memref<256x1xf32, #tpu.memory_space<vmem>>, vector<256x1xf32>,
    return
  }
}

</mosaic_0001>

<sc_bundles>
// kernel: kernel.12.cloned.1.call-start
scs
__scs_entry_jumppad:
0x0: {  	(pc) =	sbr.rel $0x88, $3  }
0x1: {  	(tag) =	ssettag $0x0;
	lr =	simm.s32 $0x1  }
0x2: {  	[smem:$0x3F90] =	sst lr;
	_ =	strace $0xD0000000  }
0x3: {  	_ = 	snop  }
0x4: {  	_ = 	snop  }
0x5: {  	_ = 	snop  }
0x6: {  	_ = 	snop  }
0x7: {  	_ = 	snop  }
__scs_overlays_trampoline_lowered:
0x8: {  	[smem:$0x3F9F] =	sst s0  }
0x9: {  	[smem:$0x3FA0] =	sst s1  }
0xa: {  	[smem:$0x3FA1] =	sst s2  }
0xb: {  	[smem:$0x3FA2] =	sst s3  }
0xc: {  	[smem:$0x3FA3] =	sst s4  }
0xd: {  	[smem:$0x3FA4] =	sst s5  }
0xe: {  	[smem:$0x3FA5] =	sst s6  }
0xf: {  	[smem:$0x3FA6] =	sst s7  }
0x10: {  	[smem:$0x3FA7] =	sst s8  }
0x11: {  	[smem:$0x3FA8] =	sst s9;
	s0 =	simm.s32 @!p0 $0x0  }
0x12: {  	s1 =	sld [smem:$0x3F8E];
	s0 =	simm.s32 @p0 $0x1  }
0x13: {  	[smem:$0x3FA9] =	sst s0;
	s0 =	simm.s32 @!p1 $0x0  }
0x14: {  	s2 =	sld [smem:$0x3F8D];
	s0 =	simm.s32 @p1 $0x1  }
0x15: {  	[smem:$0x3FAA] =	sst s0;
	s0 =	simm.s32 @!p2 $0x0  }
0x16: {  	s3 =	sld [smem:$0x3FDB];
	s0 =	simm.s32 @p2 $0x1  }
0x17: {  	s4 =	simm.s32 $0x1BF5;
	[smem:$0x3FAC] =	sst s0  }
0x18: {  	s0 =	sld [smem:$0x3F8F];
	_ =	swait.ge [sflag:s4], $0x0  }
0x19: {  	s7 =	sld [smem:$0x3F90]  }
0x1a: {  	s8 =	sadd.s32 $0xFFFFE003, lr  }
0x1b: {  	s9 =	sadd.s32 $0xFFFFFEF7, lr;
	s5 =	simm.s32 $0xFFFFFFFF;
	p2 =	slt.u32 s8, $0xFFFFF086  }
0x1c: {  	p1 =	slt.u32 s9, $0xF7A;
	s5 =	simm.s32 @!p2 $0x0  }
0x1d: {  	s5 =	simm.s32 @p1 $0x1;
	p0 =	seq.s32 s7, s2  }
0x1e: {  	s7 =	smul.u32 @!p0 $0xF7A, s2;
	p2 =	seq.s32 @!p0 s5, $0x0  }
0x1f: {  	s9 =	smul.u32 $0xF7A, s1;
	s8 =	simm.s32 @!p0 $0x1BF5;
	p2 =	por !p2, p0  }
0x20: {  	[sflag:s8] =	ssyncset.s32 @!p0 $0xFFFFF086;
	s6 =	sadd.s32 @!p0 s3, s7;
	s7 =	simm.s32 @!p0 $0x108  }
0x21: {  	s3 =	sadd.s32 s3, s9;
	s6 =	sadd.s32 @!p0 $0x88, s6;
	s7 =	simm.s32 @p2 $0x1082  }
0x22: {  	[simem:s7], [sflag:s8] =	dma.local @!p0 [hbm:s6], $0xF7A  }
0x23: {  	s9 =	sor.u32 $0xD0000000, s2;
	s6 =	simm.s32 $0x108;
	_ =	swait.ge @!p0 [sflag:s8], $0x0  }
0x24: {  	s3 =	sadd.s32 $0x88, s3;
	s6 =	simm.s32 @!p1 $0x1082;
	[sflag:s4] =	ssyncset.s32 $0xFFFFF086  }
0x25: {  	[simem:s6], [sflag:s4] =	dma.local [hbm:s3], $0xF7A  }
0x26: {  	[smem:$0x3F90] =	sst s1;
	(tag) =	ssettag s2;
	_ =	strace s9  }
0x27: {  	s1 =	sld [smem:$0x3FA0]  }
0x28: {  	s2 =	sld [smem:$0x3FA1]  }
0x29: {  	s4 =	sld [smem:$0x3FA3]  }
0x2a: {  	p0 =	seq.s32 s5, $0x0;
	s5 =	sld [smem:$0x3FA4]  }
0x2b: {  	s6 =	sld [smem:$0x3FA5]  }
0x2c: {  	s7 =	sld [smem:$0x3FA6]  }
0x2d: {  	s3 =	simm.s32 $0x108;
	s8 =	sld [smem:$0x3FA7]  }
0x2e: {  	s3 =	simm.s32 @!p0 $0x1082;
	s9 =	sld [smem:$0x3FA8]  }
0x2f: {  	lr =	sadd.s32 s0, s3;
	s0 =	sld [smem:$0x3F9F]  }
0x30: {  	s3 =	sld [smem:$0x3FA2]  }
0x31: {  	[smem:$0x3FAB] =	sst s10  }
0x32: {  	s10 =	sld [smem:$0x3FA9];
	_ =	sdelay $0x3  }
0x33: {  	p0 =	seq.s32 s10, $0x1;
	s10 =	sld [smem:$0x3FAB];
	_ =	sdelay $0x3  }
0x34: {  	[smem:$0x3FAB] =	sst s10  }
0x35: {  	s10 =	sld [smem:$0x3FAA];
	_ =	sdelay $0x3  }
0x36: {  	p1 =	seq.s32 s10, $0x1;
	s10 =	sld [smem:$0x3FAB];
	_ =	sdelay $0x3  }
0x37: {  	[smem:$0x3FAB] =	sst s10  }
0x38: {  	s10 =	sld [smem:$0x3FAC]  }
0x39: {  	_ = 	snop;
	(pc) =	sbr.ind lr, $3  }
0x3a: {  	_ = 	snop  }
0x3b: {  	_ = 	snop  }
0x3c: {  	p2 =	seq.s32 s10, $0x1;
	s10 =	sld [smem:$0x3FAB]  }
0x3d: {  	_ =	shalt  }
0x3e: {  	_ =	shalt  }
0x3f: {  	_ =	shalt  }
0x40: {  	_ =	shalt  }
0x41: {  	_ =	shalt  }
0x42: {  	_ =	shalt  }
0x43: {  	_ =	shalt  }
0x44: {  	_ =	shalt  }
0x45: {  	_ =	shalt  }
0x46: {  	_ =	shalt  }
0x47: {  	_ =	shalt  }
0x48: {  	_ =	shalt  }
0x49: {  	_ =	shalt  }
0x4a: {  	_ =	shalt  }
0x4b: {  	_ =	shalt  }
0x4c: {  	_ =	shalt  }
0x4d: {  	_ =	shalt  }
0x4e: {  	_ =	shalt  }
0x4f: {  	_ =	shalt  }
0x50: {  	_ =	shalt  }
0x51: {  	_ =	shalt  }
0x52: {  	_ =	shalt  }
0x53: {  	_ =	shalt  }
0x54: {  	_ =	shalt  }
0x55: {  	_ =	shalt  }
0x56: {  	_ =	shalt  }
0x57: {  	_ =	shalt  }
0x58: {  	_ =	shalt  }
0x59: {  	_ =	shalt  }
0x5a: {  	_ =	shalt  }
0x5b: {  	_ =	shalt  }
0x5c: {  	_ =	shalt  }
0x5d: {  	_ =	shalt  }
0x5e: {  	_ =	shalt  }
0x5f: {  	_ =	shalt  }
0x60: {  	_ =	shalt  }
0x61: {  	_ =	shalt  }
0x62: {  	_ =	shalt  }
0x63: {  	_ =	shalt  }
0x64: {  	_ =	shalt  }
0x65: {  	_ =	shalt  }
0x66: {  	_ =	shalt  }
0x67: {  	_ =	shalt  }
0x68: {  	_ =	shalt  }
0x69: {  	_ =	shalt  }
0x6a: {  	_ =	shalt  }
0x6b: {  	_ =	shalt  }
0x6c: {  	_ =	shalt  }
0x6d: {  	_ =	shalt  }
0x6e: {  	_ =	shalt  }
0x6f: {  	_ =	shalt  }
0x70: {  	_ =	shalt  }
0x71: {  	_ =	shalt  }
0x72: {  	_ =	shalt  }
0x73: {  	_ =	shalt  }
0x74: {  	_ =	shalt  }
0x75: {  	_ =	shalt  }
0x76: {  	_ =	shalt  }
0x77: {  	_ =	shalt  }
0x78: {  	_ =	shalt  }
0x79: {  	_ =	shalt  }
0x7a: {  	_ =	shalt  }
0x7b: {  	_ =	shalt  }
0x7c: {  	_ =	shalt  }
0x7d: {  	_ =	shalt  }
0x7e: {  	_ =	shalt  }
0x7f: {  	_ =	shalt  }
0x80: {  	_ =	shalt  }
0x81: {  	_ =	shalt  }
0x82: {  	_ =	shalt  }
0x83: {  	_ =	shalt  }
0x84: {  	_ =	shalt  }
0x85: {  	_ =	shalt  }
0x86: {  	_ =	shalt  }
0x87: {  	_ =	shalt  }
.Lfunc_end0:
.L_simem_size_0:
called_computation_lowered:
.L_overlay_start_0:
0x88: {  	s2 =	sld [smem:$0x3FD9]  }
0x89: {  	s3 =	sld [smem:$0x3FFE];
	_ =	sdelay $0x1  }
0x8a: {  	s1 =	srdreg.scid  }
0x8b: {  	s0 =	sand.u32 $0x1, s1  }
0x8c: {  	s16 =	sshll.u32 s0, $0xA;
	s2 =	sadd.s32 s3, s2  }
0x8d: {  	s2 =	sadd.s32 s2, s16  }
0x8e: {  	[smem:$0x3FB7] =	sst s2  }
0x8f: {  	_ = 	snop  }
0x90: {  	(tm) =	ssettm $0x1  }
0x91: {  	s17 =	sld [smem:$0x3FFB];
	_ =	sdelay $0x3  }
0x92: {  	_ =	strace s17  }
0x93: {  	s2 =	sld [smem:$0x3FFC];
	_ =	sdelay $0x3  }
0x94: {  	_ =	strace s2  }
0x95: {  	s2 =	sld [smem:$0x3FFD];
	_ =	sdelay $0x3  }
0x96: {  	_ =	strace s2  }
0x97: {  	_ =	strace $0x8FFFFFFF  }
0x98: {  	s18 =	sld [smem:$0x3FDB];
	_ =	sdelay $0x1  }
0x99: {  	s19 =	simm.s32 $_scs_section_size  }
0x9a: {  	s4 =	simm.s32 $_size__tile_overlayer_lowered;
	s5 =	simm.s32 $_tile_overlayer_lowered  }
0x9b: {  	s22 =	simm.s32 $0x1BFF;
	s21 =	sshll.u32 s5, $0x1;
	s2 =	sadd.s32 s19, s18  }
0x9c: {  	s6 =	simm.s32 $0x0;
	s20 =	sshll.u32 s4, $0x1;
	s4 =	sadd.s32 s21, s2  }
0x9d: {  	[timem:s6], [sflag:s22] =	dma.local [hbm:s4], s20  }
0x9e: {  	_ =	swait.ge [sflag:s22], s20  }
0x9f: {  	s3 =	ssub.s32 $0x0, s20;
	[sflag:s22] =	ssyncset.done $0x0  }
0xa0: {  	[sflag:s22] =	ssyncadd.s32 s3;
	_ =	sdelay $0x1  }
0xa1: {  	s23 =	simm.s32 $0x1B8B  }
0xa2: {  	_ =	swait.ge [sflag:s23], $0x1  }
0xa3: {  	[sflag:s23] =	ssyncset.done $0x0  }
0xa4: {  	s25 =	simm.s32 $0x1B8E;
	s24 =	sld [smem:$0x3FFE];
	[sflag:s23] =	ssyncadd.s32 $0xFFFFFFFF  }
0xa5: {  	s26 =	simm.s32 $execute0_lowered;
	[smem:$0x3FD2] =	sst s25  }
0xa6: {  	s4 =	sshll.u32 s26, $0x1;
	_ =	strace $0x80000046;
	[dreg:$0x1] =	wrdreg $0xFFFFFFFF  }
0xa7: {  	s28 =	simm.s32 $_size_execute0_lowered;
	s2 =	sadd.s32 s2, s4;
	[dreg:$0x0] =	wrdreg $0x0  }
0xa8: {  	s4 =	sshll.u32 s28, $0x1;
	[dreg:$0x2] =	wrdreg s2  }
0xa9: {  	[dreg:$0x3] =	wrdreg s4  }
0xaa: {  	[dreg:$0x4] =	wrdreg $0xC0  }
0xab: {  	_ =	task [dreg:s6], $0x5FFFF  }
0xac: {  	[dreg:$0x1] =	wrdreg $0xFFFFFFFF  }
0xad: {  	[dreg:$0x0] =	wrdreg $0x60  }
0xae: {  	[dreg:$0x2] =	wrdreg s24  }
0xaf: {  	[dreg:$0x3] =	wrdreg $0x30400  }
0xb0: {  	[dreg:$0x4] =	wrdreg $0x32C00  }
0xb1: {  	[dreg:$0x5] =	wrdreg $0x9  }
0xb2: {  	_ =	task.clear_ibuf [dreg:s6], $0x6FFFF;
	_ =	strace $0x90000046  }
0xb3: {  	s29 =	simm.s32 $0x9;
	_ =	strace $0x80000048  }
0xb4: {  	_ =	swait.ge [sflag:s29], $0x1  }
0xb5: {  	[sflag:s29] =	ssyncadd.s32 $0xFFFFFFFF  }
0xb6: {  	_ =	strace $0x90000048  }
0xb7: {  	_ =	sfence  }
0xb8: {  	s30 =	sld [smem:$0x0];
	_ =	sdelay $0x2  }
0xb9: {  	s31 =	sshll.u32 s1, $0xD;
	s1 =	sshrl.u32 s1, $0x2  }
0xba: {  	s3 =	sand.u32 $0x4000, s31;
	s1 =	sadd.s32 s1, s30  }
0xbb: {  	s0 =	sor.u32 s3, s0;
	s1 =	sshll.u32 s1, $0x11  }
0xbc: {  	s0 =	sor.u32 s1, s0  }
0xbd: {  	s0 =	sadd.s32 $0x8F2B, s0  }
0xbe: {  	[sflag:s0] =	ssyncadd.remote.s32 $0x1  }
0xbf: {  	_ =	sfence.sel $0xFFFF  }
0xc0: {  	[dreg:$0x0] =	wrdreg $0xFFFFFFFF;
	(pc) =	sbr.abs _section_cstart, $3  }
0xc1: {  	[dreg:$0x1] =	wrdreg $0xFFFFFFFF  }
0xc2: {  	_ =	task.clear_ibuf [dreg:s6], $0x2FFFF;
	_ =	strace $0x9FFFFFFF  }
0xc3: {  	(tm) =	ssettm $0x7FFFFFFF  }
tec
execute0_lowered:
.L_overlay_start_1:
0x0: {  	(tag) =	ssettag $0x1  }
0x1: {  	s5 =	rddreg [dreg:$0x0]  }
0x2: {  	s0 =	srdreg.scid;
	s1 =	rddreg [dreg:$0x1]  }
0x3: {  	s18 =	stileid.u32;
	s2 =	rddreg [dreg:$0x2];
	s3 =	simm.s32 $0x0  }
0x4: {  	s12 =	simm.s32 $0x2C00;
	s13 =	simm.s32 $0x80;
	s14 =	simm.s32 $0x2D40  }
0x5: {  	s15 =	simm.s32 $0x40;
	s16 =	simm.s32 $0x2C40;
	s17 =	simm.s32 $0x2C80  }
0x6: {  	s19 =	simm.s32 $0x2D00;
	s23 =	simm.s32 $0x0;
	s4 =	sand.u32 $0x1, s0  }
0x7: {  	s8 =	smul.u32 $0x280, s18;
	[smem:$0x7FF] =	sst s3;
	p0 =	sne.s32 s18, $0x0  }
0x8: {  	s20 =	sshll.u32 s18, $0x6;
	s0 =	sshll.u32 s4, $0x4;
	s9 =	smul.u32 $0x2800, s4  }
0x9: {  	s10 =	smul.u32 $0x28, s4;
	s4 =	ssub.s32 $0x2, s4;
	s20 =	sor.u32 $0x1C01, s20  }
0xa: {  	s22 =	sshrl.u32 @!p0 s2, $0x3;
	s6 =	sor.u32 s18, s0;
	s0 =	rddreg [dreg:$0x3]  }
0xb: {  	_ =	strace $0x80000047;
	s11 =	sshrl.u32 s4, $0x1;
	s7 =	smul.u32 $0x580, s6  }
0xc: {  	s18 =	simm.s32 $0x2CC0;
	s6 =	smul.u32 $0x28, s6;
	s9 =	sadd.s32 s8, s9  }
0xd: {  	s10 =	sadd.s32 s10, s5;
	s11 =	ssub.s32 s4, s11;
	s4 =	sadd.s32 s8, s1  }
0xe: {  	s9 =	sshrl.u32 s9, $0x3;
	s8 =	sadd.s32 $0xFC00, s10;
	s10 =	simm.s32 $0x2DC0  }
0xf: {  	s21 =	sshrl.u32 s4, $0x3;
	s7 =	sadd.s32 s7, s5;
	s6 =	sadd.s32 s6, s5  }
0x10: {  	s9 =	sadd.s32 s9, s5;
	s5 =	sadd.s32 $0x4200, s7;
	s6 =	sadd.s32 $0x3C00, s6  }
0x11: {  	v0 =	vimm.f32 $0.0e+00;
	v1 =	vimm.f32 $1.000000000e+00;
	s7 =	sadd.s32 $0xF200, s9;
	s9 =	smax.u32 s11, $0x1;
	s11 =	simm.s32 $0x1  }
.LBB2_1:
0x12: {  	[tilespmem:$0x2DC0] =	vst v0  }
0x13: {  	[tilespmem:$0x2DD0] =	vst v0  }
0x14: {  	[tilespmem:$0x2DE0] =	vst v0  }
0x15: {  	[tilespmem:$0x2DF0] =	vst v0  }
0x16: {  	[tilespmem:$0x2E00] =	vst v0  }
0x17: {  	[tilespmem:$0x2E10] =	vst v0  }
0x18: {  	[tilespmem:$0x2E20] =	vst v0  }
0x19: {  	[tilespmem:$0x2E30] =	vst v0  }
0x1a: {  	[tilespmem:$0x2E40] =	vst v0  }
0x1b: {  	[tilespmem:$0x2E50] =	vst v0  }
0x1c: {  	[tilespmem:$0x2E60] =	vst v0  }
0x1d: {  	[tilespmem:$0x2E70] =	vst v0  }
0x1e: {  	[tilespmem:$0x2E80] =	vst v0  }
0x1f: {  	[tilespmem:$0x2E90] =	vst v0  }
0x20: {  	[tilespmem:$0x2EA0] =	vst v0  }
0x21: {  	[tilespmem:$0x2EB0] =	vst v0  }
0x22: {  	[tilespmem:$0x2EC0] =	vst v0  }
0x23: {  	[tilespmem:$0x2ED0] =	vst v0  }
0x24: {  	[tilespmem:$0x2EE0] =	vst v0  }
0x25: {  	[tilespmem:$0x2EF0] =	vst v0  }
0x26: {  	[tilespmem:$0x2F00] =	vst v0  }
0x27: {  	[tilespmem:$0x2F10] =	vst v0  }
0x28: {  	[tilespmem:$0x2F20] =	vst v0  }
0x29: {  	[tilespmem:$0x2F30] =	vst v0  }
0x2a: {  	[tilespmem:$0x2F40] =	vst v0  }
0x2b: {  	[tilespmem:$0x2F50] =	vst v0  }
0x2c: {  	[tilespmem:$0x2F60] =	vst v0  }
0x2d: {  	[tilespmem:$0x2F70] =	vst v0  }
0x2e: {  	[tilespmem:$0x2F80] =	vst v0  }
0x2f: {  	[tilespmem:$0x2F90] =	vst v0  }
0x30: {  	[tilespmem:$0x2FA0] =	vst v0  }
0x31: {  	[tilespmem:$0x2FB0] =	vst v0  }
0x32: {  	[tilespmem:$0x2FC0] =	vst v0  }
0x33: {  	[tilespmem:$0x2FD0] =	vst v0  }
0x34: {  	[tilespmem:$0x2FE0] =	vst v0  }
0x35: {  	[tilespmem:$0x2FF0] =	vst v0  }
0x36: {  	[tilespmem:$0x3000] =	vst v0  }
0x37: {  	[tilespmem:$0x3010] =	vst v0  }
0x38: {  	[tilespmem:$0x3020] =	vst v0  }
0x39: {  	[tilespmem:$0x3030] =	vst v0  }
0x3a: {  	[tilespmem:$0x2D40] =	vst v1  }
0x3b: {  	[tilespmem:$0x2D50] =	vst v1  }
0x3c: {  	[tilespmem:$0x2D60] =	vst v1  }
0x3d: {  	[tilespmem:$0x2D70] =	vst v1  }
0x3e: {  	[tilespmem:$0x2D80] =	vst v1  }
0x3f: {  	[tilespmem:$0x2D90] =	vst v1  }
0x40: {  	[tilespmem:$0x2DA0] =	vst v1  }
0x41: {  	[tilespmem:$0x2DB0] =	vst v1  }
0x42: {  	[spmem:s4] =	stream.linear.scatter [tilespmem:s10], [sflag:$0x1], $0x280, $0x38;
	[tilespmem:$0x32D8] =	vst v63  }
0x43: {  	_ =	swait.ge [sflag:s11], $0x280  }
0x44: {  	[sflag:s11] =	ssyncset.done $0x0  }
0x45: {  	s24 =	simm.s32 @!p0 $0x2DC0;
	[sflag:s11] =	ssyncadd.s32 $0xFFFFFD80  }
0x46: {  	[spmem:s2] =	stream.linear.scatter @!p0 [tilespmem:s24], [sflag:$0x1], $0x140, $0x38;
	[tilespmem:$0x32D8] =	vst v63  }
0x47: {  	s24 =	simm.s32 @!p0 $0x1  }
0x48: {  	_ =	swait.ge @!p0 [sflag:s24], $0x140  }
0x49: {  	[sflag:s24] =	ssyncset.done @!p0 $0x0  }
0x4a: {  	[sflag:s24] =	ssyncadd.s32 @!p0 $0xFFFFFEC0  }
0x4b: {  	[bflag:$0x0] =	sbarrier.arrive $0xFFFF  }
0x4c: {  	[tilespmem:s3], [sflag:$0x1] =	stream.linear.gather [hbm4b:s5+s3], $0x2C00, $0x38;
	[tilespmem:$0x32D8] =	vst v63  }
0x4d: {  	_ =	swait.ge [sflag:s11], $0x2C00  }
0x4e: {  	[sflag:s11] =	ssyncset.done $0x0  }
0x4f: {  	[sflag:s11] =	ssyncadd.s32 $0xFFFFD400  }
0x50: {  	[tilespmem:s12], [sflag:$0x1] =	stream.linear.gather [hbm4b:s6+s3], $0x140, $0x38;
	[tilespmem:$0x32D8] =	vst v63  }
0x51: {  	_ =	swait.ge [sflag:s11], $0x140  }
0x52: {  	[sflag:s11] =	ssyncset.done $0x0  }
0x53: {  	s31 =	simm.s32 $0x0;
	[sflag:s11] =	ssyncadd.s32 $0xFFFFFEC0  }
0x54: {  	[spmem:s1] =	stream.indirect.scatter.add.f32 [tilespmem:s14], [sflag:$0x1], $0x1, s31, s13, $0xb8;
	[tilespmem:$0x32D8] =	vst v63  }
0x55: {  	_ =	swait.ge [sflag:s11], $0x80  }
0x56: {  	s24 =	simm.s32 $0x200;
	[sflag:s11] =	ssyncset.done $0x0  }
.LBB2_2:
0x57: {  	s25 =	sshra.s32 s24, $0x2;
	[sflag:s11] =	ssyncadd.s32 $0xFFFFFF80;
	p1 =	sne.s32 s24, $0xAE00  }
0x58: {  	[spmem:s1] =	stream.indirect.scatter.add.f32 [tilespmem:s14], [sflag:$0x1], $0x1, s25, s13, $0xb8;
	[tilespmem:$0x32D8] =	vst v63  }
.Ltmp0:
0x59: {  	_ = 	snop;
	(pc) =	sbr.rel @p1 .LBB2_2-.Ltmp0, $4  }
0x5a: {  	_ = 	snop  }
0x5b: {  	s24 =	sadd.s32 $0x200, s24  }
0x5c: {  	_ =	swait.ge [sflag:s11], $0x80  }
0x5d: {  	[sflag:s11] =	ssyncset.done $0x0  }
0x5e: {  	[sflag:s11] =	ssyncadd.s32 $0xFFFFFF80  }
0x5f: {  	[spmem:s2] =	stream.indirect.scatter.add.f32 [tilespmem:s14], [sflag:$0x1], $0x1, s12, s15, $0xb8;
	[tilespmem:$0x32D8] =	vst v63  }
0x60: {  	_ =	swait.ge [sflag:s11], $0x40  }
0x61: {  	[sflag:s11] =	ssyncset.done $0x0  }
0x62: {  	[sflag:s11] =	ssyncadd.s32 $0xFFFFFFC0  }
0x63: {  	[spmem:s2] =	stream.indirect.scatter.add.f32 [tilespmem:s14], [sflag:$0x1], $0x1, s16, s15, $0xb8;
	[tilespmem:$0x32D8] =	vst v63  }
0x64: {  	_ =	swait.ge [sflag:s11], $0x40  }
0x65: {  	[sflag:s11] =	ssyncset.done $0x0  }
0x66: {  	[sflag:s11] =	ssyncadd.s32 $0xFFFFFFC0  }
0x67: {  	[spmem:s2] =	stream.indirect.scatter.add.f32 [tilespmem:s14], [sflag:$0x1], $0x1, s17, s15, $0xb8;
	[tilespmem:$0x32D8] =	vst v63  }
0x68: {  	_ =	swait.ge [sflag:s11], $0x40  }
0x69: {  	[sflag:s11] =	ssyncset.done $0x0  }
0x6a: {  	[sflag:s11] =	ssyncadd.s32 $0xFFFFFFC0  }
0x6b: {  	[spmem:s2] =	stream.indirect.scatter.add.f32 [tilespmem:s14], [sflag:$0x1], $0x1, s18, s15, $0xb8;
	[tilespmem:$0x32D8] =	vst v63  }
0x6c: {  	_ =	swait.ge [sflag:s11], $0x40  }
0x6d: {  	[sflag:s11] =	ssyncset.done $0x0  }
0x6e: {  	[sflag:s11] =	ssyncadd.s32 $0xFFFFFFC0  }
0x6f: {  	[spmem:s2] =	stream.indirect.scatter.add.f32 [tilespmem:s14], [sflag:$0x1], $0x1, s19, s15, $0xb8;
	[tilespmem:$0x32D8] =	vst v63  }
0x70: {  	_ =	swait.ge [sflag:s11], $0x40  }
0x71: {  	[sflag:s11] =	ssyncset.done $0x0  }
0x72: {  	[sflag:s11] =	ssyncadd.s32 $0xFFFFFFC0  }
0x73: {  	[bflag:$0x0] =	sbarrier.arrive $0xFFFF  }
0x74: {  	[hbm:s7], [sflag:s20] =	dma.local [spmem:s21], $0x50  }
0x75: {  	s23 =	sadd.s32 $0x1, s23;
	_ =	swait.ge [sflag:s11], $0x50  }
0x76: {  	p1 =	sne.s32 s23, s9;
	[sflag:s11] =	ssyncset.done $0x0  }
.Ltmp1:
0x77: {  	s24 =	simm.s32 @!p0 $0x1;
	[sflag:s11] =	ssyncadd.s32 $0xFFFFFFB0;
	(pc) =	sbr.rel @p1 .LBB2_1-.Ltmp1, $4  }
0x78: {  	[hbm:s8], [sflag:s20] =	dma.local @!p0 [spmem:s22], $0x28  }
0x79: {  	_ =	swait.ge @!p0 [sflag:s24], $0x28  }
0x7a: {  	[sflag:s24] =	ssyncset.done @!p0 $0x0  }
0x7b: {  	[sflag:s24] =	ssyncadd.s32 @!p0 $0xFFFFFFD8  }
0x7c: {  	_ =	sfence.sel $0x180000  }
0x7d: {  	[bflag:$0x0] =	sbarrier.arrive $0xFFFF  }
0x7e: {  	_ =	strace $0x90000047  }
0x7f: {  	s0 =	sadd.s32 @!p0 $0x100000, s0;
	[bflag:$0x2] =	sbarrier.arrive $0xFFFF  }
0x80: {  	[sflag:s0] =	ssyncadd.tile.s32 @!p0 $0x1;
	_ =	shalt  }
.Lfunc_end2:
_tile_overlayer_lowered:
.L_overlay_start_2:
0x81: {  	(tag) =	ssettag $0x2  }
0x82: {  	s0 =	rddreg [dreg:$0x0];
	s2 =	stileid.u32  }
0x83: {  	s1 =	rddreg [dreg:$0x1];
	p0 =	sne.s32 s2, $0x0  }
0x84: {  	s3 =	rddreg [dreg:$0x2];
	[bflag:$0x3] =	sbarrier.arrive $0xFFFF;
	s2 =	simm.s32 @!p0 $0x1C01  }
0x85: {  	[timem:s3], [sflag:s2] =	dma.local @!p0 [hbm:s0], s1  }
0x86: {  	s0 =	simm.s32 @!p0 $0x1  }
0x87: {  	_ =	swait.ge @!p0 [sflag:s0], s1  }
0x88: {  	s1 =	ssub.s32 @!p0 $0x0, s1;
	[sflag:s0] =	ssyncset.done @!p0 $0x0  }
0x89: {  	[sflag:s0] =	ssyncadd.s32 @!p0 s1  }
0x8a: {  	[bflag:$0x3] =	sbarrier.arrive $0xFFFF  }
0x8b: {  	_ =	shalt  }

// kernel: kernel.15.cloned.1.call-start
scs
__scs_entry_jumppad:
0x0: {  	(pc) =	sbr.rel $0x88, $3  }
0x1: {  	(tag) =	ssettag $0x0;
	lr =	simm.s32 $0x1  }
0x2: {  	[smem:$0x3F90] =	sst lr;
	_ =	strace $0xD0000000  }
0x3: {  	_ = 	snop  }
0x4: {  	_ = 	snop  }
0x5: {  	_ = 	snop  }
0x6: {  	_ = 	snop  }
0x7: {  	_ = 	snop  }
__scs_overlays_trampoline_lowered:
0x8: {  	[smem:$0x3F9F] =	sst s0  }
0x9: {  	[smem:$0x3FA0] =	sst s1  }
0xa: {  	[smem:$0x3FA1] =	sst s2  }
0xb: {  	[smem:$0x3FA2] =	sst s3  }
0xc: {  	[smem:$0x3FA3] =	sst s4  }
0xd: {  	[smem:$0x3FA4] =	sst s5  }
0xe: {  	[smem:$0x3FA5] =	sst s6  }
0xf: {  	[smem:$0x3FA6] =	sst s7  }
0x10: {  	[smem:$0x3FA7] =	sst s8  }
0x11: {  	[smem:$0x3FA8] =	sst s9;
	s0 =	simm.s32 @!p0 $0x0  }
0x12: {  	s1 =	sld [smem:$0x3F8E];
	s0 =	simm.s32 @p0 $0x1  }
0x13: {  	[smem:$0x3FA9] =	sst s0;
	s0 =	simm.s32 @!p1 $0x0  }
0x14: {  	s2 =	sld [smem:$0x3F8D];
	s0 =	simm.s32 @p1 $0x1  }
0x15: {  	[smem:$0x3FAA] =	sst s0;
	s0 =	simm.s32 @!p2 $0x0  }
0x16: {  	s3 =	sld [smem:$0x3FDB];
	s0 =	simm.s32 @p2 $0x1  }
0x17: {  	s4 =	simm.s32 $0x1BF5;
	[smem:$0x3FAC] =	sst s0  }
0x18: {  	s0 =	sld [smem:$0x3F8F];
	_ =	swait.ge [sflag:s4], $0x0  }
0x19: {  	s7 =	sld [smem:$0x3F90]  }
0x1a: {  	s8 =	sadd.s32 $0xFFFFE003, lr  }
0x1b: {  	s9 =	sadd.s32 $0xFFFFFEF7, lr;
	s5 =	simm.s32 $0xFFFFFFFF;
	p2 =	slt.u32 s8, $0xFFFFF086  }
0x1c: {  	p1 =	slt.u32 s9, $0xF7A;
	s5 =	simm.s32 @!p2 $0x0  }
0x1d: {  	s5 =	simm.s32 @p1 $0x1;
	p0 =	seq.s32 s7, s2  }
0x1e: {  	s7 =	smul.u32 @!p0 $0xF7A, s2;
	p2 =	seq.s32 @!p0 s5, $0x0  }
0x1f: {  	s9 =	smul.u32 $0xF7A, s1;
	s8 =	simm.s32 @!p0 $0x1BF5;
	p2 =	por !p2, p0  }
0x20: {  	[sflag:s8] =	ssyncset.s32 @!p0 $0xFFFFF086;
	s6 =	sadd.s32 @!p0 s3, s7;
	s7 =	simm.s32 @!p0 $0x108  }
0x21: {  	s3 =	sadd.s32 s3, s9;
	s6 =	sadd.s32 @!p0 $0x88, s6;
	s7 =	simm.s32 @p2 $0x1082  }
0x22: {  	[simem:s7], [sflag:s8] =	dma.local @!p0 [hbm:s6], $0xF7A  }
0x23: {  	s9 =	sor.u32 $0xD0000000, s2;
	s6 =	simm.s32 $0x108;
	_ =	swait.ge @!p0 [sflag:s8], $0x0  }
0x24: {  	s3 =	sadd.s32 $0x88, s3;
	s6 =	simm.s32 @!p1 $0x1082;
	[sflag:s4] =	ssyncset.s32 $0xFFFFF086  }
0x25: {  	[simem:s6], [sflag:s4] =	dma.local [hbm:s3], $0xF7A  }
0x26: {  	[smem:$0x3F90] =	sst s1;
	(tag) =	ssettag s2;
	_ =	strace s9  }
0x27: {  	s1 =	sld [smem:$0x3FA0]  }
0x28: {  	s2 =	sld [smem:$0x3FA1]  }
0x29: {  	s4 =	sld [smem:$0x3FA3]  }
0x2a: {  	p0 =	seq.s32 s5, $0x0;
	s5 =	sld [smem:$0x3FA4]  }
0x2b: {  	s6 =	sld [smem:$0x3FA5]  }
0x2c: {  	s7 =	sld [smem:$0x3FA6]  }
0x2d: {  	s3 =	simm.s32 $0x108;
	s8 =	sld [smem:$0x3FA7]  }
0x2e: {  	s3 =	simm.s32 @!p0 $0x1082;
	s9 =	sld [smem:$0x3FA8]  }
0x2f: {  	lr =	sadd.s32 s0, s3;
	s0 =	sld [smem:$0x3F9F]  }
0x30: {  	s3 =	sld [smem:$0x3FA2]  }
0x31: {  	[smem:$0x3FAB] =	sst s10  }
0x32: {  	s10 =	sld [smem:$0x3FA9];
	_ =	sdelay $0x3  }
0x33: {  	p0 =	seq.s32 s10, $0x1;
	s10 =	sld [smem:$0x3FAB];
	_ =	sdelay $0x3  }
0x34: {  	[smem:$0x3FAB] =	sst s10  }
0x35: {  	s10 =	sld [smem:$0x3FAA];
	_ =	sdelay $0x3  }
0x36: {  	p1 =	seq.s32 s10, $0x1;
	s10 =	sld [smem:$0x3FAB];
	_ =	sdelay $0x3  }
0x37: {  	[smem:$0x3FAB] =	sst s10  }
0x38: {  	s10 =	sld [smem:$0x3FAC]  }
0x39: {  	_ = 	snop;
	(pc) =	sbr.ind lr, $3  }
0x3a: {  	_ = 	snop  }
0x3b: {  	_ = 	snop  }
0x3c: {  	p2 =	seq.s32 s10, $0x1;
	s10 =	sld [smem:$0x3FAB]  }
0x3d: {  	_ =	shalt  }
0x3e: {  	_ =	shalt  }
0x3f: {  	_ =	shalt  }
0x40: {  	_ =	shalt  }
0x41: {  	_ =	shalt  }
0x42: {  	_ =	shalt  }
0x43: {  	_ =	shalt  }
0x44: {  	_ =	shalt  }
0x45: {  	_ =	shalt  }
0x46: {  	_ =	shalt  }
0x47: {  	_ =	shalt  }
0x48: {  	_ =	shalt  }
0x49: {  	_ =	shalt  }
0x4a: {  	_ =	shalt  }
0x4b: {  	_ =	shalt  }
0x4c: {  	_ =	shalt  }
0x4d: {  	_ =	shalt  }
0x4e: {  	_ =	shalt  }
0x4f: {  	_ =	shalt  }
0x50: {  	_ =	shalt  }
0x51: {  	_ =	shalt  }
0x52: {  	_ =	shalt  }
0x53: {  	_ =	shalt  }
0x54: {  	_ =	shalt  }
0x55: {  	_ =	shalt  }
0x56: {  	_ =	shalt  }
0x57: {  	_ =	shalt  }
0x58: {  	_ =	shalt  }
0x59: {  	_ =	shalt  }
0x5a: {  	_ =	shalt  }
0x5b: {  	_ =	shalt  }
0x5c: {  	_ =	shalt  }
0x5d: {  	_ =	shalt  }
0x5e: {  	_ =	shalt  }
0x5f: {  	_ =	shalt  }
0x60: {  	_ =	shalt  }
0x61: {  	_ =	shalt  }
0x62: {  	_ =	shalt  }
0x63: {  	_ =	shalt  }
0x64: {  	_ =	shalt  }
0x65: {  	_ =	shalt  }
0x66: {  	_ =	shalt  }
0x67: {  	_ =	shalt  }
0x68: {  	_ =	shalt  }
0x69: {  	_ =	shalt  }
0x6a: {  	_ =	shalt  }
0x6b: {  	_ =	shalt  }
0x6c: {  	_ =	shalt  }
0x6d: {  	_ =	shalt  }
0x6e: {  	_ =	shalt  }
0x6f: {  	_ =	shalt  }
0x70: {  	_ =	shalt  }
0x71: {  	_ =	shalt  }
0x72: {  	_ =	shalt  }
0x73: {  	_ =	shalt  }
0x74: {  	_ =	shalt  }
0x75: {  	_ =	shalt  }
0x76: {  	_ =	shalt  }
0x77: {  	_ =	shalt  }
0x78: {  	_ =	shalt  }
0x79: {  	_ =	shalt  }
0x7a: {  	_ =	shalt  }
0x7b: {  	_ =	shalt  }
0x7c: {  	_ =	shalt  }
0x7d: {  	_ =	shalt  }
0x7e: {  	_ =	shalt  }
0x7f: {  	_ =	shalt  }
0x80: {  	_ =	shalt  }
0x81: {  	_ =	shalt  }
0x82: {  	_ =	shalt  }
0x83: {  	_ =	shalt  }
0x84: {  	_ =	shalt  }
0x85: {  	_ =	shalt  }
0x86: {  	_ =	shalt  }
0x87: {  	_ =	shalt  }
.Lfunc_end0:
.L_simem_size_0:
called_computation.1_lowered:
.L_overlay_start_0:
0x88: {  	s2 =	sld [smem:$0x3FD9]  }
0x89: {  	s3 =	sld [smem:$0x3FFE];
	_ =	sdelay $0x1  }
0x8a: {  	s1 =	srdreg.scid  }
0x8b: {  	s0 =	sand.u32 $0x1, s1  }
0x8c: {  	s16 =	sshll.u32 s0, $0xA;
	s2 =	sadd.s32 s3, s2  }
0x8d: {  	s2 =	sadd.s32 s2, s16  }
0x8e: {  	[smem:$0x3FB7] =	sst s2  }
0x8f: {  	_ = 	snop  }
0x90: {  	(tm) =	ssettm $0x1  }
0x91: {  	s17 =	sld [smem:$0x3FFB];
	_ =	sdelay $0x3  }
0x92: {  	_ =	strace s17  }
0x93: {  	s2 =	sld [smem:$0x3FFC];
	_ =	sdelay $0x3  }
0x94: {  	_ =	strace s2  }
0x95: {  	s2 =	sld [smem:$0x3FFD];
	_ =	sdelay $0x3  }
0x96: {  	_ =	strace s2  }
0x97: {  	_ =	strace $0x8FFFFFFF  }
0x98: {  	s18 =	sld [smem:$0x3FDB];
	_ =	sdelay $0x1  }
0x99: {  	s19 =	simm.s32 $_scs_section_size  }
0x9a: {  	s4 =	simm.s32 $_size__tile_overlayer_lowered;
	s5 =	simm.s32 $_tile_overlayer_lowered  }
0x9b: {  	s22 =	simm.s32 $0x1BFF;
	s21 =	sshll.u32 s5, $0x1;
	s2 =	sadd.s32 s19, s18  }
0x9c: {  	s6 =	simm.s32 $0x0;
	s20 =	sshll.u32 s4, $0x1;
	s4 =	sadd.s32 s21, s2  }
0x9d: {  	[timem:s6], [sflag:s22] =	dma.local [hbm:s4], s20  }
0x9e: {  	_ =	swait.ge [sflag:s22], s20  }
0x9f: {  	s3 =	ssub.s32 $0x0, s20;
	[sflag:s22] =	ssyncset.done $0x0  }
0xa0: {  	[sflag:s22] =	ssyncadd.s32 s3;
	_ =	sdelay $0x1  }
0xa1: {  	s23 =	simm.s32 $0x1B8B  }
0xa2: {  	_ =	swait.ge [sflag:s23], $0x1  }
0xa3: {  	[sflag:s23] =	ssyncset.done $0x0  }
0xa4: {  	s25 =	simm.s32 $0x1B8E;
	s24 =	sld [smem:$0x3FFE];
	[sflag:s23] =	ssyncadd.s32 $0xFFFFFFFF  }
0xa5: {  	s26 =	simm.s32 $execute0_lowered;
	[smem:$0x3FD2] =	sst s25  }
0xa6: {  	s4 =	sshll.u32 s26, $0x1;
	_ =	strace $0x80000049;
	[dreg:$0x1] =	wrdreg $0xFFFFFFFF  }
0xa7: {  	s28 =	simm.s32 $_size_execute0_lowered;
	s2 =	sadd.s32 s2, s4;
	[dreg:$0x0] =	wrdreg $0x0  }
0xa8: {  	s4 =	sshll.u32 s28, $0x1;
	[dreg:$0x2] =	wrdreg s2  }
0xa9: {  	[dreg:$0x3] =	wrdreg s4  }
0xaa: {  	[dreg:$0x4] =	wrdreg $0xC0  }
0xab: {  	_ =	task [dreg:s6], $0x5FFFF  }
0xac: {  	[dreg:$0x1] =	wrdreg $0xFFFFFFFF  }
0xad: {  	[dreg:$0x0] =	wrdreg $0x60  }
0xae: {  	[dreg:$0x2] =	wrdreg s24  }
0xaf: {  	[dreg:$0x3] =	wrdreg $0x78000  }
0xb0: {  	[dreg:$0x4] =	wrdreg $0x9  }
0xb1: {  	_ =	task.clear_ibuf [dreg:s6], $0x5FFFF;
	_ =	strace $0x90000049  }
0xb2: {  	s29 =	simm.s32 $0x9;
	_ =	strace $0x8000004B  }
0xb3: {  	_ =	swait.ge [sflag:s29], $0x1  }
0xb4: {  	[sflag:s29] =	ssyncadd.s32 $0xFFFFFFFF  }
0xb5: {  	_ =	strace $0x9000004B  }
0xb6: {  	_ =	sfence  }
0xb7: {  	s30 =	sld [smem:$0x0];
	_ =	sdelay $0x2  }
0xb8: {  	s31 =	sshll.u32 s1, $0xD;
	s1 =	sshrl.u32 s1, $0x2  }
0xb9: {  	s3 =	sand.u32 $0x4000, s31;
	s1 =	sadd.s32 s1, s30  }
0xba: {  	s0 =	sor.u32 s3, s0;
	s1 =	sshll.u32 s1, $0x11  }
0xbb: {  	s0 =	sor.u32 s1, s0  }
0xbc: {  	s0 =	sadd.s32 $0x8F2B, s0  }
0xbd: {  	[sflag:s0] =	ssyncadd.remote.s32 $0x1  }
0xbe: {  	_ =	sfence.sel $0xFFFF  }
0xbf: {  	[dreg:$0x0] =	wrdreg $0xFFFFFFFF;
	(pc) =	sbr.abs _section_cstart, $3  }
0xc0: {  	[dreg:$0x1] =	wrdreg $0xFFFFFFFF  }
0xc1: {  	_ =	task.clear_ibuf [dreg:s6], $0x2FFFF;
	_ =	strace $0x9FFFFFFF  }
0xc2: {  	(tm) =	ssettm $0x7FFFFFFF  }
0xc3: {  	_ =	shalt  }
tec
execute0_lowered:
.L_overlay_start_1:
0x0: {  	(tag) =	ssettag $0x1  }
0x1: {  	s6 =	rddreg [dreg:$0x0]  }
0x2: {  	s0 =	srdreg.scid;
	s2 =	rddreg [dreg:$0x1]  }
0x3: {  	s3 =	simm.s32 $0x0;
	s14 =	simm.s32 $0x5800;
	s15 =	simm.s32 $0x1  }
0x4: {  	s16 =	simm.s32 $0x2C00;
	s5 =	sand.u32 $0x1, s0;
	s0 =	stileid.u32  }
0x5: {  	s17 =	simm.s32 $0x80;
	s20 =	simm.s32 $0x0;
	s8 =	smul.u32 $0xA000, s0  }
0x6: {  	[smem:$0x7FF] =	sst s3;
	s4 =	sadd.s32 $0x1AE00, s6;
	s9 =	smul.u32 $0xA0000, s5  }
0x7: {  	s1 =	sshll.u32 s5, $0x4;
	s10 =	smul.u32 $0x28000, s0;
	s5 =	ssub.s32 $0x2, s5  }
0x8: {  	s18 =	sshll.u32 s0, $0x6;
	s1 =	sor.u32 s0, s1;
	s31 =	sshrl.u32 s5, $0x1  }
0x9: {  	s18 =	sor.u32 $0x1C01, s18;
	s7 =	smul.u32 $0x580, s1;
	s1 =	rddreg [dreg:$0x2]  }
0xa: {  	_ =	strace $0x8000004A;
	s29 =	sadd.s32 s8, s9;
	s30 =	sshrl.u32 s10, $0x2  }
0xb: {  	s13 =	ssub.s32 s5, s31;
	s5 =	sadd.s32 s8, s2;
	s9 =	sadd.s32 s30, s2  }
0xc: {  	s13 =	smax.u32 s13, $0x1;
	s11 =	sadd.s32 s7, s6;
	s7 =	sshrl.u32 s29, $0x3  }
0xd: {  	s19 =	sshrl.u32 s5, $0x3;
	s8 =	sadd.s32 $0x6000, s9;
	s12 =	sadd.s32 s7, s6  }
0xe: {  	s6 =	sadd.s32 $0x2000, s9;
	s7 =	sadd.s32 $0x4000, s9;
	s9 =	sadd.s32 $0x8000, s9  }
0xf: {  	v0 =	vimm.f32 $0.0e+00;
	s10 =	sadd.s32 $0xFE00, s11;
	s11 =	sadd.s32 $0x4200, s11;
	s12 =	sadd.s32 $0x2EE00, s12  }
.LBB2_1:
0x10: {  	s21 =	simm.s32 $0x10;
	s22 =	sand.u32 $0x1FF0, s3  }
.LBB2_2:
0x11: {  	p0 =	sne.s32 s21, $0x1FF0;
	[tilespmem:s22+$0x5800] =	vst v0;
	s22 =	smov.u32 s21;
	s21 =	sadd.s32 $0x10, s21  }
.Ltmp0:
0x12: {  	(pc) =	sbr.rel @p0 .LBB2_2-.Ltmp0, $2  }
0x13: {  	_ =	sdelay $0x2  }
0x14: {  	s22 =	sand.u32 $0x1FF0, s22  }
0x15: {  	[tilespmem:s22+$0x5800] =	vst v0  }
0x16: {  	[spmem:s5] =	stream.linear.scatter [tilespmem:s14], [sflag:$0x1], $0x2000, $0x38;
	[tilespmem:$0x11800] =	vst v63  }
0x17: {  	_ =	swait.ge [sflag:s15], $0x2000  }
0x18: {  	[sflag:s15] =	ssyncset.done $0x0  }
0x19: {  	[sflag:s15] =	ssyncadd.s32 $0xFFFFE000  }
0x1a: {  	[spmem:s6] =	stream.linear.scatter [tilespmem:s14], [sflag:$0x1], $0x2000, $0x38;
	[tilespmem:$0x11800] =	vst v63  }
0x1b: {  	_ =	swait.ge [sflag:s15], $0x2000  }
0x1c: {  	[sflag:s15] =	ssyncset.done $0x0  }
0x1d: {  	[sflag:s15] =	ssyncadd.s32 $0xFFFFE000  }
0x1e: {  	[spmem:s7] =	stream.linear.scatter [tilespmem:s14], [sflag:$0x1], $0x2000, $0x38;
	[tilespmem:$0x11800] =	vst v63  }
0x1f: {  	_ =	swait.ge [sflag:s15], $0x2000  }
0x20: {  	[sflag:s15] =	ssyncset.done $0x0  }
0x21: {  	[sflag:s15] =	ssyncadd.s32 $0xFFFFE000  }
0x22: {  	[spmem:s8] =	stream.linear.scatter [tilespmem:s14], [sflag:$0x1], $0x2000, $0x38;
	[tilespmem:$0x11800] =	vst v63  }
0x23: {  	_ =	swait.ge [sflag:s15], $0x2000  }
0x24: {  	[sflag:s15] =	ssyncset.done $0x0  }
0x25: {  	[sflag:s15] =	ssyncadd.s32 $0xFFFFE000  }
0x26: {  	[spmem:s9] =	stream.linear.scatter [tilespmem:s14], [sflag:$0x1], $0x2000, $0x38;
	[tilespmem:$0x11800] =	vst v63  }
0x27: {  	_ =	swait.ge [sflag:s15], $0x2000  }
0x28: {  	[sflag:s15] =	ssyncset.done $0x0  }
0x29: {  	[sflag:s15] =	ssyncadd.s32 $0xFFFFE000  }
0x2a: {  	s21 =	simm.s32 $0x0;
	[bflag:$0x0] =	sbarrier.arrive $0xFFFF  }
0x2b: {  	[tilespmem:s21], [sflag:$0x1] =	stream.linear.gather [hbm4b:s10+s21], $0x2C00, $0x38;
	[tilespmem:$0x11800] =	vst v63  }
0x2c: {  	_ =	swait.ge [sflag:s15], $0x2C00  }
0x2d: {  	[sflag:s15] =	ssyncset.done $0x0  }
0x2e: {  	[sflag:s15] =	ssyncadd.s32 $0xFFFFD400  }
0x2f: {  	[tilespmem:s16], [sflag:$0x1] =	stream.linear.gather [hbm4b:s11+s21], $0x2C00, $0x38;
	[tilespmem:$0x11800] =	vst v63  }
0x30: {  	_ =	swait.ge [sflag:s15], $0x2C00  }
0x31: {  	[sflag:s15] =	ssyncset.done $0x0  }
0x32: {  	s30 =	simm.s32 $0x0;
	[sflag:s15] =	ssyncadd.s32 $0xFFFFD400  }
0x33: {  	[tilespmem:s14], [sflag:$0x1] =	stream.indirect.gather [hbm4b:s4+s17], $0x40, s30, s17, $0xb8;
	[tilespmem:$0x11800] =	vst v63  }
0x34: {  	_ =	swait.ge [sflag:s15], $0x2000  }
0x35: {  	[sflag:s15] =	ssyncset.done $0x0  }
0x36: {  	s31 =	simm.s32 $0x2C00;
	[sflag:s15] =	ssyncadd.s32 $0xFFFFE000  }
0x37: {  	[spmem:s2] =	stream.indirect.scatter.add.f32 [tilespmem:s14], [sflag:$0x1], $0x40, s31, s17, $0xb8;
	[tilespmem:$0x11800] =	vst v63  }
0x38: {  	_ =	swait.ge [sflag:s15], $0x2000  }
0x39: {  	s22 =	simm.s32 $0x400;
	s21 =	simm.s32 $0x200;
	[sflag:s15] =	ssyncset.done $0x0  }
.LBB2_4:
0x3a: {  	s23 =	sshra.s32 s21, $0x2  }
0x3b: {  	[sflag:s15] =	ssyncadd.s32 $0xFFFFE000;
	s21 =	smov.u32 s22;
	s24 =	sadd.s32 $0x200, s22  }
0x3c: {  	[tilespmem:s14], [sflag:$0x1] =	stream.indirect.gather [hbm4b:s4+s17], $0x40, s23, s17, $0xb8;
	[tilespmem:$0x11800] =	vst v63  }
0x3d: {  	p0 =	sne.s32 s22, $0xAE00;
	_ =	swait.ge [sflag:s15], $0x2000  }
.Ltmp1:
0x3e: {  	[sflag:s15] =	ssyncset.done $0x0;
	(pc) =	sbr.rel @p0 .LBB2_4-.Ltmp1, $4  }
0x3f: {  	s22 =	sadd.s32 $0x2C00, s23;
	[sflag:s15] =	ssyncadd.s32 $0xFFFFE000  }
0x40: {  	[spmem:s2] =	stream.indirect.scatter.add.f32 [tilespmem:s14], [sflag:$0x1], $0x40, s22, s17, $0xb8;
	[tilespmem:$0x11800] =	vst v63  }
0x41: {  	_ =	swait.ge [sflag:s15], $0x2000  }
0x42: {  	s22 =	smov.u32 s24;
	[sflag:s15] =	ssyncset.done $0x0  }
0x43: {  	s21 =	sshra.s32 s21, $0x2;
	[sflag:s15] =	ssyncadd.s32 $0xFFFFE000  }
0x44: {  	[tilespmem:s14], [sflag:$0x1] =	stream.indirect.gather [hbm4b:s4+s17], $0x40, s21, s17, $0xb8;
	[tilespmem:$0x11800] =	vst v63  }
0x45: {  	_ =	swait.ge [sflag:s15], $0x2000  }
0x46: {  	[sflag:s15] =	ssyncset.done $0x0  }
0x47: {  	s21 =	sadd.s32 $0x2C00, s21;
	[sflag:s15] =	ssyncadd.s32 $0xFFFFE000  }
0x48: {  	[spmem:s2] =	stream.indirect.scatter.add.f32 [tilespmem:s14], [sflag:$0x1], $0x40, s21, s17, $0xb8;
	[tilespmem:$0x11800] =	vst v63  }
0x49: {  	_ =	swait.ge [sflag:s15], $0x2000  }
0x4a: {  	s20 =	sadd.s32 $0x1, s20;
	[sflag:s15] =	ssyncset.done $0x0  }
0x4b: {  	p0 =	sne.s32 s20, s13;
	[sflag:s15] =	ssyncadd.s32 $0xFFFFE000  }
.Ltmp2:
0x4c: {  	[bflag:$0x0] =	sbarrier.arrive $0xFFFF;
	(pc) =	sbr.rel @p0 .LBB2_1-.Ltmp2, $4  }
0x4d: {  	[hbm:s12], [sflag:s18] =	dma.local [spmem:s19], $0x1400  }
0x4e: {  	_ =	swait.ge [sflag:s15], $0x1400  }
0x4f: {  	[sflag:s15] =	ssyncset.done $0x0  }
0x50: {  	[sflag:s15] =	ssyncadd.s32 $0xFFFFEC00  }
0x51: {  	_ =	sfence.sel $0x180000  }
0x52: {  	[bflag:$0x0] =	sbarrier.arrive $0xFFFF  }
0x53: {  	p0 =	sne.s32 s0, $0x0;
	_ =	strace $0x9000004A  }
0x54: {  	s0 =	sadd.s32 @!p0 $0x100000, s1;
	[bflag:$0x2] =	sbarrier.arrive $0xFFFF  }
0x55: {  	[sflag:s0] =	ssyncadd.tile.s32 @!p0 $0x1;
	_ =	shalt  }
.Lfunc_end2:
_tile_overlayer_lowered:
.L_overlay_start_2:
0x56: {  	(tag) =	ssettag $0x2  }
0x57: {  	s0 =	rddreg [dreg:$0x0];
	s2 =	stileid.u32  }
0x58: {  	s1 =	rddreg [dreg:$0x1];
	p0 =	sne.s32 s2, $0x0  }
0x59: {  	s3 =	rddreg [dreg:$0x2];
	[bflag:$0x3] =	sbarrier.arrive $0xFFFF;
	s2 =	simm.s32 @!p0 $0x1C01  }
0x5a: {  	[timem:s3], [sflag:s2] =	dma.local @!p0 [hbm:s0], s1  }
0x5b: {  	s0 =	simm.s32 @!p0 $0x1  }
0x5c: {  	_ =	swait.ge @!p0 [sflag:s0], s1  }
0x5d: {  	s1 =	ssub.s32 @!p0 $0x0, s1;
	[sflag:s0] =	ssyncset.done @!p0 $0x0  }
0x5e: {  	[sflag:s0] =	ssyncadd.s32 @!p0 s1  }
0x5f: {  	[bflag:$0x3] =	sbarrier.arrive $0xFFFF  }
0x60: {  	_ =	shalt  }

// kernel: kernel.18.cloned.1.call-start
scs
__scs_entry_jumppad:
0x0: {  	(pc) =	sbr.rel $0x88, $3  }
0x1: {  	(tag) =	ssettag $0x0;
	lr =	simm.s32 $0x1  }
0x2: {  	[smem:$0x3F90] =	sst lr;
	_ =	strace $0xD0000000  }
0x3: {  	_ = 	snop  }
0x4: {  	_ = 	snop  }
0x5: {  	_ = 	snop  }
0x6: {  	_ = 	snop  }
0x7: {  	_ = 	snop  }
__scs_overlays_trampoline_lowered:
0x8: {  	[smem:$0x3F9F] =	sst s0  }
0x9: {  	[smem:$0x3FA0] =	sst s1  }
0xa: {  	[smem:$0x3FA1] =	sst s2  }
0xb: {  	[smem:$0x3FA2] =	sst s3  }
0xc: {  	[smem:$0x3FA3] =	sst s4  }
0xd: {  	[smem:$0x3FA4] =	sst s5  }
0xe: {  	[smem:$0x3FA5] =	sst s6  }
0xf: {  	[smem:$0x3FA6] =	sst s7  }
0x10: {  	[smem:$0x3FA7] =	sst s8  }
0x11: {  	[smem:$0x3FA8] =	sst s9;
	s0 =	simm.s32 @!p0 $0x0  }
0x12: {  	s1 =	sld [smem:$0x3F8E];
	s0 =	simm.s32 @p0 $0x1  }
0x13: {  	[smem:$0x3FA9] =	sst s0;
	s0 =	simm.s32 @!p1 $0x0  }
0x14: {  	s2 =	sld [smem:$0x3F8D];
	s0 =	simm.s32 @p1 $0x1  }
0x15: {  	[smem:$0x3FAA] =	sst s0;
	s0 =	simm.s32 @!p2 $0x0  }
0x16: {  	s3 =	sld [smem:$0x3FDB];
	s0 =	simm.s32 @p2 $0x1  }
0x17: {  	s4 =	simm.s32 $0x1BF5;
	[smem:$0x3FAC] =	sst s0  }
0x18: {  	s0 =	sld [smem:$0x3F8F];
	_ =	swait.ge [sflag:s4], $0x0  }
0x19: {  	s7 =	sld [smem:$0x3F90]  }
0x1a: {  	s8 =	sadd.s32 $0xFFFFE003, lr  }
0x1b: {  	s9 =	sadd.s32 $0xFFFFFEF7, lr;
	s5 =	simm.s32 $0xFFFFFFFF;
	p2 =	slt.u32 s8, $0xFFFFF086  }
0x1c: {  	p1 =	slt.u32 s9, $0xF7A;
	s5 =	simm.s32 @!p2 $0x0  }
0x1d: {  	s5 =	simm.s32 @p1 $0x1;
	p0 =	seq.s32 s7, s2  }
0x1e: {  	s7 =	smul.u32 @!p0 $0xF7A, s2;
	p2 =	seq.s32 @!p0 s5, $0x0  }
0x1f: {  	s9 =	smul.u32 $0xF7A, s1;
	s8 =	simm.s32 @!p0 $0x1BF5;
	p2 =	por !p2, p0  }
0x20: {  	[sflag:s8] =	ssyncset.s32 @!p0 $0xFFFFF086;
	s6 =	sadd.s32 @!p0 s3, s7;
	s7 =	simm.s32 @!p0 $0x108  }
0x21: {  	s3 =	sadd.s32 s3, s9;
	s6 =	sadd.s32 @!p0 $0x88, s6;
	s7 =	simm.s32 @p2 $0x1082  }
0x22: {  	[simem:s7], [sflag:s8] =	dma.local @!p0 [hbm:s6], $0xF7A  }
0x23: {  	s9 =	sor.u32 $0xD0000000, s2;
	s6 =	simm.s32 $0x108;
	_ =	swait.ge @!p0 [sflag:s8], $0x0  }
0x24: {  	s3 =	sadd.s32 $0x88, s3;
	s6 =	simm.s32 @!p1 $0x1082;
	[sflag:s4] =	ssyncset.s32 $0xFFFFF086  }
0x25: {  	[simem:s6], [sflag:s4] =	dma.local [hbm:s3], $0xF7A  }
0x26: {  	[smem:$0x3F90] =	sst s1;
	(tag) =	ssettag s2;
	_ =	strace s9  }
0x27: {  	s1 =	sld [smem:$0x3FA0]  }
0x28: {  	s2 =	sld [smem:$0x3FA1]  }
0x29: {  	s4 =	sld [smem:$0x3FA3]  }
0x2a: {  	p0 =	seq.s32 s5, $0x0;
	s5 =	sld [smem:$0x3FA4]  }
0x2b: {  	s6 =	sld [smem:$0x3FA5]  }
0x2c: {  	s7 =	sld [smem:$0x3FA6]  }
0x2d: {  	s3 =	simm.s32 $0x108;
	s8 =	sld [smem:$0x3FA7]  }
0x2e: {  	s3 =	simm.s32 @!p0 $0x1082;
	s9 =	sld [smem:$0x3FA8]  }
0x2f: {  	lr =	sadd.s32 s0, s3;
	s0 =	sld [smem:$0x3F9F]  }
0x30: {  	s3 =	sld [smem:$0x3FA2]  }
0x31: {  	[smem:$0x3FAB] =	sst s10  }
0x32: {  	s10 =	sld [smem:$0x3FA9];
	_ =	sdelay $0x3  }
0x33: {  	p0 =	seq.s32 s10, $0x1;
	s10 =	sld [smem:$0x3FAB];
	_ =	sdelay $0x3  }
0x34: {  	[smem:$0x3FAB] =	sst s10  }
0x35: {  	s10 =	sld [smem:$0x3FAA];
	_ =	sdelay $0x3  }
0x36: {  	p1 =	seq.s32 s10, $0x1;
	s10 =	sld [smem:$0x3FAB];
	_ =	sdelay $0x3  }
0x37: {  	[smem:$0x3FAB] =	sst s10  }
0x38: {  	s10 =	sld [smem:$0x3FAC]  }
0x39: {  	_ = 	snop;
	(pc) =	sbr.ind lr, $3  }
0x3a: {  	_ = 	snop  }
0x3b: {  	_ = 	snop  }
0x3c: {  	p2 =	seq.s32 s10, $0x1;
	s10 =	sld [smem:$0x3FAB]  }
0x3d: {  	_ =	shalt  }
0x3e: {  	_ =	shalt  }
0x3f: {  	_ =	shalt  }
0x40: {  	_ =	shalt  }
0x41: {  	_ =	shalt  }
0x42: {  	_ =	shalt  }
0x43: {  	_ =	shalt  }
0x44: {  	_ =	shalt  }
0x45: {  	_ =	shalt  }
0x46: {  	_ =	shalt  }
0x47: {  	_ =	shalt  }
0x48: {  	_ =	shalt  }
0x49: {  	_ =	shalt  }
0x4a: {  	_ =	shalt  }
0x4b: {  	_ =	shalt  }
0x4c: {  	_ =	shalt  }
0x4d: {  	_ =	shalt  }
0x4e: {  	_ =	shalt  }
0x4f: {  	_ =	shalt  }
0x50: {  	_ =	shalt  }
0x51: {  	_ =	shalt  }
0x52: {  	_ =	shalt  }
0x53: {  	_ =	shalt  }
0x54: {  	_ =	shalt  }
0x55: {  	_ =	shalt  }
0x56: {  	_ =	shalt  }
0x57: {  	_ =	shalt  }
0x58: {  	_ =	shalt  }
0x59: {  	_ =	shalt  }
0x5a: {  	_ =	shalt  }
0x5b: {  	_ =	shalt  }
0x5c: {  	_ =	shalt  }
0x5d: {  	_ =	shalt  }
0x5e: {  	_ =	shalt  }
0x5f: {  	_ =	shalt  }
0x60: {  	_ =	shalt  }
0x61: {  	_ =	shalt  }
0x62: {  	_ =	shalt  }
0x63: {  	_ =	shalt  }
0x64: {  	_ =	shalt  }
0x65: {  	_ =	shalt  }
0x66: {  	_ =	shalt  }
0x67: {  	_ =	shalt  }
0x68: {  	_ =	shalt  }
0x69: {  	_ =	shalt  }
0x6a: {  	_ =	shalt  }
0x6b: {  	_ =	shalt  }
0x6c: {  	_ =	shalt  }
0x6d: {  	_ =	shalt  }
0x6e: {  	_ =	shalt  }
0x6f: {  	_ =	shalt  }
0x70: {  	_ =	shalt  }
0x71: {  	_ =	shalt  }
0x72: {  	_ =	shalt  }
0x73: {  	_ =	shalt  }
0x74: {  	_ =	shalt  }
0x75: {  	_ =	shalt  }
0x76: {  	_ =	shalt  }
0x77: {  	_ =	shalt  }
0x78: {  	_ =	shalt  }
0x79: {  	_ =	shalt  }
0x7a: {  	_ =	shalt  }
0x7b: {  	_ =	shalt  }
0x7c: {  	_ =	shalt  }
0x7d: {  	_ =	shalt  }
0x7e: {  	_ =	shalt  }
0x7f: {  	_ =	shalt  }
0x80: {  	_ =	shalt  }
0x81: {  	_ =	shalt  }
0x82: {  	_ =	shalt  }
0x83: {  	_ =	shalt  }
0x84: {  	_ =	shalt  }
0x85: {  	_ =	shalt  }
0x86: {  	_ =	shalt  }
0x87: {  	_ =	shalt  }
.Lfunc_end0:
.L_simem_size_0:
called_computation.2_lowered:
.L_overlay_start_0:
0x88: {  	s2 =	sld [smem:$0x3FD9]  }
0x89: {  	s3 =	sld [smem:$0x3FFE];
	_ =	sdelay $0x1  }
0x8a: {  	s1 =	srdreg.scid  }
0x8b: {  	s0 =	sand.u32 $0x1, s1  }
0x8c: {  	s16 =	sshll.u32 s0, $0xA;
	s2 =	sadd.s32 s3, s2  }
0x8d: {  	s2 =	sadd.s32 s2, s16  }
0x8e: {  	[smem:$0x3FB7] =	sst s2  }
0x8f: {  	_ = 	snop  }
0x90: {  	(tm) =	ssettm $0x1  }
0x91: {  	s17 =	sld [smem:$0x3FFB];
	_ =	sdelay $0x3  }
0x92: {  	_ =	strace s17  }
0x93: {  	s2 =	sld [smem:$0x3FFC];
	_ =	sdelay $0x3  }
0x94: {  	_ =	strace s2  }
0x95: {  	s2 =	sld [smem:$0x3FFD];
	_ =	sdelay $0x3  }
0x96: {  	_ =	strace s2  }
0x97: {  	_ =	strace $0x8FFFFFFF  }
0x98: {  	s18 =	sld [smem:$0x3FDB];
	_ =	sdelay $0x1  }
0x99: {  	s19 =	simm.s32 $_scs_section_size  }
0x9a: {  	s4 =	simm.s32 $_size__tile_overlayer_lowered;
	s5 =	simm.s32 $_tile_overlayer_lowered  }
0x9b: {  	s22 =	simm.s32 $0x1BFF;
	s21 =	sshll.u32 s5, $0x1;
	s2 =	sadd.s32 s19, s18  }
0x9c: {  	s6 =	simm.s32 $0x0;
	s20 =	sshll.u32 s4, $0x1;
	s4 =	sadd.s32 s21, s2  }
0x9d: {  	[timem:s6], [sflag:s22] =	dma.local [hbm:s4], s20  }
0x9e: {  	_ =	swait.ge [sflag:s22], s20  }
0x9f: {  	s3 =	ssub.s32 $0x0, s20;
	[sflag:s22] =	ssyncset.done $0x0  }
0xa0: {  	[sflag:s22] =	ssyncadd.s32 s3;
	_ =	sdelay $0x1  }
0xa1: {  	s23 =	simm.s32 $0x1B8B  }
0xa2: {  	_ =	swait.ge [sflag:s23], $0x1  }
0xa3: {  	[sflag:s23] =	ssyncset.done $0x0  }
0xa4: {  	s25 =	simm.s32 $0x1B8E;
	s24 =	sld [smem:$0x3FFE];
	[sflag:s23] =	ssyncadd.s32 $0xFFFFFFFF  }
0xa5: {  	s26 =	simm.s32 $execute0_lowered;
	[smem:$0x3FD2] =	sst s25  }
0xa6: {  	s4 =	sshll.u32 s26, $0x1;
	_ =	strace $0x8000004C;
	[dreg:$0x1] =	wrdreg $0xFFFFFFFF  }
0xa7: {  	s28 =	simm.s32 $_size_execute0_lowered;
	s2 =	sadd.s32 s2, s4;
	[dreg:$0x0] =	wrdreg $0x0  }
0xa8: {  	s4 =	sshll.u32 s28, $0x1;
	[dreg:$0x2] =	wrdreg s2  }
0xa9: {  	[dreg:$0x3] =	wrdreg s4  }
0xaa: {  	[dreg:$0x4] =	wrdreg $0xC0  }
0xab: {  	_ =	task [dreg:s6], $0x5FFFF  }
0xac: {  	[dreg:$0x1] =	wrdreg $0xFFFFFFFF  }
0xad: {  	[dreg:$0x0] =	wrdreg $0x60  }
0xae: {  	[dreg:$0x2] =	wrdreg s24  }
0xaf: {  	[dreg:$0x3] =	wrdreg $0x78000  }
0xb0: {  	[dreg:$0x4] =	wrdreg $0x9  }
0xb1: {  	_ =	task.clear_ibuf [dreg:s6], $0x5FFFF;
	_ =	strace $0x9000004C  }
0xb2: {  	s29 =	simm.s32 $0x9;
	_ =	strace $0x8000004E  }
0xb3: {  	_ =	swait.ge [sflag:s29], $0x1  }
0xb4: {  	[sflag:s29] =	ssyncadd.s32 $0xFFFFFFFF  }
0xb5: {  	_ =	strace $0x9000004E  }
0xb6: {  	_ =	sfence  }
0xb7: {  	s30 =	sld [smem:$0x0];
	_ =	sdelay $0x2  }
0xb8: {  	s31 =	sshll.u32 s1, $0xD;
	s1 =	sshrl.u32 s1, $0x2  }
0xb9: {  	s3 =	sand.u32 $0x4000, s31;
	s1 =	sadd.s32 s1, s30  }
0xba: {  	s0 =	sor.u32 s3, s0;
	s1 =	sshll.u32 s1, $0x11  }
0xbb: {  	s0 =	sor.u32 s1, s0  }
0xbc: {  	s0 =	sadd.s32 $0x8F2B, s0  }
0xbd: {  	[sflag:s0] =	ssyncadd.remote.s32 $0x1  }
0xbe: {  	_ =	sfence.sel $0xFFFF  }
0xbf: {  	[dreg:$0x0] =	wrdreg $0xFFFFFFFF;
	(pc) =	sbr.abs _section_cstart, $3  }
0xc0: {  	[dreg:$0x1] =	wrdreg $0xFFFFFFFF  }
0xc1: {  	_ =	task.clear_ibuf [dreg:s6], $0x2FFFF;
	_ =	strace $0x9FFFFFFF  }
0xc2: {  	(tm) =	ssettm $0x7FFFFFFF  }
0xc3: {  	_ =	shalt  }
tec
execute0_lowered:
.L_overlay_start_1:
0x0: {  	(tag) =	ssettag $0x1  }
0x1: {  	s6 =	rddreg [dreg:$0x0]  }
0x2: {  	s0 =	srdreg.scid;
	s2 =	rddreg [dreg:$0x1]  }
0x3: {  	s3 =	simm.s32 $0x0;
	s14 =	simm.s32 $0x5800;
	s15 =	simm.s32 $0x1  }
0x4: {  	s16 =	simm.s32 $0x2C00;
	s5 =	sand.u32 $0x1, s0;
	s0 =	stileid.u32  }
0x5: {  	s17 =	simm.s32 $0x80;
	s20 =	simm.s32 $0x0;
	s8 =	smul.u32 $0xA000, s0  }
0x6: {  	[smem:$0x7FF] =	sst s3;
	s4 =	sadd.s32 $0x1AE00, s6;
	s9 =	smul.u32 $0xA0000, s5  }
0x7: {  	s1 =	sshll.u32 s5, $0x4;
	s10 =	smul.u32 $0x28000, s0;
	s5 =	ssub.s32 $0x2, s5  }
0x8: {  	s18 =	sshll.u32 s0, $0x6;
	s1 =	sor.u32 s0, s1;
	s31 =	sshrl.u32 s5, $0x1  }
0x9: {  	s18 =	sor.u32 $0x1C01, s18;
	s7 =	smul.u32 $0x580, s1;
	s1 =	rddreg [dreg:$0x2]  }
0xa: {  	_ =	strace $0x8000004D;
	s29 =	sadd.s32 s8, s9;
	s30 =	sshrl.u32 s10, $0x2  }
0xb: {  	s13 =	ssub.s32 s5, s31;
	s5 =	sadd.s32 s8, s2;
	s9 =	sadd.s32 s30, s2  }
0xc: {  	s13 =	smax.u32 s13, $0x1;
	s11 =	sadd.s32 s7, s6;
	s7 =	sshrl.u32 s29, $0x3  }
0xd: {  	s19 =	sshrl.u32 s5, $0x3;
	s8 =	sadd.s32 $0x6000, s9;
	s12 =	sadd.s32 s7, s6  }
0xe: {  	s6 =	sadd.s32 $0x2000, s9;
	s7 =	sadd.s32 $0x4000, s9;
	s9 =	sadd.s32 $0x8000, s9  }
0xf: {  	v0 =	vimm.f32 $0.0e+00;
	s10 =	sadd.s32 $0xFE00, s11;
	s11 =	sadd.s32 $0x4200, s11;
	s12 =	sadd.s32 $0x2EE00, s12  }
.LBB2_1:
0x10: {  	s21 =	simm.s32 $0x10;
	s22 =	sand.u32 $0x1FF0, s3  }
.LBB2_2:
0x11: {  	p0 =	sne.s32 s21, $0x1FF0;
	[tilespmem:s22+$0x5800] =	vst v0;
	s22 =	smov.u32 s21;
	s21 =	sadd.s32 $0x10, s21  }
.Ltmp0:
0x12: {  	(pc) =	sbr.rel @p0 .LBB2_2-.Ltmp0, $2  }
0x13: {  	_ =	sdelay $0x2  }
0x14: {  	s22 =	sand.u32 $0x1FF0, s22  }
0x15: {  	[tilespmem:s22+$0x5800] =	vst v0  }
0x16: {  	[spmem:s5] =	stream.linear.scatter [tilespmem:s14], [sflag:$0x1], $0x2000, $0x38;
	[tilespmem:$0x11800] =	vst v63  }
0x17: {  	_ =	swait.ge [sflag:s15], $0x2000  }
0x18: {  	[sflag:s15] =	ssyncset.done $0x0  }
0x19: {  	[sflag:s15] =	ssyncadd.s32 $0xFFFFE000  }
0x1a: {  	[spmem:s6] =	stream.linear.scatter [tilespmem:s14], [sflag:$0x1], $0x2000, $0x38;
	[tilespmem:$0x11800] =	vst v63  }
0x1b: {  	_ =	swait.ge [sflag:s15], $0x2000  }
0x1c: {  	[sflag:s15] =	ssyncset.done $0x0  }
0x1d: {  	[sflag:s15] =	ssyncadd.s32 $0xFFFFE000  }
0x1e: {  	[spmem:s7] =	stream.linear.scatter [tilespmem:s14], [sflag:$0x1], $0x2000, $0x38;
	[tilespmem:$0x11800] =	vst v63  }
0x1f: {  	_ =	swait.ge [sflag:s15], $0x2000  }
0x20: {  	[sflag:s15] =	ssyncset.done $0x0  }
0x21: {  	[sflag:s15] =	ssyncadd.s32 $0xFFFFE000  }
0x22: {  	[spmem:s8] =	stream.linear.scatter [tilespmem:s14], [sflag:$0x1], $0x2000, $0x38;
	[tilespmem:$0x11800] =	vst v63  }
0x23: {  	_ =	swait.ge [sflag:s15], $0x2000  }
0x24: {  	[sflag:s15] =	ssyncset.done $0x0  }
0x25: {  	[sflag:s15] =	ssyncadd.s32 $0xFFFFE000  }
0x26: {  	[spmem:s9] =	stream.linear.scatter [tilespmem:s14], [sflag:$0x1], $0x2000, $0x38;
	[tilespmem:$0x11800] =	vst v63  }
0x27: {  	_ =	swait.ge [sflag:s15], $0x2000  }
0x28: {  	[sflag:s15] =	ssyncset.done $0x0  }
0x29: {  	[sflag:s15] =	ssyncadd.s32 $0xFFFFE000  }
0x2a: {  	s21 =	simm.s32 $0x0;
	[bflag:$0x0] =	sbarrier.arrive $0xFFFF  }
0x2b: {  	[tilespmem:s21], [sflag:$0x1] =	stream.linear.gather [hbm4b:s10+s21], $0x2C00, $0x38;
	[tilespmem:$0x11800] =	vst v63  }
0x2c: {  	_ =	swait.ge [sflag:s15], $0x2C00  }
0x2d: {  	[sflag:s15] =	ssyncset.done $0x0  }
0x2e: {  	[sflag:s15] =	ssyncadd.s32 $0xFFFFD400  }
0x2f: {  	[tilespmem:s16], [sflag:$0x1] =	stream.linear.gather [hbm4b:s11+s21], $0x2C00, $0x38;
	[tilespmem:$0x11800] =	vst v63  }
0x30: {  	_ =	swait.ge [sflag:s15], $0x2C00  }
0x31: {  	[sflag:s15] =	ssyncset.done $0x0  }
0x32: {  	s30 =	simm.s32 $0x0;
	[sflag:s15] =	ssyncadd.s32 $0xFFFFD400  }
0x33: {  	[tilespmem:s14], [sflag:$0x1] =	stream.indirect.gather [hbm4b:s4+s17], $0x40, s30, s17, $0xb8;
	[tilespmem:$0x11800] =	vst v63  }
0x34: {  	_ =	swait.ge [sflag:s15], $0x2000  }
0x35: {  	[sflag:s15] =	ssyncset.done $0x0  }
0x36: {  	s31 =	simm.s32 $0x2C00;
	[sflag:s15] =	ssyncadd.s32 $0xFFFFE000  }
0x37: {  	[spmem:s2] =	stream.indirect.scatter.add.f32 [tilespmem:s14], [sflag:$0x1], $0x40, s31, s17, $0xb8;
	[tilespmem:$0x11800] =	vst v63  }
0x38: {  	_ =	swait.ge [sflag:s15], $0x2000  }
0x39: {  	s22 =	simm.s32 $0x400;
	s21 =	simm.s32 $0x200;
	[sflag:s15] =	ssyncset.done $0x0  }
.LBB2_4:
0x3a: {  	s23 =	sshra.s32 s21, $0x2  }
0x3b: {  	[sflag:s15] =	ssyncadd.s32 $0xFFFFE000;
	s21 =	smov.u32 s22;
	s24 =	sadd.s32 $0x200, s22  }
0x3c: {  	[tilespmem:s14], [sflag:$0x1] =	stream.indirect.gather [hbm4b:s4+s17], $0x40, s23, s17, $0xb8;
	[tilespmem:$0x11800] =	vst v63  }
0x3d: {  	p0 =	sne.s32 s22, $0xAE00;
	_ =	swait.ge [sflag:s15], $0x2000  }
.Ltmp1:
0x3e: {  	[sflag:s15] =	ssyncset.done $0x0;
	(pc) =	sbr.rel @p0 .LBB2_4-.Ltmp1, $4  }
0x3f: {  	s22 =	sadd.s32 $0x2C00, s23;
	[sflag:s15] =	ssyncadd.s32 $0xFFFFE000  }
0x40: {  	[spmem:s2] =	stream.indirect.scatter.add.f32 [tilespmem:s14], [sflag:$0x1], $0x40, s22, s17, $0xb8;
	[tilespmem:$0x11800] =	vst v63  }
0x41: {  	_ =	swait.ge [sflag:s15], $0x2000  }
0x42: {  	s22 =	smov.u32 s24;
	[sflag:s15] =	ssyncset.done $0x0  }
0x43: {  	s21 =	sshra.s32 s21, $0x2;
	[sflag:s15] =	ssyncadd.s32 $0xFFFFE000  }
0x44: {  	[tilespmem:s14], [sflag:$0x1] =	stream.indirect.gather [hbm4b:s4+s17], $0x40, s21, s17, $0xb8;
	[tilespmem:$0x11800] =	vst v63  }
0x45: {  	_ =	swait.ge [sflag:s15], $0x2000  }
0x46: {  	[sflag:s15] =	ssyncset.done $0x0  }
0x47: {  	s21 =	sadd.s32 $0x2C00, s21;
	[sflag:s15] =	ssyncadd.s32 $0xFFFFE000  }
0x48: {  	[spmem:s2] =	stream.indirect.scatter.add.f32 [tilespmem:s14], [sflag:$0x1], $0x40, s21, s17, $0xb8;
	[tilespmem:$0x11800] =	vst v63  }
0x49: {  	_ =	swait.ge [sflag:s15], $0x2000  }
0x4a: {  	s20 =	sadd.s32 $0x1, s20;
	[sflag:s15] =	ssyncset.done $0x0  }
0x4b: {  	p0 =	sne.s32 s20, s13;
	[sflag:s15] =	ssyncadd.s32 $0xFFFFE000  }
.Ltmp2:
0x4c: {  	[bflag:$0x0] =	sbarrier.arrive $0xFFFF;
	(pc) =	sbr.rel @p0 .LBB2_1-.Ltmp2, $4  }
0x4d: {  	[hbm:s12], [sflag:s18] =	dma.local [spmem:s19], $0x1400  }
0x4e: {  	_ =	swait.ge [sflag:s15], $0x1400  }
0x4f: {  	[sflag:s15] =	ssyncset.done $0x0  }
0x50: {  	[sflag:s15] =	ssyncadd.s32 $0xFFFFEC00  }
0x51: {  	_ =	sfence.sel $0x180000  }
0x52: {  	[bflag:$0x0] =	sbarrier.arrive $0xFFFF  }
0x53: {  	p0 =	sne.s32 s0, $0x0;
	_ =	strace $0x9000004D  }
0x54: {  	s0 =	sadd.s32 @!p0 $0x100000, s1;
	[bflag:$0x2] =	sbarrier.arrive $0xFFFF  }
0x55: {  	[sflag:s0] =	ssyncadd.tile.s32 @!p0 $0x1;
	_ =	shalt  }
.Lfunc_end2:
_tile_overlayer_lowered:
.L_overlay_start_2:
0x56: {  	(tag) =	ssettag $0x2  }
0x57: {  	s0 =	rddreg [dreg:$0x0];
	s2 =	stileid.u32  }
0x58: {  	s1 =	rddreg [dreg:$0x1];
	p0 =	sne.s32 s2, $0x0  }
0x59: {  	s3 =	rddreg [dreg:$0x2];
	[bflag:$0x3] =	sbarrier.arrive $0xFFFF;
	s2 =	simm.s32 @!p0 $0x1C01  }
0x5a: {  	[timem:s3], [sflag:s2] =	dma.local @!p0 [hbm:s0], s1  }
0x5b: {  	s0 =	simm.s32 @!p0 $0x1  }
0x5c: {  	_ =	swait.ge @!p0 [sflag:s0], s1  }
0x5d: {  	s1 =	ssub.s32 @!p0 $0x0, s1;
	[sflag:s0] =	ssyncset.done @!p0 $0x0  }
0x5e: {  	[sflag:s0] =	ssyncadd.s32 @!p0 s1  }
0x5f: {  	[bflag:$0x3] =	sbarrier.arrive $0xFFFF  }
0x60: {  	_ =	shalt  }

// kernel: kernel.21.cloned.1.call-start
scs
__scs_entry_jumppad:
0x0: {  	(pc) =	sbr.rel $0x88, $3  }
0x1: {  	(tag) =	ssettag $0x0;
	lr =	simm.s32 $0x1  }
0x2: {  	[smem:$0x3F90] =	sst lr;
	_ =	strace $0xD0000000  }
0x3: {  	_ = 	snop  }
0x4: {  	_ = 	snop  }
0x5: {  	_ = 	snop  }
0x6: {  	_ = 	snop  }
0x7: {  	_ = 	snop  }
__scs_overlays_trampoline_lowered:
0x8: {  	[smem:$0x3F9F] =	sst s0  }
0x9: {  	[smem:$0x3FA0] =	sst s1  }
0xa: {  	[smem:$0x3FA1] =	sst s2  }
0xb: {  	[smem:$0x3FA2] =	sst s3  }
0xc: {  	[smem:$0x3FA3] =	sst s4  }
0xd: {  	[smem:$0x3FA4] =	sst s5  }
0xe: {  	[smem:$0x3FA5] =	sst s6  }
0xf: {  	[smem:$0x3FA6] =	sst s7  }
0x10: {  	[smem:$0x3FA7] =	sst s8  }
0x11: {  	[smem:$0x3FA8] =	sst s9;
	s0 =	simm.s32 @!p0 $0x0  }
0x12: {  	s1 =	sld [smem:$0x3F8E];
	s0 =	simm.s32 @p0 $0x1  }
0x13: {  	[smem:$0x3FA9] =	sst s0;
	s0 =	simm.s32 @!p1 $0x0  }
0x14: {  	s2 =	sld [smem:$0x3F8D];
	s0 =	simm.s32 @p1 $0x1  }
0x15: {  	[smem:$0x3FAA] =	sst s0;
	s0 =	simm.s32 @!p2 $0x0  }
0x16: {  	s3 =	sld [smem:$0x3FDB];
	s0 =	simm.s32 @p2 $0x1  }
0x17: {  	s4 =	simm.s32 $0x1BF5;
	[smem:$0x3FAC] =	sst s0  }
0x18: {  	s0 =	sld [smem:$0x3F8F];
	_ =	swait.ge [sflag:s4], $0x0  }
0x19: {  	s7 =	sld [smem:$0x3F90]  }
0x1a: {  	s8 =	sadd.s32 $0xFFFFE003, lr  }
0x1b: {  	s9 =	sadd.s32 $0xFFFFFEF7, lr;
	s5 =	simm.s32 $0xFFFFFFFF;
	p2 =	slt.u32 s8, $0xFFFFF086  }
0x1c: {  	p1 =	slt.u32 s9, $0xF7A;
	s5 =	simm.s32 @!p2 $0x0  }
0x1d: {  	s5 =	simm.s32 @p1 $0x1;
	p0 =	seq.s32 s7, s2  }
0x1e: {  	s7 =	smul.u32 @!p0 $0xF7A, s2;
	p2 =	seq.s32 @!p0 s5, $0x0  }
0x1f: {  	s9 =	smul.u32 $0xF7A, s1;
	s8 =	simm.s32 @!p0 $0x1BF5;
	p2 =	por !p2, p0  }
0x20: {  	[sflag:s8] =	ssyncset.s32 @!p0 $0xFFFFF086;
	s6 =	sadd.s32 @!p0 s3, s7;
	s7 =	simm.s32 @!p0 $0x108  }
0x21: {  	s3 =	sadd.s32 s3, s9;
	s6 =	sadd.s32 @!p0 $0x88, s6;
	s7 =	simm.s32 @p2 $0x1082  }
0x22: {  	[simem:s7], [sflag:s8] =	dma.local @!p0 [hbm:s6], $0xF7A  }
0x23: {  	s9 =	sor.u32 $0xD0000000, s2;
	s6 =	simm.s32 $0x108;
	_ =	swait.ge @!p0 [sflag:s8], $0x0  }
0x24: {  	s3 =	sadd.s32 $0x88, s3;
	s6 =	simm.s32 @!p1 $0x1082;
	[sflag:s4] =	ssyncset.s32 $0xFFFFF086  }
0x25: {  	[simem:s6], [sflag:s4] =	dma.local [hbm:s3], $0xF7A  }
0x26: {  	[smem:$0x3F90] =	sst s1;
	(tag) =	ssettag s2;
	_ =	strace s9  }
0x27: {  	s1 =	sld [smem:$0x3FA0]  }
0x28: {  	s2 =	sld [smem:$0x3FA1]  }
0x29: {  	s4 =	sld [smem:$0x3FA3]  }
0x2a: {  	p0 =	seq.s32 s5, $0x0;
	s5 =	sld [smem:$0x3FA4]  }
0x2b: {  	s6 =	sld [smem:$0x3FA5]  }
0x2c: {  	s7 =	sld [smem:$0x3FA6]  }
0x2d: {  	s3 =	simm.s32 $0x108;
	s8 =	sld [smem:$0x3FA7]  }
0x2e: {  	s3 =	simm.s32 @!p0 $0x1082;
	s9 =	sld [smem:$0x3FA8]  }
0x2f: {  	lr =	sadd.s32 s0, s3;
	s0 =	sld [smem:$0x3F9F]  }
0x30: {  	s3 =	sld [smem:$0x3FA2]  }
0x31: {  	[smem:$0x3FAB] =	sst s10  }
0x32: {  	s10 =	sld [smem:$0x3FA9];
	_ =	sdelay $0x3  }
0x33: {  	p0 =	seq.s32 s10, $0x1;
	s10 =	sld [smem:$0x3FAB];
	_ =	sdelay $0x3  }
0x34: {  	[smem:$0x3FAB] =	sst s10  }
0x35: {  	s10 =	sld [smem:$0x3FAA];
	_ =	sdelay $0x3  }
0x36: {  	p1 =	seq.s32 s10, $0x1;
	s10 =	sld [smem:$0x3FAB];
	_ =	sdelay $0x3  }
0x37: {  	[smem:$0x3FAB] =	sst s10  }
0x38: {  	s10 =	sld [smem:$0x3FAC]  }
0x39: {  	_ = 	snop;
	(pc) =	sbr.ind lr, $3  }
0x3a: {  	_ = 	snop  }
0x3b: {  	_ = 	snop  }
0x3c: {  	p2 =	seq.s32 s10, $0x1;
	s10 =	sld [smem:$0x3FAB]  }
0x3d: {  	_ =	shalt  }
0x3e: {  	_ =	shalt  }
0x3f: {  	_ =	shalt  }
0x40: {  	_ =	shalt  }
0x41: {  	_ =	shalt  }
0x42: {  	_ =	shalt  }
0x43: {  	_ =	shalt  }
0x44: {  	_ =	shalt  }
0x45: {  	_ =	shalt  }
0x46: {  	_ =	shalt  }
0x47: {  	_ =	shalt  }
0x48: {  	_ =	shalt  }
0x49: {  	_ =	shalt  }
0x4a: {  	_ =	shalt  }
0x4b: {  	_ =	shalt  }
0x4c: {  	_ =	shalt  }
0x4d: {  	_ =	shalt  }
0x4e: {  	_ =	shalt  }
0x4f: {  	_ =	shalt  }
0x50: {  	_ =	shalt  }
0x51: {  	_ =	shalt  }
0x52: {  	_ =	shalt  }
0x53: {  	_ =	shalt  }
0x54: {  	_ =	shalt  }
0x55: {  	_ =	shalt  }
0x56: {  	_ =	shalt  }
0x57: {  	_ =	shalt  }
0x58: {  	_ =	shalt  }
0x59: {  	_ =	shalt  }
0x5a: {  	_ =	shalt  }
0x5b: {  	_ =	shalt  }
0x5c: {  	_ =	shalt  }
0x5d: {  	_ =	shalt  }
0x5e: {  	_ =	shalt  }
0x5f: {  	_ =	shalt  }
0x60: {  	_ =	shalt  }
0x61: {  	_ =	shalt  }
0x62: {  	_ =	shalt  }
0x63: {  	_ =	shalt  }
0x64: {  	_ =	shalt  }
0x65: {  	_ =	shalt  }
0x66: {  	_ =	shalt  }
0x67: {  	_ =	shalt  }
0x68: {  	_ =	shalt  }
0x69: {  	_ =	shalt  }
0x6a: {  	_ =	shalt  }
0x6b: {  	_ =	shalt  }
0x6c: {  	_ =	shalt  }
0x6d: {  	_ =	shalt  }
0x6e: {  	_ =	shalt  }
0x6f: {  	_ =	shalt  }
0x70: {  	_ =	shalt  }
0x71: {  	_ =	shalt  }
0x72: {  	_ =	shalt  }
0x73: {  	_ =	shalt  }
0x74: {  	_ =	shalt  }
0x75: {  	_ =	shalt  }
0x76: {  	_ =	shalt  }
0x77: {  	_ =	shalt  }
0x78: {  	_ =	shalt  }
0x79: {  	_ =	shalt  }
0x7a: {  	_ =	shalt  }
0x7b: {  	_ =	shalt  }
0x7c: {  	_ =	shalt  }
0x7d: {  	_ =	shalt  }
0x7e: {  	_ =	shalt  }
0x7f: {  	_ =	shalt  }
0x80: {  	_ =	shalt  }
0x81: {  	_ =	shalt  }
0x82: {  	_ =	shalt  }
0x83: {  	_ =	shalt  }
0x84: {  	_ =	shalt  }
0x85: {  	_ =	shalt  }
0x86: {  	_ =	shalt  }
0x87: {  	_ =	shalt  }
.Lfunc_end0:
.L_simem_size_0:
called_computation.3_lowered:
.L_overlay_start_0:
0x88: {  	s2 =	sld [smem:$0x3FD9]  }
0x89: {  	s3 =	sld [smem:$0x3FFE];
	_ =	sdelay $0x1  }
0x8a: {  	s1 =	srdreg.scid  }
0x8b: {  	s0 =	sand.u32 $0x1, s1  }
0x8c: {  	s16 =	sshll.u32 s0, $0xA;
	s2 =	sadd.s32 s3, s2  }
0x8d: {  	s2 =	sadd.s32 s2, s16  }
0x8e: {  	[smem:$0x3FB7] =	sst s2  }
0x8f: {  	_ = 	snop  }
0x90: {  	(tm) =	ssettm $0x1  }
0x91: {  	s17 =	sld [smem:$0x3FFB];
	_ =	sdelay $0x3  }
0x92: {  	_ =	strace s17  }
0x93: {  	s2 =	sld [smem:$0x3FFC];
	_ =	sdelay $0x3  }
0x94: {  	_ =	strace s2  }
0x95: {  	s2 =	sld [smem:$0x3FFD];
	_ =	sdelay $0x3  }
0x96: {  	_ =	strace s2  }
0x97: {  	_ =	strace $0x8FFFFFFF  }
0x98: {  	s18 =	sld [smem:$0x3FDB];
	_ =	sdelay $0x1  }
0x99: {  	s19 =	simm.s32 $_scs_section_size  }
0x9a: {  	s4 =	simm.s32 $_size__tile_overlayer_lowered;
	s5 =	simm.s32 $_tile_overlayer_lowered  }
0x9b: {  	s22 =	simm.s32 $0x1BFF;
	s21 =	sshll.u32 s5, $0x1;
	s2 =	sadd.s32 s19, s18  }
0x9c: {  	s6 =	simm.s32 $0x0;
	s20 =	sshll.u32 s4, $0x1;
	s4 =	sadd.s32 s21, s2  }
0x9d: {  	[timem:s6], [sflag:s22] =	dma.local [hbm:s4], s20  }
0x9e: {  	_ =	swait.ge [sflag:s22], s20  }
0x9f: {  	s3 =	ssub.s32 $0x0, s20;
	[sflag:s22] =	ssyncset.done $0x0  }
0xa0: {  	[sflag:s22] =	ssyncadd.s32 s3;
	_ =	sdelay $0x1  }
0xa1: {  	s23 =	simm.s32 $0x1B8B  }
0xa2: {  	_ =	swait.ge [sflag:s23], $0x1  }
0xa3: {  	[sflag:s23] =	ssyncset.done $0x0  }
0xa4: {  	s25 =	simm.s32 $0x1B8E;
	s24 =	sld [smem:$0x3FFE];
	[sflag:s23] =	ssyncadd.s32 $0xFFFFFFFF  }
0xa5: {  	s26 =	simm.s32 $execute0_lowered;
	[smem:$0x3FD2] =	sst s25  }
0xa6: {  	s4 =	sshll.u32 s26, $0x1;
	_ =	strace $0x8000004F;
	[dreg:$0x1] =	wrdreg $0xFFFFFFFF  }
0xa7: {  	s28 =	simm.s32 $_size_execute0_lowered;
	s2 =	sadd.s32 s2, s4;
	[dreg:$0x0] =	wrdreg $0x0  }
0xa8: {  	s4 =	sshll.u32 s28, $0x1;
	[dreg:$0x2] =	wrdreg s2  }
0xa9: {  	[dreg:$0x3] =	wrdreg s4  }
0xaa: {  	[dreg:$0x4] =	wrdreg $0xC0  }
0xab: {  	_ =	task [dreg:s6], $0x5FFFF  }
0xac: {  	[dreg:$0x1] =	wrdreg $0xFFFFFFFF  }
0xad: {  	[dreg:$0x0] =	wrdreg $0x60  }
0xae: {  	[dreg:$0x2] =	wrdreg s24  }
0xaf: {  	[dreg:$0x3] =	wrdreg $0x78000  }
0xb0: {  	[dreg:$0x4] =	wrdreg $0x9  }
0xb1: {  	_ =	task.clear_ibuf [dreg:s6], $0x5FFFF;
	_ =	strace $0x9000004F  }
0xb2: {  	s29 =	simm.s32 $0x9;
	_ =	strace $0x80000051  }
0xb3: {  	_ =	swait.ge [sflag:s29], $0x1  }
0xb4: {  	[sflag:s29] =	ssyncadd.s32 $0xFFFFFFFF  }
0xb5: {  	_ =	strace $0x90000051  }
0xb6: {  	_ =	sfence  }
0xb7: {  	s30 =	sld [smem:$0x0];
	_ =	sdelay $0x2  }
0xb8: {  	s31 =	sshll.u32 s1, $0xD;
	s1 =	sshrl.u32 s1, $0x2  }
0xb9: {  	s3 =	sand.u32 $0x4000, s31;
	s1 =	sadd.s32 s1, s30  }
0xba: {  	s0 =	sor.u32 s3, s0;
	s1 =	sshll.u32 s1, $0x11  }
0xbb: {  	s0 =	sor.u32 s1, s0  }
0xbc: {  	s0 =	sadd.s32 $0x8F2B, s0  }
0xbd: {  	[sflag:s0] =	ssyncadd.remote.s32 $0x1  }
0xbe: {  	_ =	sfence.sel $0xFFFF  }
0xbf: {  	[dreg:$0x0] =	wrdreg $0xFFFFFFFF;
	(pc) =	sbr.abs _section_cstart, $3  }
0xc0: {  	[dreg:$0x1] =	wrdreg $0xFFFFFFFF  }
0xc1: {  	_ =	task.clear_ibuf [dreg:s6], $0x2FFFF;
	_ =	strace $0x9FFFFFFF  }
0xc2: {  	(tm) =	ssettm $0x7FFFFFFF  }
0xc3: {  	_ =	shalt  }
tec
execute0_lowered:
.L_overlay_start_1:
0x0: {  	(tag) =	ssettag $0x1  }
0x1: {  	s6 =	rddreg [dreg:$0x0]  }
0x2: {  	s0 =	srdreg.scid;
	s2 =	rddreg [dreg:$0x1]  }
0x3: {  	s3 =	simm.s32 $0x0;
	s14 =	simm.s32 $0x5800;
	s15 =	simm.s32 $0x1  }
0x4: {  	s16 =	simm.s32 $0x2C00;
	s5 =	sand.u32 $0x1, s0;
	s0 =	stileid.u32  }
0x5: {  	s17 =	simm.s32 $0x80;
	s20 =	simm.s32 $0x0;
	s8 =	smul.u32 $0xA000, s0  }
0x6: {  	[smem:$0x7FF] =	sst s3;
	s4 =	sadd.s32 $0x1AE00, s6;
	s9 =	smul.u32 $0xA0000, s5  }
0x7: {  	s1 =	sshll.u32 s5, $0x4;
	s10 =	smul.u32 $0x28000, s0;
	s5 =	ssub.s32 $0x2, s5  }
0x8: {  	s18 =	sshll.u32 s0, $0x6;
	s1 =	sor.u32 s0, s1;
	s31 =	sshrl.u32 s5, $0x1  }
0x9: {  	s18 =	sor.u32 $0x1C01, s18;
	s7 =	smul.u32 $0x580, s1;
	s1 =	rddreg [dreg:$0x2]  }
0xa: {  	_ =	strace $0x80000050;
	s29 =	sadd.s32 s8, s9;
	s30 =	sshrl.u32 s10, $0x2  }
0xb: {  	s13 =	ssub.s32 s5, s31;
	s5 =	sadd.s32 s8, s2;
	s9 =	sadd.s32 s30, s2  }
0xc: {  	s13 =	smax.u32 s13, $0x1;
	s11 =	sadd.s32 s7, s6;
	s7 =	sshrl.u32 s29, $0x3  }
0xd: {  	s19 =	sshrl.u32 s5, $0x3;
	s8 =	sadd.s32 $0x6000, s9;
	s12 =	sadd.s32 s7, s6  }
0xe: {  	s6 =	sadd.s32 $0x2000, s9;
	s7 =	sadd.s32 $0x4000, s9;
	s9 =	sadd.s32 $0x8000, s9  }
0xf: {  	v0 =	vimm.f32 $0.0e+00;
	s10 =	sadd.s32 $0xFE00, s11;
	s11 =	sadd.s32 $0x4200, s11;
	s12 =	sadd.s32 $0x2EE00, s12  }
.LBB2_1:
0x10: {  	s21 =	simm.s32 $0x10;
	s22 =	sand.u32 $0x1FF0, s3  }
.LBB2_2:
0x11: {  	p0 =	sne.s32 s21, $0x1FF0;
	[tilespmem:s22+$0x5800] =	vst v0;
	s22 =	smov.u32 s21;
	s21 =	sadd.s32 $0x10, s21  }
.Ltmp0:
0x12: {  	(pc) =	sbr.rel @p0 .LBB2_2-.Ltmp0, $2  }
0x13: {  	_ =	sdelay $0x2  }
0x14: {  	s22 =	sand.u32 $0x1FF0, s22  }
0x15: {  	[tilespmem:s22+$0x5800] =	vst v0  }
0x16: {  	[spmem:s5] =	stream.linear.scatter [tilespmem:s14], [sflag:$0x1], $0x2000, $0x38;
	[tilespmem:$0x11800] =	vst v63  }
0x17: {  	_ =	swait.ge [sflag:s15], $0x2000  }
0x18: {  	[sflag:s15] =	ssyncset.done $0x0  }
0x19: {  	[sflag:s15] =	ssyncadd.s32 $0xFFFFE000  }
0x1a: {  	[spmem:s6] =	stream.linear.scatter [tilespmem:s14], [sflag:$0x1], $0x2000, $0x38;
	[tilespmem:$0x11800] =	vst v63  }
0x1b: {  	_ =	swait.ge [sflag:s15], $0x2000  }
0x1c: {  	[sflag:s15] =	ssyncset.done $0x0  }
0x1d: {  	[sflag:s15] =	ssyncadd.s32 $0xFFFFE000  }
0x1e: {  	[spmem:s7] =	stream.linear.scatter [tilespmem:s14], [sflag:$0x1], $0x2000, $0x38;
	[tilespmem:$0x11800] =	vst v63  }
0x1f: {  	_ =	swait.ge [sflag:s15], $0x2000  }
0x20: {  	[sflag:s15] =	ssyncset.done $0x0  }
0x21: {  	[sflag:s15] =	ssyncadd.s32 $0xFFFFE000  }
0x22: {  	[spmem:s8] =	stream.linear.scatter [tilespmem:s14], [sflag:$0x1], $0x2000, $0x38;
	[tilespmem:$0x11800] =	vst v63  }
0x23: {  	_ =	swait.ge [sflag:s15], $0x2000  }
0x24: {  	[sflag:s15] =	ssyncset.done $0x0  }
0x25: {  	[sflag:s15] =	ssyncadd.s32 $0xFFFFE000  }
0x26: {  	[spmem:s9] =	stream.linear.scatter [tilespmem:s14], [sflag:$0x1], $0x2000, $0x38;
	[tilespmem:$0x11800] =	vst v63  }
0x27: {  	_ =	swait.ge [sflag:s15], $0x2000  }
0x28: {  	[sflag:s15] =	ssyncset.done $0x0  }
0x29: {  	[sflag:s15] =	ssyncadd.s32 $0xFFFFE000  }
0x2a: {  	s21 =	simm.s32 $0x0;
	[bflag:$0x0] =	sbarrier.arrive $0xFFFF  }
0x2b: {  	[tilespmem:s21], [sflag:$0x1] =	stream.linear.gather [hbm4b:s10+s21], $0x2C00, $0x38;
	[tilespmem:$0x11800] =	vst v63  }
0x2c: {  	_ =	swait.ge [sflag:s15], $0x2C00  }
0x2d: {  	[sflag:s15] =	ssyncset.done $0x0  }
0x2e: {  	[sflag:s15] =	ssyncadd.s32 $0xFFFFD400  }
0x2f: {  	[tilespmem:s16], [sflag:$0x1] =	stream.linear.gather [hbm4b:s11+s21], $0x2C00, $0x38;
	[tilespmem:$0x11800] =	vst v63  }
0x30: {  	_ =	swait.ge [sflag:s15], $0x2C00  }
0x31: {  	[sflag:s15] =	ssyncset.done $0x0  }
0x32: {  	s30 =	simm.s32 $0x0;
	[sflag:s15] =	ssyncadd.s32 $0xFFFFD400  }
0x33: {  	[tilespmem:s14], [sflag:$0x1] =	stream.indirect.gather [hbm4b:s4+s17], $0x40, s30, s17, $0xb8;
	[tilespmem:$0x11800] =	vst v63  }
0x34: {  	_ =	swait.ge [sflag:s15], $0x2000  }
0x35: {  	[sflag:s15] =	ssyncset.done $0x0  }
0x36: {  	s31 =	simm.s32 $0x2C00;
	[sflag:s15] =	ssyncadd.s32 $0xFFFFE000  }
0x37: {  	[spmem:s2] =	stream.indirect.scatter.add.f32 [tilespmem:s14], [sflag:$0x1], $0x40, s31, s17, $0xb8;
	[tilespmem:$0x11800] =	vst v63  }
0x38: {  	_ =	swait.ge [sflag:s15], $0x2000  }
0x39: {  	s22 =	simm.s32 $0x400;
	s21 =	simm.s32 $0x200;
	[sflag:s15] =	ssyncset.done $0x0  }
.LBB2_4:
0x3a: {  	s23 =	sshra.s32 s21, $0x2  }
0x3b: {  	[sflag:s15] =	ssyncadd.s32 $0xFFFFE000;
	s21 =	smov.u32 s22;
	s24 =	sadd.s32 $0x200, s22  }
0x3c: {  	[tilespmem:s14], [sflag:$0x1] =	stream.indirect.gather [hbm4b:s4+s17], $0x40, s23, s17, $0xb8;
	[tilespmem:$0x11800] =	vst v63  }
0x3d: {  	p0 =	sne.s32 s22, $0xAE00;
	_ =	swait.ge [sflag:s15], $0x2000  }
.Ltmp1:
0x3e: {  	[sflag:s15] =	ssyncset.done $0x0;
	(pc) =	sbr.rel @p0 .LBB2_4-.Ltmp1, $4  }
0x3f: {  	s22 =	sadd.s32 $0x2C00, s23;
	[sflag:s15] =	ssyncadd.s32 $0xFFFFE000  }
0x40: {  	[spmem:s2] =	stream.indirect.scatter.add.f32 [tilespmem:s14], [sflag:$0x1], $0x40, s22, s17, $0xb8;
	[tilespmem:$0x11800] =	vst v63  }
0x41: {  	_ =	swait.ge [sflag:s15], $0x2000  }
0x42: {  	s22 =	smov.u32 s24;
	[sflag:s15] =	ssyncset.done $0x0  }
0x43: {  	s21 =	sshra.s32 s21, $0x2;
	[sflag:s15] =	ssyncadd.s32 $0xFFFFE000  }
0x44: {  	[tilespmem:s14], [sflag:$0x1] =	stream.indirect.gather [hbm4b:s4+s17], $0x40, s21, s17, $0xb8;
	[tilespmem:$0x11800] =	vst v63  }
0x45: {  	_ =	swait.ge [sflag:s15], $0x2000  }
0x46: {  	[sflag:s15] =	ssyncset.done $0x0  }
0x47: {  	s21 =	sadd.s32 $0x2C00, s21;
	[sflag:s15] =	ssyncadd.s32 $0xFFFFE000  }
0x48: {  	[spmem:s2] =	stream.indirect.scatter.add.f32 [tilespmem:s14], [sflag:$0x1], $0x40, s21, s17, $0xb8;
	[tilespmem:$0x11800] =	vst v63  }
0x49: {  	_ =	swait.ge [sflag:s15], $0x2000  }
0x4a: {  	s20 =	sadd.s32 $0x1, s20;
	[sflag:s15] =	ssyncset.done $0x0  }
0x4b: {  	p0 =	sne.s32 s20, s13;
	[sflag:s15] =	ssyncadd.s32 $0xFFFFE000  }
.Ltmp2:
0x4c: {  	[bflag:$0x0] =	sbarrier.arrive $0xFFFF;
	(pc) =	sbr.rel @p0 .LBB2_1-.Ltmp2, $4  }
0x4d: {  	[hbm:s12], [sflag:s18] =	dma.local [spmem:s19], $0x1400  }
0x4e: {  	_ =	swait.ge [sflag:s15], $0x1400  }
0x4f: {  	[sflag:s15] =	ssyncset.done $0x0  }
0x50: {  	[sflag:s15] =	ssyncadd.s32 $0xFFFFEC00  }
0x51: {  	_ =	sfence.sel $0x180000  }
0x52: {  	[bflag:$0x0] =	sbarrier.arrive $0xFFFF  }
0x53: {  	p0 =	sne.s32 s0, $0x0;
	_ =	strace $0x90000050  }
0x54: {  	s0 =	sadd.s32 @!p0 $0x100000, s1;
	[bflag:$0x2] =	sbarrier.arrive $0xFFFF  }
0x55: {  	[sflag:s0] =	ssyncadd.tile.s32 @!p0 $0x1;
	_ =	shalt  }
.Lfunc_end2:
_tile_overlayer_lowered:
.L_overlay_start_2:
0x56: {  	(tag) =	ssettag $0x2  }
0x57: {  	s0 =	rddreg [dreg:$0x0];
	s2 =	stileid.u32  }
0x58: {  	s1 =	rddreg [dreg:$0x1];
	p0 =	sne.s32 s2, $0x0  }
0x59: {  	s3 =	rddreg [dreg:$0x2];
	[bflag:$0x3] =	sbarrier.arrive $0xFFFF;
	s2 =	simm.s32 @!p0 $0x1C01  }
0x5a: {  	[timem:s3], [sflag:s2] =	dma.local @!p0 [hbm:s0], s1  }
0x5b: {  	s0 =	simm.s32 @!p0 $0x1  }
0x5c: {  	_ =	swait.ge @!p0 [sflag:s0], s1  }
0x5d: {  	s1 =	ssub.s32 @!p0 $0x0, s1;
	[sflag:s0] =	ssyncset.done @!p0 $0x0  }
0x5e: {  	[sflag:s0] =	ssyncadd.s32 @!p0 s1  }
0x5f: {  	[bflag:$0x3] =	sbarrier.arrive $0xFFFF  }
0x60: {  	_ =	shalt  }

// kernel: kernel.24.cloned.1.call-start
scs
__scs_entry_jumppad:
0x0: {  	(pc) =	sbr.rel $0x88, $3  }
0x1: {  	(tag) =	ssettag $0x0;
	lr =	simm.s32 $0x1  }
0x2: {  	[smem:$0x3F90] =	sst lr;
	_ =	strace $0xD0000000  }
0x3: {  	_ = 	snop  }
0x4: {  	_ = 	snop  }
0x5: {  	_ = 	snop  }
0x6: {  	_ = 	snop  }
0x7: {  	_ = 	snop  }
__scs_overlays_trampoline_lowered:
0x8: {  	[smem:$0x3F9F] =	sst s0  }
0x9: {  	[smem:$0x3FA0] =	sst s1  }
0xa: {  	[smem:$0x3FA1] =	sst s2  }
0xb: {  	[smem:$0x3FA2] =	sst s3  }
0xc: {  	[smem:$0x3FA3] =	sst s4  }
0xd: {  	[smem:$0x3FA4] =	sst s5  }
0xe: {  	[smem:$0x3FA5] =	sst s6  }
0xf: {  	[smem:$0x3FA6] =	sst s7  }
0x10: {  	[smem:$0x3FA7] =	sst s8  }
0x11: {  	[smem:$0x3FA8] =	sst s9;
	s0 =	simm.s32 @!p0 $0x0  }
0x12: {  	s1 =	sld [smem:$0x3F8E];
	s0 =	simm.s32 @p0 $0x1  }
0x13: {  	[smem:$0x3FA9] =	sst s0;
	s0 =	simm.s32 @!p1 $0x0  }
0x14: {  	s2 =	sld [smem:$0x3F8D];
	s0 =	simm.s32 @p1 $0x1  }
0x15: {  	[smem:$0x3FAA] =	sst s0;
	s0 =	simm.s32 @!p2 $0x0  }
0x16: {  	s3 =	sld [smem:$0x3FDB];
	s0 =	simm.s32 @p2 $0x1  }
0x17: {  	s4 =	simm.s32 $0x1BF5;
	[smem:$0x3FAC] =	sst s0  }
0x18: {  	s0 =	sld [smem:$0x3F8F];
	_ =	swait.ge [sflag:s4], $0x0  }
0x19: {  	s7 =	sld [smem:$0x3F90]  }
0x1a: {  	s8 =	sadd.s32 $0xFFFFE003, lr  }
0x1b: {  	s9 =	sadd.s32 $0xFFFFFEF7, lr;
	s5 =	simm.s32 $0xFFFFFFFF;
	p2 =	slt.u32 s8, $0xFFFFF086  }
0x1c: {  	p1 =	slt.u32 s9, $0xF7A;
	s5 =	simm.s32 @!p2 $0x0  }
0x1d: {  	s5 =	simm.s32 @p1 $0x1;
	p0 =	seq.s32 s7, s2  }
0x1e: {  	s7 =	smul.u32 @!p0 $0xF7A, s2;
	p2 =	seq.s32 @!p0 s5, $0x0  }
0x1f: {  	s9 =	smul.u32 $0xF7A, s1;
	s8 =	simm.s32 @!p0 $0x1BF5;
	p2 =	por !p2, p0  }
0x20: {  	[sflag:s8] =	ssyncset.s32 @!p0 $0xFFFFF086;
	s6 =	sadd.s32 @!p0 s3, s7;
	s7 =	simm.s32 @!p0 $0x108  }
0x21: {  	s3 =	sadd.s32 s3, s9;
	s6 =	sadd.s32 @!p0 $0x88, s6;
	s7 =	simm.s32 @p2 $0x1082  }
0x22: {  	[simem:s7], [sflag:s8] =	dma.local @!p0 [hbm:s6], $0xF7A  }
0x23: {  	s9 =	sor.u32 $0xD0000000, s2;
	s6 =	simm.s32 $0x108;
	_ =	swait.ge @!p0 [sflag:s8], $0x0  }
0x24: {  	s3 =	sadd.s32 $0x88, s3;
	s6 =	simm.s32 @!p1 $0x1082;
	[sflag:s4] =	ssyncset.s32 $0xFFFFF086  }
0x25: {  	[simem:s6], [sflag:s4] =	dma.local [hbm:s3], $0xF7A  }
0x26: {  	[smem:$0x3F90] =	sst s1;
	(tag) =	ssettag s2;
	_ =	strace s9  }
0x27: {  	s1 =	sld [smem:$0x3FA0]  }
0x28: {  	s2 =	sld [smem:$0x3FA1]  }
0x29: {  	s4 =	sld [smem:$0x3FA3]  }
0x2a: {  	p0 =	seq.s32 s5, $0x0;
	s5 =	sld [smem:$0x3FA4]  }
0x2b: {  	s6 =	sld [smem:$0x3FA5]  }
0x2c: {  	s7 =	sld [smem:$0x3FA6]  }
0x2d: {  	s3 =	simm.s32 $0x108;
	s8 =	sld [smem:$0x3FA7]  }
0x2e: {  	s3 =	simm.s32 @!p0 $0x1082;
	s9 =	sld [smem:$0x3FA8]  }
0x2f: {  	lr =	sadd.s32 s0, s3;
	s0 =	sld [smem:$0x3F9F]  }
0x30: {  	s3 =	sld [smem:$0x3FA2]  }
0x31: {  	[smem:$0x3FAB] =	sst s10  }
0x32: {  	s10 =	sld [smem:$0x3FA9];
	_ =	sdelay $0x3  }
0x33: {  	p0 =	seq.s32 s10, $0x1;
	s10 =	sld [smem:$0x3FAB];
	_ =	sdelay $0x3  }
0x34: {  	[smem:$0x3FAB] =	sst s10  }
0x35: {  	s10 =	sld [smem:$0x3FAA];
	_ =	sdelay $0x3  }
0x36: {  	p1 =	seq.s32 s10, $0x1;
	s10 =	sld [smem:$0x3FAB];
	_ =	sdelay $0x3  }
0x37: {  	[smem:$0x3FAB] =	sst s10  }
0x38: {  	s10 =	sld [smem:$0x3FAC]  }
0x39: {  	_ = 	snop;
	(pc) =	sbr.ind lr, $3  }
0x3a: {  	_ = 	snop  }
0x3b: {  	_ = 	snop  }
0x3c: {  	p2 =	seq.s32 s10, $0x1;
	s10 =	sld [smem:$0x3FAB]  }
0x3d: {  	_ =	shalt  }
0x3e: {  	_ =	shalt  }
0x3f: {  	_ =	shalt  }
0x40: {  	_ =	shalt  }
0x41: {  	_ =	shalt  }
0x42: {  	_ =	shalt  }
0x43: {  	_ =	shalt  }
0x44: {  	_ =	shalt  }
0x45: {  	_ =	shalt  }
0x46: {  	_ =	shalt  }
0x47: {  	_ =	shalt  }
0x48: {  	_ =	shalt  }
0x49: {  	_ =	shalt  }
0x4a: {  	_ =	shalt  }
0x4b: {  	_ =	shalt  }
0x4c: {  	_ =	shalt  }
0x4d: {  	_ =	shalt  }
0x4e: {  	_ =	shalt  }
0x4f: {  	_ =	shalt  }
0x50: {  	_ =	shalt  }
0x51: {  	_ =	shalt  }
0x52: {  	_ =	shalt  }
0x53: {  	_ =	shalt  }
0x54: {  	_ =	shalt  }
0x55: {  	_ =	shalt  }
0x56: {  	_ =	shalt  }
0x57: {  	_ =	shalt  }
0x58: {  	_ =	shalt  }
0x59: {  	_ =	shalt  }
0x5a: {  	_ =	shalt  }
0x5b: {  	_ =	shalt  }
0x5c: {  	_ =	shalt  }
0x5d: {  	_ =	shalt  }
0x5e: {  	_ =	shalt  }
0x5f: {  	_ =	shalt  }
0x60: {  	_ =	shalt  }
0x61: {  	_ =	shalt  }
0x62: {  	_ =	shalt  }
0x63: {  	_ =	shalt  }
0x64: {  	_ =	shalt  }
0x65: {  	_ =	shalt  }
0x66: {  	_ =	shalt  }
0x67: {  	_ =	shalt  }
0x68: {  	_ =	shalt  }
0x69: {  	_ =	shalt  }
0x6a: {  	_ =	shalt  }
0x6b: {  	_ =	shalt  }
0x6c: {  	_ =	shalt  }
0x6d: {  	_ =	shalt  }
0x6e: {  	_ =	shalt  }
0x6f: {  	_ =	shalt  }
0x70: {  	_ =	shalt  }
0x71: {  	_ =	shalt  }
0x72: {  	_ =	shalt  }
0x73: {  	_ =	shalt  }
0x74: {  	_ =	shalt  }
0x75: {  	_ =	shalt  }
0x76: {  	_ =	shalt  }
0x77: {  	_ =	shalt  }
0x78: {  	_ =	shalt  }
0x79: {  	_ =	shalt  }
0x7a: {  	_ =	shalt  }
0x7b: {  	_ =	shalt  }
0x7c: {  	_ =	shalt  }
0x7d: {  	_ =	shalt  }
0x7e: {  	_ =	shalt  }
0x7f: {  	_ =	shalt  }
0x80: {  	_ =	shalt  }
0x81: {  	_ =	shalt  }
0x82: {  	_ =	shalt  }
0x83: {  	_ =	shalt  }
0x84: {  	_ =	shalt  }
0x85: {  	_ =	shalt  }
0x86: {  	_ =	shalt  }
0x87: {  	_ =	shalt  }
.Lfunc_end0:
.L_simem_size_0:
called_computation.4_lowered:
.L_overlay_start_0:
0x88: {  	s2 =	sld [smem:$0x3FD9]  }
0x89: {  	s3 =	sld [smem:$0x3FFE];
	_ =	sdelay $0x1  }
0x8a: {  	s1 =	srdreg.scid  }
0x8b: {  	s0 =	sand.u32 $0x1, s1  }
0x8c: {  	s16 =	sshll.u32 s0, $0xA;
	s2 =	sadd.s32 s3, s2  }
0x8d: {  	s2 =	sadd.s32 s2, s16  }
0x8e: {  	[smem:$0x3FB7] =	sst s2  }
0x8f: {  	_ = 	snop  }
0x90: {  	(tm) =	ssettm $0x1  }
0x91: {  	s17 =	sld [smem:$0x3FFB];
	_ =	sdelay $0x3  }
0x92: {  	_ =	strace s17  }
0x93: {  	s2 =	sld [smem:$0x3FFC];
	_ =	sdelay $0x3  }
0x94: {  	_ =	strace s2  }
0x95: {  	s2 =	sld [smem:$0x3FFD];
	_ =	sdelay $0x3  }
0x96: {  	_ =	strace s2  }
0x97: {  	_ =	strace $0x8FFFFFFF  }
0x98: {  	s18 =	sld [smem:$0x3FDB];
	_ =	sdelay $0x1  }
0x99: {  	s19 =	simm.s32 $_scs_section_size  }
0x9a: {  	s4 =	simm.s32 $_size__tile_overlayer_lowered;
	s5 =	simm.s32 $_tile_overlayer_lowered  }
0x9b: {  	s22 =	simm.s32 $0x1BFF;
	s21 =	sshll.u32 s5, $0x1;
	s2 =	sadd.s32 s19, s18  }
0x9c: {  	s6 =	simm.s32 $0x0;
	s20 =	sshll.u32 s4, $0x1;
	s4 =	sadd.s32 s21, s2  }
0x9d: {  	[timem:s6], [sflag:s22] =	dma.local [hbm:s4], s20  }
0x9e: {  	_ =	swait.ge [sflag:s22], s20  }
0x9f: {  	s3 =	ssub.s32 $0x0, s20;
	[sflag:s22] =	ssyncset.done $0x0  }
0xa0: {  	[sflag:s22] =	ssyncadd.s32 s3;
	_ =	sdelay $0x1  }
0xa1: {  	s23 =	simm.s32 $0x1B8B  }
0xa2: {  	_ =	swait.ge [sflag:s23], $0x1  }
0xa3: {  	[sflag:s23] =	ssyncset.done $0x0  }
0xa4: {  	s25 =	simm.s32 $0x1B8E;
	s24 =	sld [smem:$0x3FFE];
	[sflag:s23] =	ssyncadd.s32 $0xFFFFFFFF  }
0xa5: {  	s26 =	simm.s32 $execute0_lowered;
	[smem:$0x3FD2] =	sst s25  }
0xa6: {  	s4 =	sshll.u32 s26, $0x1;
	_ =	strace $0x80000052;
	[dreg:$0x1] =	wrdreg $0xFFFFFFFF  }
0xa7: {  	s28 =	simm.s32 $_size_execute0_lowered;
	s2 =	sadd.s32 s2, s4;
	[dreg:$0x0] =	wrdreg $0x0  }
0xa8: {  	s4 =	sshll.u32 s28, $0x1;
	[dreg:$0x2] =	wrdreg s2  }
0xa9: {  	[dreg:$0x3] =	wrdreg s4  }
0xaa: {  	[dreg:$0x4] =	wrdreg $0xC0  }
0xab: {  	_ =	task [dreg:s6], $0x5FFFF  }
0xac: {  	[dreg:$0x1] =	wrdreg $0xFFFFFFFF  }
0xad: {  	[dreg:$0x0] =	wrdreg $0x60  }
0xae: {  	[dreg:$0x2] =	wrdreg s24  }
0xaf: {  	[dreg:$0x3] =	wrdreg $0x71400  }
0xb0: {  	[dreg:$0x4] =	wrdreg $0x9  }
0xb1: {  	_ =	task.clear_ibuf [dreg:s6], $0x5FFFF;
	_ =	strace $0x90000052  }
0xb2: {  	s29 =	simm.s32 $0x9;
	_ =	strace $0x80000054  }
0xb3: {  	_ =	swait.ge [sflag:s29], $0x1  }
0xb4: {  	[sflag:s29] =	ssyncadd.s32 $0xFFFFFFFF  }
0xb5: {  	_ =	strace $0x90000054  }
0xb6: {  	_ =	sfence  }
0xb7: {  	s30 =	sld [smem:$0x0];
	_ =	sdelay $0x2  }
0xb8: {  	s31 =	sshll.u32 s1, $0xD;
	s1 =	sshrl.u32 s1, $0x2  }
0xb9: {  	s3 =	sand.u32 $0x4000, s31;
	s1 =	sadd.s32 s1, s30  }
0xba: {  	s0 =	sor.u32 s3, s0;
	s1 =	sshll.u32 s1, $0x11  }
0xbb: {  	s0 =	sor.u32 s1, s0  }
0xbc: {  	s0 =	sadd.s32 $0x8F2B, s0  }
0xbd: {  	[sflag:s0] =	ssyncadd.remote.s32 $0x1  }
0xbe: {  	_ =	sfence.sel $0xFFFF  }
0xbf: {  	[dreg:$0x0] =	wrdreg $0xFFFFFFFF;
	(pc) =	sbr.abs _section_cstart, $3  }
0xc0: {  	[dreg:$0x1] =	wrdreg $0xFFFFFFFF  }
0xc1: {  	_ =	task.clear_ibuf [dreg:s6], $0x2FFFF;
	_ =	strace $0x9FFFFFFF  }
0xc2: {  	(tm) =	ssettm $0x7FFFFFFF  }
0xc3: {  	_ =	shalt  }
tec
execute0_lowered:
.L_overlay_start_1:
0x0: {  	(tag) =	ssettag $0x1  }
0x1: {  	s0 =	srdreg.scid  }
0x2: {  	s4 =	rddreg [dreg:$0x0];
	s9 =	stileid.u32  }
0x3: {  	s1 =	rddreg [dreg:$0x1];
	s2 =	simm.s32 $0x0;
	s10 =	simm.s32 $0x140  }
0x4: {  	s11 =	simm.s32 $0x40;
	s12 =	simm.s32 $0x1140;
	s13 =	simm.s32 $0x80  }
0x5: {  	s14 =	simm.s32 $0x2140;
	s15 =	simm.s32 $0xC0;
	s16 =	simm.s32 $0x3140  }
0x6: {  	s17 =	simm.s32 $0x100;
	s18 =	simm.s32 $0x4140;
	s20 =	simm.s32 $0x0  }
0x7: {  	s3 =	sand.u32 $0x1, s0;
	[smem:$0x7FF] =	sst s2;
	p0 =	sne.s32 s9, $0x0  }
0x8: {  	s0 =	sshll.u32 s3, $0x4;
	s7 =	smul.u32 $0xA00, s3;
	s3 =	ssub.s32 $0x2, s3  }
0x9: {  	s19 =	sshrl.u32 @!p0 s1, $0x3;
	s5 =	sor.u32 s9, s0;
	s0 =	rddreg [dreg:$0x2]  }
0xa: {  	_ =	strace $0x80000053;
	s8 =	sshrl.u32 s3, $0x1;
	s6 =	smul.u32 $0xA00, s5  }
0xb: {  	s9 =	simm.s32 $0x1;
	s5 =	smul.u32 $0x28, s5;
	s7 =	sadd.s32 s7, s4  }
0xc: {  	s8 =	ssub.s32 s3, s8;
	s3 =	sadd.s32 $0x2000, s1;
	s7 =	sadd.s32 $0x4200, s7  }
0xd: {  	s8 =	smax.u32 s8, $0x1;
	s6 =	sadd.s32 s6, s4;
	s5 =	sadd.s32 s5, s4  }
0xe: {  	v0 =	vimm.f32 $0.0e+00;
	s4 =	sadd.s32 $0x4000, s1;
	s5 =	sadd.s32 $0x3C00, s5;
	s6 =	sadd.s32 $0xFE00, s6  }
.LBB2_1:
0xf: {  	s21 =	simm.s32 $0x10;
	s22 =	sand.u32 $0x1FF0, s2  }
.LBB2_2:
0x10: {  	p1 =	sne.s32 s21, $0x1FF0;
	[tilespmem:s22+$0x5140] =	vst v0;
	s22 =	smov.u32 s21;
	s21 =	sadd.s32 $0x10, s21  }
.Ltmp0:
0x11: {  	(pc) =	sbr.rel @p1 .LBB2_2-.Ltmp0, $2  }
0x12: {  	_ =	sdelay $0x2  }
0x13: {  	s22 =	sand.u32 $0x1FF0, s22  }
0x14: {  	[tilespmem:s22+$0x5140] =	vst v0;
	s21 =	simm.s32 @!p0 $0x5140;
	s22 =	simm.s32 @!p0 $0x1  }
0x15: {  	[spmem:s1] =	stream.linear.scatter @!p0 [tilespmem:s21], [sflag:$0x1], $0x2000, $0x38;
	[tilespmem:$0x7640] =	vst v63  }
0x16: {  	_ =	swait.ge @!p0 [sflag:s22], $0x2000  }
0x17: {  	[sflag:s22] =	ssyncset.done @!p0 $0x0  }
0x18: {  	[sflag:s22] =	ssyncadd.s32 @!p0 $0xFFFFE000  }
0x19: {  	[spmem:s3] =	stream.linear.scatter @!p0 [tilespmem:s21], [sflag:$0x1], $0x2000, $0x38;
	[tilespmem:$0x7640] =	vst v63  }
0x1a: {  	_ =	swait.ge @!p0 [sflag:s22], $0x2000  }
0x1b: {  	[sflag:s22] =	ssyncset.done @!p0 $0x0  }
0x1c: {  	[sflag:s22] =	ssyncadd.s32 @!p0 $0xFFFFE000  }
0x1d: {  	[spmem:s4] =	stream.linear.scatter @!p0 [tilespmem:s21], [sflag:$0x1], $0x1000, $0x38;
	[tilespmem:$0x7640] =	vst v63  }
0x1e: {  	_ =	swait.ge @!p0 [sflag:s22], $0x1000  }
0x1f: {  	[sflag:s22] =	ssyncset.done @!p0 $0x0  }
0x20: {  	[sflag:s22] =	ssyncadd.s32 @!p0 $0xFFFFF000  }
0x21: {  	[bflag:$0x0] =	sbarrier.arrive $0xFFFF  }
0x22: {  	[tilespmem:s2], [sflag:$0x1] =	stream.linear.gather [hbm4b:s5+s2], $0x140, $0x38;
	[tilespmem:$0x7640] =	vst v63  }
0x23: {  	_ =	swait.ge [sflag:s9], $0x140  }
0x24: {  	[sflag:s9] =	ssyncset.done $0x0  }
0x25: {  	[sflag:s9] =	ssyncadd.s32 $0xFFFFFEC0  }
0x26: {  	[tilespmem:s10], [sflag:$0x1] =	stream.linear.gather [hbm4b:s6+s2], $0x5000, $0x38;
	[tilespmem:$0x7640] =	vst v63  }
0x27: {  	_ =	swait.ge [sflag:s9], $0x5000  }
0x28: {  	[sflag:s9] =	ssyncset.done $0x0  }
0x29: {  	[sflag:s9] =	ssyncadd.s32 $0xFFFFB000  }
0x2a: {  	[spmem:s1] =	stream.indirect.scatter.add.f32 [tilespmem:s10], [sflag:$0x1], $0x40, s2, s11, $0xb8;
	[tilespmem:$0x7640] =	vst v63  }
0x2b: {  	_ =	swait.ge [sflag:s9], $0x1000  }
0x2c: {  	[sflag:s9] =	ssyncset.done $0x0  }
0x2d: {  	[sflag:s9] =	ssyncadd.s32 $0xFFFFF000  }
0x2e: {  	[spmem:s1] =	stream.indirect.scatter.add.f32 [tilespmem:s12], [sflag:$0x1], $0x40, s11, s11, $0xb8;
	[tilespmem:$0x7640] =	vst v63  }
0x2f: {  	_ =	swait.ge [sflag:s9], $0x1000  }
0x30: {  	[sflag:s9] =	ssyncset.done $0x0  }
0x31: {  	[sflag:s9] =	ssyncadd.s32 $0xFFFFF000  }
0x32: {  	[spmem:s1] =	stream.indirect.scatter.add.f32 [tilespmem:s14], [sflag:$0x1], $0x40, s13, s11, $0xb8;
	[tilespmem:$0x7640] =	vst v63  }
0x33: {  	_ =	swait.ge [sflag:s9], $0x1000  }
0x34: {  	[sflag:s9] =	ssyncset.done $0x0  }
0x35: {  	[sflag:s9] =	ssyncadd.s32 $0xFFFFF000  }
0x36: {  	[spmem:s1] =	stream.indirect.scatter.add.f32 [tilespmem:s16], [sflag:$0x1], $0x40, s15, s11, $0xb8;
	[tilespmem:$0x7640] =	vst v63  }
0x37: {  	_ =	swait.ge [sflag:s9], $0x1000  }
0x38: {  	[sflag:s9] =	ssyncset.done $0x0  }
0x39: {  	[sflag:s9] =	ssyncadd.s32 $0xFFFFF000  }
0x3a: {  	[spmem:s1] =	stream.indirect.scatter.add.f32 [tilespmem:s18], [sflag:$0x1], $0x40, s17, s11, $0xb8;
	[tilespmem:$0x7640] =	vst v63  }
0x3b: {  	_ =	swait.ge [sflag:s9], $0x1000  }
0x3c: {  	s20 =	sadd.s32 $0x1, s20;
	[sflag:s9] =	ssyncset.done $0x0  }
0x3d: {  	p1 =	sne.s32 s20, s8;
	[sflag:s9] =	ssyncadd.s32 $0xFFFFF000  }
.Ltmp1:
0x3e: {  	s21 =	simm.s32 @!p0 $0x1C01;
	[bflag:$0x0] =	sbarrier.arrive $0xFFFF;
	(pc) =	sbr.rel @p1 .LBB2_1-.Ltmp1, $4  }
0x3f: {  	[hbm:s7], [sflag:s21] =	dma.local @!p0 [spmem:s19], $0xA00  }
0x40: {  	_ =	swait.ge @!p0 [sflag:s22], $0xA00  }
0x41: {  	[sflag:s22] =	ssyncset.done @!p0 $0x0  }
0x42: {  	[sflag:s22] =	ssyncadd.s32 @!p0 $0xFFFFF600  }
0x43: {  	_ =	sfence.sel $0x180000  }
0x44: {  	[bflag:$0x0] =	sbarrier.arrive $0xFFFF  }
0x45: {  	_ =	strace $0x90000053  }
0x46: {  	s0 =	sadd.s32 @!p0 $0x100000, s0;
	[bflag:$0x2] =	sbarrier.arrive $0xFFFF  }
0x47: {  	[sflag:s0] =	ssyncadd.tile.s32 @!p0 $0x1;
	_ =	shalt  }
.Lfunc_end2:
_tile_overlayer_lowered:
.L_overlay_start_2:
0x48: {  	(tag) =	ssettag $0x2  }
0x49: {  	s0 =	rddreg [dreg:$0x0];
	s2 =	stileid.u32  }
0x4a: {  	s1 =	rddreg [dreg:$0x1];
	p0 =	sne.s32 s2, $0x0  }
0x4b: {  	s3 =	rddreg [dreg:$0x2];
	[bflag:$0x3] =	sbarrier.arrive $0xFFFF;
	s2 =	simm.s32 @!p0 $0x1C01  }
0x4c: {  	[timem:s3], [sflag:s2] =	dma.local @!p0 [hbm:s0], s1  }
0x4d: {  	s0 =	simm.s32 @!p0 $0x1  }
0x4e: {  	_ =	swait.ge @!p0 [sflag:s0], s1  }
0x4f: {  	s1 =	ssub.s32 @!p0 $0x0, s1;
	[sflag:s0] =	ssyncset.done @!p0 $0x0  }
0x50: {  	[sflag:s0] =	ssyncadd.s32 @!p0 s1  }
0x51: {  	[bflag:$0x3] =	sbarrier.arrive $0xFFFF  }
0x52: {  	_ =	shalt  }

</sc_bundles>
